<compile_context>
chip_gen: v7x
topology: tpu7x:2x2x1
jax: 0.10.2.dev20260603
libtpu: 0.0.44.dev20260713+nightly
codegen_flags: <defaults>
</compile_context>

<pallas_src>
import functools

import jax
import jax.numpy as jnp
from jax import lax
from jax.experimental import pallas as pl
from jax.experimental.pallas import tpu as pltpu
from jax.experimental.pallas import tpu_sc as plsc

D_MSA = 256
D_PAIR = 192
D_STATE = 64
D_RBF = 64
TOPK = 64
NITER = 4
L = 512
NCHI = 128



def _p_body(pairT_ref, bond_ref, wp_ref, wb_ref, out_ref):
    bond_blk = bond_ref[...]
    vals = lax.broadcasted_iota(jnp.int32, (16, 512, 8), 2)
    oh = (bond_blk[:, :, None] == vals).astype(jnp.float32)
    oh = oh.reshape(8192, 8)
    wb_all = jnp.dot(oh, wb_ref[...], preferred_element_type=jnp.float32)
    zpad = jnp.zeros((512, 64), jnp.float32)
    for k in range(16):
        e0k = lax.dot_general(pairT_ref[k], wp_ref[...],
                              (((0,), (0,)), ((), ())),
                              preferred_element_type=jnp.float32)
        e0k = e0k + wb_all[k * 512:(k + 1) * 512, :]
        out_ref[k * 512:(k + 1) * 512, :] = jnp.concatenate(
            [e0k, zpad], axis=1)


def _precompute_e0(pair2d, bond, Wp, Wb):
    return pl.pallas_call(
        _p_body,
        grid=(32,),
        in_specs=[
            pl.BlockSpec((16, 192, 512), lambda i: (i, 0, 0)),
            pl.BlockSpec((16, 512), lambda i: (i, 0)),
            pl.BlockSpec((192, 64), lambda i: (0, 0)),
            pl.BlockSpec((8, 64), lambda i: (0, 0)),
        ],
        out_specs=pl.BlockSpec((8192, 128), lambda i: (i, 0)),
        out_shape=jax.ShapeDtypeStruct((L * L, 128), jnp.float32),
    )(pair2d, bond, Wp, Wb)




def _cross(u, v):
    u0, u1, u2 = u[:, 0:1], u[:, 1:2], u[:, 2:3]
    v0, v1, v2 = v[:, 0:1], v[:, 1:2], v[:, 2:3]
    return jnp.concatenate(
        [u1 * v2 - u2 * v1, u2 * v0 - u0 * v2, u0 * v1 - u1 * v0], axis=1)


def _a_body(p_ref, caT_ref, dist_ref, msa0_ref, state_ref, ch_ref,
            wm_ref, ws_ref,
            dnbr_ref, nbr_ref, fi_ref, h_ref, gp_ref):
    h = jnp.maximum(
        jnp.dot(msa0_ref[...], wm_ref[...],
                preferred_element_type=jnp.float32)
        + jnp.dot(state_ref[...], ws_ref[...],
                  preferred_element_type=jnp.float32), 0.0)
    h_ref[...] = h

    p = p_ref[...]
    ch = ch_ref[...]
    idxs = jnp.clip(ch[:, 0:4].astype(jnp.int32), 0, L - 1)
    tgt = ch[:, 4:5]
    col = lax.broadcasted_iota(jnp.int32, (NCHI, L), 1)
    Ms = [(idxs[:, c:c + 1] == col).astype(jnp.float32) for c in range(4)]
    a, b, c_, d = [jnp.dot(M, p, preferred_element_type=jnp.float32)
                   for M in Ms]
    v1 = b - a
    v2 = c_ - a
    v3 = d - a
    n = _cross(v1, v2)
    nn = jnp.sqrt(jnp.sum(n * n, axis=1, keepdims=True))
    n3 = jnp.sqrt(jnp.sum(v3 * v3, axis=1, keepdims=True))
    Q = nn * n3 + 1e-6
    S = jnp.sum(n * v3, axis=1, keepdims=True)
    chi = S / Q
    g = 2.0 * (chi - tgt)
    ct_S = g / Q
    ct_Q = -g * S / (Q * Q)
    cn = jnp.where(nn > 0.0, ct_Q * n3 / jnp.maximum(nn, 1e-30), 0.0)
    c3 = jnp.where(n3 > 0.0, ct_Q * nn / jnp.maximum(n3, 1e-30), 0.0)
    ct_n = v3 * ct_S + cn * n
    ct_v3 = n * ct_S + c3 * v3
    ct_v1 = _cross(v2, ct_n)
    ct_v2 = _cross(ct_n, v1)
    ct_a = -(ct_v1 + ct_v2 + ct_v3)
    gp = jnp.zeros((L, 3), jnp.float32)
    for M, ct in zip(Ms, (ct_a, ct_v1, ct_v2, ct_v3)):
        gp = gp + lax.dot_general(M, ct, (((0,), (0,)), ((), ())),
                                  preferred_element_type=jnp.float32)
    gp_ref[...] = gp

    acc = jnp.zeros((L, L), jnp.float32)
    for c in range(3):
        diff = p[:, c:c + 1] - caT_ref[c:c + 1, :]
        acc = acc + diff * diff
    D = jnp.sqrt(acc) + dist_ref[...]

    colf = lax.broadcasted_iota(jnp.int32, (L, L), 1).astype(jnp.float32)
    lane64 = lax.broadcasted_iota(jnp.int32, (L, TOPK), 1)

    def body(k, carry):
        W, dn_acc, id_acc = carry
        m = jnp.min(W, axis=1, keepdims=True)
        idx = jnp.min(jnp.where(W == m, colf, 1e9), axis=1, keepdims=True)
        sel = lane64 == k
        dn_acc = jnp.where(sel, m, dn_acc)
        id_acc = jnp.where(sel, idx, id_acc)
        W = jnp.where(colf == idx, jnp.inf, W)
        return W, dn_acc, id_acc

    zero64 = jnp.zeros((L, TOPK), jnp.float32)
    _, dn_acc, id_acc = lax.fori_loop(0, TOPK, body, (D, zero64, zero64))
    nbr = id_acc.astype(jnp.int32)
    dnbr_ref[...] = dn_acc
    nbr_ref[...] = nbr
    row = lax.broadcasted_iota(jnp.int32, (L, TOPK), 0)
    fi_ref[...] = nbr + L * row


def _call_a(p, caT, dist, msa0, state, ch, Wm, Ws):
    return pl.pallas_call(
        _a_body,
        out_shape=[
            jax.ShapeDtypeStruct((L, TOPK), jnp.float32),
            jax.ShapeDtypeStruct((L, TOPK), jnp.int32),
            jax.ShapeDtypeStruct((L, TOPK), jnp.int32),
            jax.ShapeDtypeStruct((L, D_STATE), jnp.float32),
            jax.ShapeDtypeStruct((L, 3), jnp.float32),
        ],
    )(p, caT, dist, msa0, state, ch, Wm, Ws)




def _sc_gather_e0(e0, fi):
    info = plsc.get_sparse_core_info()
    nw = info.num_cores * info.num_subcores
    rows = L * TOPK
    per_w = rows // nw
    mesh = plsc.VectorSubcoreMesh(core_axis_name="c", subcore_axis_name="s")

    @functools.partial(
        pl.kernel, mesh=mesh,
        out_type=jax.ShapeDtypeStruct((rows, 128), jnp.float32),
        scratch_types=[
            pltpu.VMEM((per_w,), jnp.int32),
            pltpu.VMEM((256, 128), jnp.float32),
            pltpu.VMEM((256, 128), jnp.float32),
            pltpu.SemaphoreType.DMA,
            pltpu.SemaphoreType.DMA,
            pltpu.SemaphoreType.DMA,
        ],
    )
    def gk(e0_hbm, fi_hbm, out_hbm, idx_v, buf_a, buf_b,
           sem_g, sem_wa, sem_wb):
        wid = lax.axis_index("s") * info.num_cores + lax.axis_index("c")
        base = wid * per_w
        pltpu.sync_copy(fi_hbm.at[pl.ds(base, per_w)], idx_v)
        bufs = (buf_a, buf_b)
        wsems = (sem_wa, sem_wb)
        for r in range(4):
            buf = bufs[r % 2]
            if r >= 2:
                pltpu.make_async_copy(
                    buf,
                    out_hbm.at[pl.ds(base + (r - 2) * 256, 256)],
                    wsems[r % 2]).wait()
            g1 = pltpu.make_async_copy(
                e0_hbm.at[idx_v.at[pl.ds(r * 256, 128)]],
                buf.at[pl.ds(0, 128)], sem_g)
            g2 = pltpu.make_async_copy(
                e0_hbm.at[idx_v.at[pl.ds(r * 256 + 128, 128)]],
                buf.at[pl.ds(128, 128)], sem_g)
            g1.start()
            g2.start()
            g1.wait()
            g2.wait()
            pltpu.make_async_copy(
                buf,
                out_hbm.at[pl.ds(base + r * 256, 256)],
                wsems[r % 2]).start()
        for r in (2, 3):
            pltpu.make_async_copy(
                bufs[r % 2],
                out_hbm.at[pl.ds(base + r * 256, 256)],
                wsems[r % 2]).wait()

    return gk(e0, fi)



_RB = 64
_GRID_B = L // _RB


def _b_body(e0g_ref, dnbr_ref, nbr_ref, h_ref, xyz9_ref, gp_ref, mu_ref,
            wr_ref, wmsg_ref, wup_ref, wxyz_ref, walpha_ref,
            xyz9n_ref, hnew_ref, alpha_ref):
    nrows = _RB * TOPK
    dn3 = dnbr_ref[...][:, :, None]
    mu3 = mu_ref[...][None, :, :]
    rb = jnp.exp(-((dn3 - mu3) ** 2) / (2.0 * (20.0 / D_RBF) ** 2))
    rb = rb.reshape(nrows, D_RBF)
    e_r = jnp.dot(rb, wr_ref[...], preferred_element_type=jnp.float32)
    e = jnp.maximum(e0g_ref[:, 0:64] + e_r, 0.0)

    pid = pl.program_id(0)
    h_all = h_ref[...]
    h_blk = h_ref[pl.ds(pid * _RB, _RB), :]
    w1 = wmsg_ref[0:64, :]
    w2 = wmsg_ref[64:128, :]
    w3 = wmsg_ref[128:192, :]
    nbr_blk = nbr_ref[...]
    jota = lax.broadcasted_iota(jnp.int32, (_RB, TOPK, L), 2)
    OH = (nbr_blk[:, :, None] == jota).astype(jnp.float32).reshape(nrows, L)
    hw2 = jnp.dot(h_all, w2, preferred_element_type=jnp.float32)
    hjw = jnp.dot(OH, hw2, preferred_element_type=jnp.float32)
    r_row = lax.broadcasted_iota(jnp.int32, (nrows, _RB), 0)
    r_col = lax.broadcasted_iota(jnp.int32, (nrows, _RB), 1)
    R = ((r_row // TOPK) == r_col).astype(jnp.float32)
    hiw = jnp.dot(R, jnp.dot(h_blk, w1, preferred_element_type=jnp.float32),
                  preferred_element_type=jnp.float32)
    msg = jnp.maximum(
        hiw + hjw
        + jnp.dot(e, w3, preferred_element_type=jnp.float32), 0.0)
    agg = lax.dot_general(R, msg, (((0,), (0,)), ((), ())),
                          preferred_element_type=jnp.float32) * (1.0 / TOPK)

    h_new = jnp.maximum(
        jnp.dot(h_blk, wup_ref[0:64, :], preferred_element_type=jnp.float32)
        + jnp.dot(agg, wup_ref[64:128, :],
                  preferred_element_type=jnp.float32), 0.0)
    hnew_ref[...] = h_new

    vec = jnp.dot(h_new, wxyz_ref[...], preferred_element_type=jnp.float32)
    v0 = vec[:, 0:3]
    gp = gp_ref[...]
    upd = jnp.concatenate([v0, v0 + gp, v0], axis=1)
    xyz9n_ref[...] = xyz9_ref[...] + 0.1 * upd

    alpha = jnp.dot(h_new, walpha_ref[...], preferred_element_type=jnp.float32)
    a_row = lax.broadcasted_iota(jnp.int32, (20, 10), 0)
    a_col = lax.broadcasted_iota(jnp.int32, (20, 10), 1)
    PM = ((a_row // 2) == a_col).astype(jnp.float32)
    ps = jnp.dot(alpha * alpha, PM, preferred_element_type=jnp.float32)
    inv = 1.0 / (jnp.sqrt(ps) + 1e-6)
    inv20 = lax.dot_general(inv, PM, (((1,), (1,)), ((), ())),
                            preferred_element_type=jnp.float32)
    alpha_ref[...] = alpha * inv20


def _call_b(e0g, dnbr, nbr, h, xyz9, gp, mu, Wr, Wmsg, Wup, Wxyz, Walpha):
    return pl.pallas_call(
        _b_body,
        grid=(_GRID_B,),
        in_specs=[
            pl.BlockSpec((_RB * TOPK, 128), lambda i: (i, 0)),
            pl.BlockSpec((_RB, TOPK), lambda i: (i, 0)),
            pl.BlockSpec((_RB, TOPK), lambda i: (i, 0)),
            pl.BlockSpec((L, D_STATE), lambda i: (0, 0)),
            pl.BlockSpec((_RB, 9), lambda i: (i, 0)),
            pl.BlockSpec((_RB, 3), lambda i: (i, 0)),
            pl.BlockSpec((1, D_RBF), lambda i: (0, 0)),
            pl.BlockSpec((D_RBF, 64), lambda i: (0, 0)),
            pl.BlockSpec((192, 64), lambda i: (0, 0)),
            pl.BlockSpec((128, 64), lambda i: (0, 0)),
            pl.BlockSpec((64, 6), lambda i: (0, 0)),
            pl.BlockSpec((64, 20), lambda i: (0, 0)),
        ],
        out_specs=[
            pl.BlockSpec((_RB, 9), lambda i: (i, 0)),
            pl.BlockSpec((_RB, D_STATE), lambda i: (i, 0)),
            pl.BlockSpec((_RB, 20), lambda i: (i, 0)),
        ],
        out_shape=[
            jax.ShapeDtypeStruct((L, 9), jnp.float32),
            jax.ShapeDtypeStruct((L, D_STATE), jnp.float32),
            jax.ShapeDtypeStruct((L, 20), jnp.float32),
        ],
    )(e0g, dnbr, nbr, h, xyz9, gp, mu, Wr, Wmsg, Wup, Wxyz, Walpha)




def kernel(msa, pair, xyz, state, idx, is_atom, bond_feats, dist_matrix,
           atom_frames, chirals, Wm, Ws, Wp, Wr, Wb, Wmsg, Wup, Wxyz,
           Walpha, Wquat):
    msa0 = msa[0, 0].astype(jnp.float32)
    pairT = jnp.transpose(pair[0].astype(jnp.float32), (0, 2, 1))
    bond = bond_feats[0].astype(jnp.int32)
    dist = dist_matrix[0].astype(jnp.float32)
    ch = chirals[0].astype(jnp.float32)
    st = state[0].astype(jnp.float32)
    xyz9 = xyz[0].astype(jnp.float32).reshape(L, 9)
    mu = jnp.linspace(0.0, 20.0, D_RBF).reshape(1, D_RBF)

    e0 = _precompute_e0(pairT, bond, Wp, Wb)

    xyzs = []
    alphas = []
    for _ in range(NITER):
        p = xyz9[:, 3:6]
        caT = p.T
        dnbr, nbr, fi, h, gp = _call_a(p, caT, dist, msa0, st, ch, Wm, Ws)
        e0g = _sc_gather_e0(e0, fi.reshape(-1))
        xyz9, st, alpha = _call_b(e0g, dnbr, nbr, h, xyz9, gp, mu,
                                  Wr, Wmsg, Wup, Wxyz, Walpha)
        xyzs.append(xyz9.reshape(1, L, 3, 3))
        alphas.append(alpha.reshape(1, L, 10, 2))

    return (jnp.stack(xyzs, 0), st[None], jnp.stack(alphas, 0))

# --- scband reference (transcript-rebuilt; emitter-appended) ---
"""Pipeline reference for scband-legacy-refiner-55851754717717 (READ-ONLY COPY).

The authoritative reference and input builder live on the scoring server;
editing this copy changes nothing except your own understanding.
"""

import jax, jax.numpy as jnp
import numpy as np

D_MSA = 256; D_PAIR = 192; D_STATE = 64; D_RBF = 64; TOPK = 64; NITER = 4
B = 1; NSEQ = 8; L = 512; NCHI = 128


def _rbf(d):
    mu = jnp.linspace(0.0, 20.0, D_RBF)
    sigma = 20.0 / D_RBF
    return jnp.exp(-((d[..., None] - mu) ** 2) / (2.0 * sigma ** 2))


def calc_chiral_grads(xyz, chirals):
    Lr = xyz.shape[1]
    idx4 = jnp.clip(chirals[..., :4].astype(jnp.int32), 0, Lr - 1)
    tgt = chirals[..., 4]
    def loss_fn(x):
        p = x[:, :, 1, :]
        def per_b(pb, ib, tb):
            a = pb[ib[:, 0]]; b = pb[ib[:, 1]]; c = pb[ib[:, 2]]; d = pb[ib[:, 3]]
            v1 = b - a; v2 = c - a; v3 = d - a
            n = jnp.cross(v1, v2)
            chi = jnp.sum(n * v3, -1) / (jnp.linalg.norm(n, axis=-1) * jnp.linalg.norm(v3, axis=-1) + 1e-6)
            return jnp.sum((chi - tb) ** 2)
        return jnp.sum(jax.vmap(per_b)(p, idx4, tgt))
    return (jax.grad(loss_fn)(xyz),)


def _str2str(msa, pair, xyz, state, bond_feats, dist_matrix, extra_l1, params):
    Wm, Ws, Wp, Wr, Wb, Wmsg, Wup, Wxyz, Walpha, Wquat = params
    Bb, Lr = state.shape[0], state.shape[1]
    h = jax.nn.relu(msa[:, 0] @ Wm + state @ Ws)
    ca = xyz[:, :, 1, :]
    D = jnp.linalg.norm(ca[:, :, None, :] - ca[:, None, :, :], axis=-1) + dist_matrix
    negv, nbr = jax.lax.top_k(-D, TOPK)
    dnbr = -negv
    h_j = jax.vmap(lambda hb, nb: hb[nb])(h, nbr)
    pair_g = jax.vmap(lambda pb, nb: jnp.take_along_axis(pb, nb[:, :, None], axis=1))(pair, nbr)
    bond_g = jax.vmap(lambda bb, nb: jnp.take_along_axis(bb, nb, axis=1))(bond_feats, nbr)
    e = jax.nn.relu(pair_g @ Wp + _rbf(dnbr) @ Wr + Wb[bond_g])
    h_i = jnp.broadcast_to(h[:, :, None, :], h_j.shape)
    msg = jax.nn.relu(jnp.concatenate([h_i, h_j, e], -1) @ Wmsg)
    agg = jnp.mean(msg, axis=2)
    h_new = jax.nn.relu(jnp.concatenate([h, agg], -1) @ Wup)
    vec = (h_new @ Wxyz).reshape(Bb, Lr, 2, 3)
    xyz_new = xyz + 0.1 * vec[:, :, 0:1, :] + 0.1 * extra_l1[None]
    alpha = (h_new @ Walpha).reshape(Bb, Lr, 10, 2)
    alpha = alpha / (jnp.linalg.norm(alpha, axis=-1, keepdims=True) + 1e-6)
    quat = h_new @ Wquat
    quat = quat / (jnp.linalg.norm(quat, axis=-1, keepdims=True) + 1e-6)
    return xyz_new, h_new, alpha, quat


def setup_inputs(seed: int = 0):
    key = jax.random.key(seed)
    ks = jax.random.split(key, 20)
    msa = jax.random.normal(ks[0], (B, NSEQ, L, D_MSA), jnp.float32)
    pair = jax.random.normal(ks[1], (B, L, L, D_PAIR), jnp.float32)
    xyz = jax.random.normal(ks[2], (B, L, 3, 3), jnp.float32) * 5.0
    state = jax.random.normal(ks[3], (B, L, D_STATE), jnp.float32)
    idx = jnp.broadcast_to(jnp.arange(L, dtype=jnp.int32), (B, L))
    is_atom = jnp.zeros((B, L), dtype=bool)
    bond_feats = jax.random.randint(ks[4], (B, L, L), 0, 7)
    dist_matrix = jax.random.uniform(ks[5], (B, L, L), jnp.float32, 0.0, 20.0)
    atom_frames = jax.random.randint(ks[6], (B, L, 3, 2), 0, L)
    chi_idx = jax.random.randint(ks[7], (B, NCHI, 4), 0, L).astype(jnp.float32)
    chi_tgt = jax.random.uniform(ks[8], (B, NCHI, 1), jnp.float32, -0.5, 0.5)
    chirals = jnp.concatenate([chi_idx, chi_tgt], axis=-1)
    Wm = jax.random.normal(ks[9], (D_MSA, D_STATE), jnp.float32) * 0.05
    Ws = jax.random.normal(ks[10], (D_STATE, D_STATE), jnp.float32) * 0.05
    Wp = jax.random.normal(ks[11], (D_PAIR, D_STATE), jnp.float32) * 0.05
    Wr = jax.random.normal(ks[12], (D_RBF, D_STATE), jnp.float32) * 0.05
    Wb = jax.random.normal(ks[13], (8, D_STATE), jnp.float32) * 0.05
    Wmsg = jax.random.normal(ks[14], (3 * D_STATE, D_STATE), jnp.float32) * 0.05
    Wup = jax.random.normal(ks[15], (2 * D_STATE, D_STATE), jnp.float32) * 0.05
    Wxyz = jax.random.normal(ks[16], (D_STATE, 6), jnp.float32) * 0.01
    Walpha = jax.random.normal(ks[17], (D_STATE, 20), jnp.float32) * 0.05
    Wquat = jax.random.normal(ks[18], (D_STATE, 4), jnp.float32) * 0.05
    return {"msa": msa, "pair": pair, "xyz": xyz, "state": state, "idx": idx, "is_atom": is_atom, "bond_feats": bond_feats, "dist_matrix": dist_matrix, "atom_frames": atom_frames, "chirals": chirals, "Wm": Wm, "Ws": Ws, "Wp": Wp, "Wr": Wr, "Wb": Wb, "Wmsg": Wmsg, "Wup": Wup, "Wxyz": Wxyz, "Walpha": Walpha, "Wquat": Wquat}


def reference(msa, pair, xyz, state, idx, is_atom, bond_feats, dist_matrix, atom_frames, chirals, Wm, Ws, Wp, Wr, Wb, Wmsg, Wup, Wxyz, Walpha, Wquat):
    params = (Wm, Ws, Wp, Wr, Wb, Wmsg, Wup, Wxyz, Walpha, Wquat)
    xyzs = []
    alphas = []
    for _ in range(NITER):
        xyz_det = jax.lax.stop_gradient(xyz)
        (dchiral,) = calc_chiral_grads(xyz_det, chirals)
        extra_l1 = jax.lax.stop_gradient(dchiral[0])
        xyz, state, alpha, quat = _str2str(msa.astype(jnp.float32), pair.astype(jnp.float32), xyz_det.astype(jnp.float32), state.astype(jnp.float32), bond_feats, dist_matrix, extra_l1, params)
        xyzs.append(xyz)
        alphas.append(alpha)
    return (jnp.stack(xyzs, 0), state, jnp.stack(alphas, 0))

if __name__ == "__main__":
    import jax
    _d = setup_inputs()
    print(jax.jit(kernel)(*tuple(_d.values())))

</pallas_src>

<mosaic_0001>
#map = affine_map<(d0, d1) -> (0, 0)>
#map1 = affine_map<(d0, d1) -> (0)>
module attributes {stable_mosaic.version = 14 : i64} {
  func.func @gk(%arg0: i32, %arg1: i32, %arg2: memref<262144x128xf32, #tpu.memory_space<hbm>>, %arg3: memref<32768xi32, #tpu.memory_space<hbm>>, %arg4: memref<32768x128xf32, #tpu.memory_space<hbm>>, %arg5: memref<1024xi32, #tpu.memory_space<vmem>>, %arg6: memref<256x128xf32, #tpu.memory_space<vmem>>, %arg7: memref<256x128xf32, #tpu.memory_space<vmem>>, %arg8: memref<!tpu.dma_semaphore, #tpu.memory_space<semaphore_mem>>, %arg9: memref<!tpu.dma_semaphore, #tpu.memory_space<semaphore_mem>>, %arg10: memref<!tpu.dma_semaphore, #tpu.memory_space<semaphore_mem>>) attributes {dimension_semantics = [#tpu.dimension_semantics<core_parallel>, #tpu.dimension_semantics<subcore_parallel>], iteration_bounds = array<i64: 2, 16>, scalar_prefetch = 0 : i64, scratch_operands = 6 : i64, tpu.core_type = #tpu.core_type<sc_vector_subcore>, window_params = [{transform_indices = #map}, {transform_indices = #map1}, {transform_indices = #map}]} {
    %mul3A = arith.constant 2 : i32
    %mul3A_0 = arith.muli %arg1, %mul3A : i32
    %add3A = arith.addi %mul3A_0, %arg0 : i32
    %mul3A_1 = arith.constant 1024 : i32
    %mul3A_2 = arith.muli %add3A, %mul3A_1 : i32
    "tpu.region"() ({
      %run_scoped3A = tpu.sem_alloc : memref<!tpu.dma_semaphore, #tpu.memory_space<semaphore_mem>>
      %dma_start3A_177 = tpu.memref_slice %arg3[%mul3A_2] : memref<32768xi32, #tpu.memory_space<hbm>> -> memref<1024xi32, #tpu.memory_space<hbm>>
      %dma_start3A_178 = tpu.memref_slice %arg3[%mul3A_2] : memref<32768xi32, #tpu.memory_space<hbm>> -> memref<1024xi32, #tpu.memory_space<hbm>>
      tpu.enqueue_dma source(%dma_start3A_178 : memref<1024xi32, #tpu.memory_space<hbm>>) target(%arg5 : memref<1024xi32, #tpu.memory_space<vmem>>) target_semaphore(%run_scoped3A : memref<!tpu.dma_semaphore, #tpu.memory_space<semaphore_mem>>)
      %dma_wait3A_179 = tpu.memref_slice %arg3[%mul3A_2] : memref<32768xi32, #tpu.memory_space<hbm>> -> memref<1024xi32, #tpu.memory_space<hbm>>
      %dma_wait3A_180 = tpu.memref_slice %arg3[%mul3A_2] : memref<32768xi32, #tpu.memory_space<hbm>> -> memref<1024xi32, #tpu.memory_space<hbm>>
      tpu.wait_dma2 semaphore(%run_scoped3A : memref<!tpu.dma_semaphore, #tpu.memory_space<semaphore_mem>>) src(%dma_wait3A_180 : memref<1024xi32, #tpu.memory_space<hbm>>) dst(%arg5 : memref<1024xi32, #tpu.memory_space<vmem>>)
      tpu.yield
    }) : () -> ()
    %dma_start3A = arith.constant 0 : i32
    %dma_start3A_3 = arith.constant 0 : i32
    %dma_start3A_4 = tpu.memref_slice %arg6[%dma_start3A, %dma_start3A_3] : memref<256x128xf32, #tpu.memory_space<vmem>> -> memref<128x128xf32, #tpu.memory_space<vmem>>
    %dma_start3A_5 = arith.constant 0 : i32
    %dma_start3A_6 = tpu.memref_slice %arg5[%dma_start3A_5] : memref<1024xi32, #tpu.memory_space<vmem>> -> memref<128xi32, #tpu.memory_space<vmem>>
    %dma_start3A_7 = arith.constant 0 : i32
    %dma_start3A_8 = arith.constant 0 : i32
    %dma_start3A_9 = tpu.memref_slice %arg2[%dma_start3A_7, %dma_start3A_8] : memref<262144x128xf32, #tpu.memory_space<hbm>> -> memref<262144x128xf32, #tpu.memory_space<hbm>>
    tpu.enqueue_indirect_dma source(%dma_start3A_9 : memref<262144x128xf32, #tpu.memory_space<hbm>>) target(%dma_start3A_4 : memref<128x128xf32, #tpu.memory_space<vmem>>) offsets(%dma_start3A_6 : memref<128xi32, #tpu.memory_space<vmem>>) semaphore(%arg8 : memref<!tpu.dma_semaphore, #tpu.memory_space<semaphore_mem>>)
    %dma_start3A_10 = arith.constant 128 : i32
    %dma_start3A_11 = arith.constant 0 : i32
    %dma_start3A_12 = tpu.memref_slice %arg6[%dma_start3A_10, %dma_start3A_11] : memref<256x128xf32, #tpu.memory_space<vmem>> -> memref<128x128xf32, #tpu.memory_space<vmem>>
    %dma_start3A_13 = arith.constant 128 : i32
    %dma_start3A_14 = tpu.memref_slice %arg5[%dma_start3A_13] : memref<1024xi32, #tpu.memory_space<vmem>> -> memref<128xi32, #tpu.memory_space<vmem>>
    %dma_start3A_15 = arith.constant 0 : i32
    %dma_start3A_16 = arith.constant 0 : i32
    %dma_start3A_17 = tpu.memref_slice %arg2[%dma_start3A_15, %dma_start3A_16] : memref<262144x128xf32, #tpu.memory_space<hbm>> -> memref<262144x128xf32, #tpu.memory_space<hbm>>
    tpu.enqueue_indirect_dma source(%dma_start3A_17 : memref<262144x128xf32, #tpu.memory_space<hbm>>) target(%dma_start3A_12 : memref<128x128xf32, #tpu.memory_space<vmem>>) offsets(%dma_start3A_14 : memref<128xi32, #tpu.memory_space<vmem>>) semaphore(%arg8 : memref<!tpu.dma_semaphore, #tpu.memory_space<semaphore_mem>>)
    %dma_wait3A = arith.constant 0 : i32
    %dma_wait3A_18 = arith.constant 0 : i32
    %dma_wait3A_19 = tpu.memref_slice %arg6[%dma_wait3A, %dma_wait3A_18] : memref<256x128xf32, #tpu.memory_space<vmem>> -> memref<128x128xf32, #tpu.memory_space<vmem>>
    %dma_wait3A_20 = arith.constant 0 : i32
    %dma_wait3A_21 = tpu.memref_slice %arg5[%dma_wait3A_20] : memref<1024xi32, #tpu.memory_space<vmem>> -> memref<128xi32, #tpu.memory_space<vmem>>
    %dma_wait3A_22 = arith.constant 0 : i32
    %dma_wait3A_23 = arith.constant 0 : i32
    %dma_wait3A_24 = tpu.memref_slice %arg2[%dma_wait3A_22, %dma_wait3A_23] : memref<262144x128xf32, #tpu.memory_space<hbm>> -> memref<262144x128xf32, #tpu.memory_space<hbm>>
    tpu.wait_indirect_dma semaphore(%arg8 : memref<!tpu.dma_semaphore, #tpu.memory_space<semaphore_mem>>) src(%dma_wait3A_24 : memref<262144x128xf32, #tpu.memory_space<hbm>>) dst(%dma_wait3A_19 : memref<128x128xf32, #tpu.memory_space<vmem>>)
    %dma_wait3A_25 = arith.constant 128 : i32
    %dma_wait3A_26 = arith.constant 0 : i32
    %dma_wait3A_27 = tpu.memref_slice %arg6[%dma_wait3A_25, %dma_wait3A_26] : memref<256x128xf32, #tpu.memory_space<vmem>> -> memref<128x128xf32, #tpu.memory_space<vmem>>
    %dma_wait3A_28 = arith.constant 128 : i32
    %dma_wait3A_29 = tpu.memref_slice %arg5[%dma_wait3A_28] : memref<1024xi32, #tpu.memory_space<vmem>> -> memref<128xi32, #tpu.memory_space<vmem>>
    %dma_wait3A_30 = arith.constant 0 : i32
    %dma_wait3A_31 = arith.constant 0 : i32
    %dma_wait3A_32 = tpu.memref_slice %arg2[%dma_wait3A_30, %dma_wait3A_31] : memref<262144x128xf32, #tpu.memory_space<hbm>> -> memref<262144x128xf32, #tpu.memory_space<hbm>>
    tpu.wait_indirect_dma semaphore(%arg8 : memref<!tpu.dma_semaphore, #tpu.memory_space<semaphore_mem>>) src(%dma_wait3A_32 : memref<262144x128xf32, #tpu.memory_space<hbm>>) dst(%dma_wait3A_27 : memref<128x128xf32, #tpu.memory_space<vmem>>)
    %add3A_33 = arith.constant 0 : i32
    %add3A_34 = arith.addi %mul3A_2, %add3A_33 : i32
    %dma_start3A_35 = arith.constant 0 : i32
    %dma_start3A_36 = tpu.memref_slice %arg4[%add3A_34, %dma_start3A_35] : memref<32768x128xf32, #tpu.memory_space<hbm>> -> memref<256x128xf32, #tpu.memory_space<hbm>>
    %dma_start3A_37 = arith.constant 0 : i32
    %dma_start3A_38 = tpu.memref_slice %arg4[%add3A_34, %dma_start3A_37] : memref<32768x128xf32, #tpu.memory_space<hbm>> -> memref<256x128xf32, #tpu.memory_space<hbm>>
    tpu.enqueue_dma source(%arg6 : memref<256x128xf32, #tpu.memory_space<vmem>>) target(%dma_start3A_38 : memref<256x128xf32, #tpu.memory_space<hbm>>) target_semaphore(%arg9 : memref<!tpu.dma_semaphore, #tpu.memory_space<semaphore_mem>>)
    %dma_start3A_39 = arith.constant 0 : i32
    %dma_start3A_40 = arith.constant 0 : i32
    %dma_start3A_41 = tpu.memref_slice %arg7[%dma_start3A_39, %dma_start3A_40] : memref<256x128xf32, #tpu.memory_space<vmem>> -> memref<128x128xf32, #tpu.memory_space<vmem>>
    %dma_start3A_42 = arith.constant 256 : i32
    %dma_start3A_43 = tpu.memref_slice %arg5[%dma_start3A_42] : memref<1024xi32, #tpu.memory_space<vmem>> -> memref<128xi32, #tpu.memory_space<vmem>>
    %dma_start3A_44 = arith.constant 0 : i32
    %dma_start3A_45 = arith.constant 0 : i32
    %dma_start3A_46 = tpu.memref_slice %arg2[%dma_start3A_44, %dma_start3A_45] : memref<262144x128xf32, #tpu.memory_space<hbm>> -> memref<262144x128xf32, #tpu.memory_space<hbm>>
    tpu.enqueue_indirect_dma source(%dma_start3A_46 : memref<262144x128xf32, #tpu.memory_space<hbm>>) target(%dma_start3A_41 : memref<128x128xf32, #tpu.memory_space<vmem>>) offsets(%dma_start3A_43 : memref<128xi32, #tpu.memory_space<vmem>>) semaphore(%arg8 : memref<!tpu.dma_semaphore, #tpu.memory_space<semaphore_mem>>)
    %dma_start3A_47 = arith.constant 128 : i32
    %dma_start3A_48 = arith.constant 0 : i32
    %dma_start3A_49 = tpu.memref_slice %arg7[%dma_start3A_47, %dma_start3A_48] : memref<256x128xf32, #tpu.memory_space<vmem>> -> memref<128x128xf32, #tpu.memory_space<vmem>>
    %dma_start3A_50 = arith.constant 384 : i32
    %dma_start3A_51 = tpu.memref_slice %arg5[%dma_start3A_50] : memref<1024xi32, #tpu.memory_space<vmem>> -> memref<128xi32, #tpu.memory_space<vmem>>
    %dma_start3A_52 = arith.constant 0 : i32
    %dma_start3A_53 = arith.constant 0 : i32
    %dma_start3A_54 = tpu.memref_slice %arg2[%dma_start3A_52, %dma_start3A_53] : memref<262144x128xf32, #tpu.memory_space<hbm>> -> memref<262144x128xf32, #tpu.memory_space<hbm>>
    tpu.enqueue_indirect_dma source(%dma_start3A_54 : memref<262144x128xf32, #tpu.memory_space<hbm>>) target(%dma_start3A_49 : memref<128x128xf32, #tpu.memory_space<vmem>>) offsets(%dma_start3A_51 : memref<128xi32, #tpu.memory_space<vmem>>) semaphore(%arg8 : memref<!tpu.dma_semaphore, #tpu.memory_space<semaphore_mem>>)
    %dma_wait3A_55 = arith.constant 0 : i32
    %dma_wait3A_56 = arith.constant 0 : i32
    %dma_wait3A_57 = tpu.memref_slice %arg7[%dma_wait3A_55, %dma_wait3A_56] : memref<256x128xf32, #tpu.memory_space<vmem>> -> memref<128x128xf32, #tpu.memory_space<vmem>>
    %dma_wait3A_58 = arith.constant 256 : i32
    %dma_wait3A_59 = tpu.memref_slice %arg5[%dma_wait3A_58] : memref<1024xi32, #tpu.memory_space<vmem>> -> memref<128xi32, #tpu.memory_space<vmem>>
    %dma_wait3A_60 = arith.constant 0 : i32
    %dma_wait3A_61 = arith.constant 0 : i32
    %dma_wait3A_62 = tpu.memref_slice %arg2[%dma_wait3A_60, %dma_wait3A_61] : memref<262144x128xf32, #tpu.memory_space<hbm>> -> memref<262144x128xf32, #tpu.memory_space<hbm>>
    tpu.wait_indirect_dma semaphore(%arg8 : memref<!tpu.dma_semaphore, #tpu.memory_space<semaphore_mem>>) src(%dma_wait3A_62 : memref<262144x128xf32, #tpu.memory_space<hbm>>) dst(%dma_wait3A_57 : memref<128x128xf32, #tpu.memory_space<vmem>>)
    %dma_wait3A_63 = arith.constant 128 : i32
    %dma_wait3A_64 = arith.constant 0 : i32
    %dma_wait3A_65 = tpu.memref_slice %arg7[%dma_wait3A_63, %dma_wait3A_64] : memref<256x128xf32, #tpu.memory_space<vmem>> -> memref<128x128xf32, #tpu.memory_space<vmem>>
    %dma_wait3A_66 = arith.constant 384 : i32
    %dma_wait3A_67 = tpu.memref_slice %arg5[%dma_wait3A_66] : memref<1024xi32, #tpu.memory_space<vmem>> -> memref<128xi32, #tpu.memory_space<vmem>>
    %dma_wait3A_68 = arith.constant 0 : i32
    %dma_wait3A_69 = arith.constant 0 : i32
    %dma_wait3A_70 = tpu.memref_slice %arg2[%dma_wait3A_68, %dma_wait3A_69] : memref<262144x128xf32, #tpu.memory_space<hbm>> -> memref<262144x128xf32, #tpu.memory_space<hbm>>
    tpu.wait_indirect_dma semaphore(%arg8 : memref<!tpu.dma_semaphore, #tpu.memory_space<semaphore_mem>>) src(%dma_wait3A_70 : memref<262144x128xf32, #tpu.memory_space<hbm>>) dst(%dma_wait3A_65 : memref<128x128xf32, #tpu.memory_space<vmem>>)
    %add3A_71 = arith.constant 256 : i32
    %add3A_72 = arith.addi %mul3A_2, %add3A_71 : i32
    %dma_start3A_73 = arith.constant 0 : i32
    %dma_start3A_74 = tpu.memref_slice %arg4[%add3A_72, %dma_start3A_73] : memref<32768x128xf32, #tpu.memory_space<hbm>> -> memref<256x128xf32, #tpu.memory_space<hbm>>
    %dma_start3A_75 = arith.constant 0 : i32
    %dma_start3A_76 = tpu.memref_slice %arg4[%add3A_72, %dma_start3A_75] : memref<32768x128xf32, #tpu.memory_space<hbm>> -> memref<256x128xf32, #tpu.memory_space<hbm>>
    tpu.enqueue_dma source(%arg7 : memref<256x128xf32, #tpu.memory_space<vmem>>) target(%dma_start3A_76 : memref<256x128xf32, #tpu.memory_space<hbm>>) target_semaphore(%arg10 : memref<!tpu.dma_semaphore, #tpu.memory_space<semaphore_mem>>)
    %add3A_77 = arith.constant 0 : i32
    %add3A_78 = arith.addi %mul3A_2, %add3A_77 : i32
    %dma_wait3A_79 = arith.constant 0 : i32
    %dma_wait3A_80 = tpu.memref_slice %arg4[%add3A_78, %dma_wait3A_79] : memref<32768x128xf32, #tpu.memory_space<hbm>> -> memref<256x128xf32, #tpu.memory_space<hbm>>
    %dma_wait3A_81 = arith.constant 0 : i32
    %dma_wait3A_82 = tpu.memref_slice %arg4[%add3A_78, %dma_wait3A_81] : memref<32768x128xf32, #tpu.memory_space<hbm>> -> memref<256x128xf32, #tpu.memory_space<hbm>>
    tpu.wait_dma2 semaphore(%arg9 : memref<!tpu.dma_semaphore, #tpu.memory_space<semaphore_mem>>) src(%arg6 : memref<256x128xf32, #tpu.memory_space<vmem>>) dst(%dma_wait3A_82 : memref<256x128xf32, #tpu.memory_space<hbm>>)
    %dma_start3A_83 = arith.constant 0 : i32
    %dma_start3A_84 = arith.constant 0 : i32
    %dma_start3A_85 = tpu.memref_slice %arg6[%dma_start3A_83, %dma_start3A_84] : memref<256x128xf32, #tpu.memory_space<vmem>> -> memref<128x128xf32, #tpu.memory_space<vmem>>
    %dma_start3A_86 = arith.constant 512 : i32
    %dma_start3A_87 = tpu.memref_slice %arg5[%dma_start3A_86] : memref<1024xi32, #tpu.memory_space<vmem>> -> memref<128xi32, #tpu.memory_space<vmem>>
    %dma_start3A_88 = arith.constant 0 : i32
    %dma_start3A_89 = arith.constant 0 : i32
    %dma_start3A_90 = tpu.memref_slice %arg2[%dma_start3A_88, %dma_start3A_89] : memref<262144x128xf32, #tpu.memory_space<hbm>> -> memref<262144x128xf32, #tpu.memory_space<hbm>>
    tpu.enqueue_indirect_dma source(%dma_start3A_90 : memref<262144x128xf32, #tpu.memory_space<hbm>>) target(%dma_start3A_85 : memref<128x128xf32, #tpu.memory_space<vmem>>) offsets(%dma_start3A_87 : memref<128xi32, #tpu.memory_space<vmem>>) semaphore(%arg8 : memref<!tpu.dma_semaphore, #tpu.memory_space<semaphore_mem>>)
    %dma_start3A_91 = arith.constant 128 : i32
    %dma_start3A_92 = arith.constant 0 : i32
    %dma_start3A_93 = tpu.memref_slice %arg6[%dma_start3A_91, %dma_start3A_92] : memref<256x128xf32, #tpu.memory_space<vmem>> -> memref<128x128xf32, #tpu.memory_space<vmem>>
    %dma_start3A_94 = arith.constant 640 : i32
    %dma_start3A_95 = tpu.memref_slice %arg5[%dma_start3A_94] : memref<1024xi32, #tpu.memory_space<vmem>> -> memref<128xi32, #tpu.memory_space<vmem>>
    %dma_start3A_96 = arith.constant 0 : i32
    %dma_start3A_97 = arith.constant 0 : i32
    %dma_start3A_98 = tpu.memref_slice %arg2[%dma_start3A_96, %dma_start3A_97] : memref<262144x128xf32, #tpu.memory_space<hbm>> -> memref<262144x128xf32, #tpu.memory_space<hbm>>
    tpu.enqueue_indirect_dma source(%dma_start3A_98 : memref<262144x128xf32, #tpu.memory_space<hbm>>) target(%dma_start3A_93 : memref<128x128xf32, #tpu.memory_space<vmem>>) offsets(%dma_start3A_95 : memref<128xi32, #tpu.memory_space<vmem>>) semaphore(%arg8 : memref<!tpu.dma_semaphore, #tpu.memory_space<semaphore_mem>>)
    %dma_wait3A_99 = arith.constant 0 : i32
    %dma_wait3A_100 = arith.constant 0 : i32
    %dma_wait3A_101 = tpu.memref_slice %arg6[%dma_wait3A_99, %dma_wait3A_100] : memref<256x128xf32, #tpu.memory_space<vmem>> -> memref<128x128xf32, #tpu.memory_space<vmem>>
    %dma_wait3A_102 = arith.constant 512 : i32
    %dma_wait3A_103 = tpu.memref_slice %arg5[%dma_wait3A_102] : memref<1024xi32, #tpu.memory_space<vmem>> -> memref<128xi32, #tpu.memory_space<vmem>>
    %dma_wait3A_104 = arith.constant 0 : i32
    %dma_wait3A_105 = arith.constant 0 : i32
    %dma_wait3A_106 = tpu.memref_slice %arg2[%dma_wait3A_104, %dma_wait3A_105] : memref<262144x128xf32, #tpu.memory_space<hbm>> -> memref<262144x128xf32, #tpu.memory_space<hbm>>
    tpu.wait_indirect_dma semaphore(%arg8 : memref<!tpu.dma_semaphore, #tpu.memory_space<semaphore_mem>>) src(%dma_wait3A_106 : memref<262144x128xf32, #tpu.memory_space<hbm>>) dst(%dma_wait3A_101 : memref<128x128xf32, #tpu.memory_space<vmem>>)
    %dma_wait3A_107 = arith.constant 128 : i32
    %dma_wait3A_108 = arith.constant 0 : i32
    %dma_wait3A_109 = tpu.memref_slice %arg6[%dma_wait3A_107, %dma_wait3A_108] : memref<256x128xf32, #tpu.memory_space<vmem>> -> memref<128x128xf32, #tpu.memory_space<vmem>>
    %dma_wait3A_110 = arith.constant 640 : i32
    %dma_wait3A_111 = tpu.memref_slice %arg5[%dma_wait3A_110] : memref<1024xi32, #tpu.memory_space<vmem>> -> memref<128xi32, #tpu.memory_space<vmem>>
    %dma_wait3A_112 = arith.constant 0 : i32
    %dma_wait3A_113 = arith.constant 0 : i32
    %dma_wait3A_114 = tpu.memref_slice %arg2[%dma_wait3A_112, %dma_wait3A_113] : memref<262144x128xf32, #tpu.memory_space<hbm>> -> memref<262144x128xf32, #tpu.memory_space<hbm>>
    tpu.wait_indirect_dma semaphore(%arg8 : memref<!tpu.dma_semaphore, #tpu.memory_space<semaphore_mem>>) src(%dma_wait3A_114 : memref<262144x128xf32, #tpu.memory_space<hbm>>) dst(%dma_wait3A_109 : memref<128x128xf32, #tpu.memory_space<vmem>>)
    %add3A_115 = arith.constant 512 : i32
    %add3A_116 = arith.addi %mul3A_2, %add3A_115 : i32
    %dma_start3A_117 = arith.constant 0 : i32
    %dma_start3A_118 = tpu.memref_slice %arg4[%add3A_116, %dma_start3A_117] : memref<32768x128xf32, #tpu.memory_space<hbm>> -> memref<256x128xf32, #tpu.memory_space<hbm>>
    %dma_start3A_119 = arith.constant 0 : i32
    %dma_start3A_120 = tpu.memref_slice %arg4[%add3A_116, %dma_start3A_119] : memref<32768x128xf32, #tpu.memory_space<hbm>> -> memref<256x128xf32, #tpu.memory_space<hbm>>
    tpu.enqueue_dma source(%arg6 : memref<256x128xf32, #tpu.memory_space<vmem>>) target(%dma_start3A_120 : memref<256x128xf32, #tpu.memory_space<hbm>>) target_semaphore(%arg9 : memref<!tpu.dma_semaphore, #tpu.memory_space<semaphore_mem>>)
    %add3A_121 = arith.constant 256 : i32
    %add3A_122 = arith.addi %mul3A_2, %add3A_121 : i32
    %dma_wait3A_123 = arith.constant 0 : i32
    %dma_wait3A_124 = tpu.memref_slice %arg4[%add3A_122, %dma_wait3A_123] : memref<32768x128xf32, #tpu.memory_space<hbm>> -> memref<256x128xf32, #tpu.memory_space<hbm>>
    %dma_wait3A_125 = arith.constant 0 : i32
    %dma_wait3A_126 = tpu.memref_slice %arg4[%add3A_122, %dma_wait3A_125] : memref<32768x128xf32, #tpu.memory_space<hbm>> -> memref<256x128xf32, #tpu.memory_space<hbm>>
    tpu.wait_dma2 semaphore(%arg10 : memref<!tpu.dma_semaphore, #tpu.memory_space<semaphore_mem>>) src(%arg7 : memref<256x128xf32, #tpu.memory_space<vmem>>) dst(%dma_wait3A_126 : memref<256x128xf32, #tpu.memory_space<hbm>>)
    %dma_start3A_127 = arith.constant 0 : i32
    %dma_start3A_128 = arith.constant 0 : i32
    %dma_start3A_129 = tpu.memref_slice %arg7[%dma_start3A_127, %dma_start3A_128] : memref<256x128xf32, #tpu.memory_space<vmem>> -> memref<128x128xf32, #tpu.memory_space<vmem>>
    %dma_start3A_130 = arith.constant 768 : i32
    %dma_start3A_131 = tpu.memref_slice %arg5[%dma_start3A_130] : memref<1024xi32, #tpu.memory_space<vmem>> -> memref<128xi32, #tpu.memory_space<vmem>>
    %dma_start3A_132 = arith.constant 0 : i32
    %dma_start3A_133 = arith.constant 0 : i32
    %dma_start3A_134 = tpu.memref_slice %arg2[%dma_start3A_132, %dma_start3A_133] : memref<262144x128xf32, #tpu.memory_space<hbm>> -> memref<262144x128xf32, #tpu.memory_space<hbm>>
    tpu.enqueue_indirect_dma source(%dma_start3A_134 : memref<262144x128xf32, #tpu.memory_space<hbm>>) target(%dma_start3A_129 : memref<128x128xf32, #tpu.memory_space<vmem>>) offsets(%dma_start3A_131 : memref<128xi32, #tpu.memory_space<vmem>>) semaphore(%arg8 : memref<!tpu.dma_semaphore, #tpu.memory_space<semaphore_mem>>)
    %dma_start3A_135 = arith.constant 128 : i32
    %dma_start3A_136 = arith.constant 0 : i32
    %dma_start3A_137 = tpu.memref_slice %arg7[%dma_start3A_135, %dma_start3A_136] : memref<256x128xf32, #tpu.memory_space<vmem>> -> memref<128x128xf32, #tpu.memory_space<vmem>>
    %dma_start3A_138 = arith.constant 896 : i32
    %dma_start3A_139 = tpu.memref_slice %arg5[%dma_start3A_138] : memref<1024xi32, #tpu.memory_space<vmem>> -> memref<128xi32, #tpu.memory_space<vmem>>
    %dma_start3A_140 = arith.constant 0 : i32
    %dma_start3A_141 = arith.constant 0 : i32
    %dma_start3A_142 = tpu.memref_slice %arg2[%dma_start3A_140, %dma_start3A_141] : memref<262144x128xf32, #tpu.memory_space<hbm>> -> memref<262144x128xf32, #tpu.memory_space<hbm>>
    tpu.enqueue_indirect_dma source(%dma_start3A_142 : memref<262144x128xf32, #tpu.memory_space<hbm>>) target(%dma_start3A_137 : memref<128x128xf32, #tpu.memory_space<vmem>>) offsets(%dma_start3A_139 : memref<128xi32, #tpu.memory_space<vmem>>) semaphore(%arg8 : memref<!tpu.dma_semaphore, #tpu.memory_space<semaphore_mem>>)
    %dma_wait3A_143 = arith.constant 0 : i32
    %dma_wait3A_144 = arith.constant 0 : i32
    %dma_wait3A_145 = tpu.memref_slice %arg7[%dma_wait3A_143, %dma_wait3A_144] : memref<256x128xf32, #tpu.memory_space<vmem>> -> memref<128x128xf32, #tpu.memory_space<vmem>>
    %dma_wait3A_146 = arith.constant 768 : i32
    %dma_wait3A_147 = tpu.memref_slice %arg5[%dma_wait3A_146] : memref<1024xi32, #tpu.memory_space<vmem>> -> memref<128xi32, #tpu.memory_space<vmem>>
    %dma_wait3A_148 = arith.constant 0 : i32
    %dma_wait3A_149 = arith.constant 0 : i32
    %dma_wait3A_150 = tpu.memref_slice %arg2[%dma_wait3A_148, %dma_wait3A_149] : memref<262144x128xf32, #tpu.memory_space<hbm>> -> memref<262144x128xf32, #tpu.memory_space<hbm>>
    tpu.wait_indirect_dma semaphore(%arg8 : memref<!tpu.dma_semaphore, #tpu.memory_space<semaphore_mem>>) src(%dma_wait3A_150 : memref<262144x128xf32, #tpu.memory_space<hbm>>) dst(%dma_wait3A_145 : memref<128x128xf32, #tpu.memory_space<vmem>>)
    %dma_wait3A_151 = arith.constant 128 : i32
    %dma_wait3A_152 = arith.constant 0 : i32
    %dma_wait3A_153 = tpu.memref_slice %arg7[%dma_wait3A_151, %dma_wait3A_152] : memref<256x128xf32, #tpu.memory_space<vmem>> -> memref<128x128xf32, #tpu.memory_space<vmem>>
    %dma_wait3A_154 = arith.constant 896 : i32
    %dma_wait3A_155 = tpu.memref_slice %arg5[%dma_wait3A_154] : memref<1024xi32, #tpu.memory_space<vmem>> -> memref<128xi32, #tpu.memory_space<vmem>>
    %dma_wait3A_156 = arith.constant 0 : i32
    %dma_wait3A_157 = arith.constant 0 : i32
    %dma_wait3A_158 = tpu.memref_slice %arg2[%dma_wait3A_156, %dma_wait3A_157] : memref<262144x128xf32, #tpu.memory_space<hbm>> -> memref<262144x128xf32, #tpu.memory_space<hbm>>
    tpu.wait_indirect_dma semaphore(%arg8 : memref<!tpu.dma_semaphore, #tpu.memory_space<semaphore_mem>>) src(%dma_wait3A_158 : memref<262144x128xf32, #tpu.memory_space<hbm>>) dst(%dma_wait3A_153 : memref<128x128xf32, #tpu.memory_space<vmem>>)
    %add3A_159 = arith.constant 768 : i32
    %add3A_160 = arith.addi %mul3A_2, %add3A_159 : i32
    %dma_start3A_161 = arith.constant 0 : i32
    %dma_start3A_162 = tpu.memref_slice %arg4[%add3A_160, %dma_start3A_161] : memref<32768x128xf32, #tpu.memory_space<hbm>> -> memref<256x128xf32, #tpu.memory_space<hbm>>
    %dma_start3A_163 = arith.constant 0 : i32
    %dma_start3A_164 = tpu.memref_slice %arg4[%add3A_160, %dma_start3A_163] : memref<32768x128xf32, #tpu.memory_space<hbm>> -> memref<256x128xf32, #tpu.memory_space<hbm>>
    tpu.enqueue_dma source(%arg7 : memref<256x128xf32, #tpu.memory_space<vmem>>) target(%dma_start3A_164 : memref<256x128xf32, #tpu.memory_space<hbm>>) target_semaphore(%arg10 : memref<!tpu.dma_semaphore, #tpu.memory_space<semaphore_mem>>)
    %add3A_165 = arith.constant 512 : i32
    %add3A_166 = arith.addi %mul3A_2, %add3A_165 : i32
    %dma_wait3A_167 = arith.constant 0 : i32
    %dma_wait3A_168 = tpu.memref_slice %arg4[%add3A_166, %dma_wait3A_167] : memref<32768x128xf32, #tpu.memory_space<hbm>> -> memref<256x128xf32, #tpu.memory_space<hbm>>
    %dma_wait3A_169 = arith.constant 0 : i32
    %dma_wait3A_170 = tpu.memref_slice %arg4[%add3A_166, %dma_wait3A_169] : memref<32768x128xf32, #tpu.memory_space<hbm>> -> memref<256x128xf32, #tpu.memory_space<hbm>>
    tpu.wait_dma2 semaphore(%arg9 : memref<!tpu.dma_semaphore, #tpu.memory_space<semaphore_mem>>) src(%arg6 : memref<256x128xf32, #tpu.memory_space<vmem>>) dst(%dma_wait3A_170 : memref<256x128xf32, #tpu.memory_space<hbm>>)
    %add3A_171 = arith.constant 768 : i32
    %add3A_172 = arith.addi %mul3A_2, %add3A_171 : i32
    %dma_wait3A_173 = arith.constant 0 : i32
    %dma_wait3A_174 = tpu.memref_slice %arg4[%add3A_172, %dma_wait3A_173] : memref<32768x128xf32, #tpu.memory_space<hbm>> -> memref<256x128xf32, #tpu.memory_space<hbm>>
    %dma_wait3A_175 = arith.constant 0 : i32
    %dma_wait3A_176 = tpu.memref_slice %arg4[%add3A_172, %dma_wait3A_175] : memref<32768x128xf32, #tpu.memory_space<hbm>> -> memref<256x128xf32, #tpu.memory_space<hbm>>
    tpu.wait_dma2 semaphore(%arg10 : memref<!tpu.dma_semaphore, #tpu.memory_space<semaphore_mem>>) src(%arg7 : memref<256x128xf32, #tpu.memory_space<vmem>>) dst(%dma_wait3A_176 : memref<256x128xf32, #tpu.memory_space<hbm>>)
    return
  }
}

#map = affine_map<(d0, d1) -> (0, 0)>
#map1 = affine_map<(d0, d1) -> (0)>
module attributes {stable_mosaic.version = 14 : i64} {
  func.func @gk(%arg0: i32, %arg1: i32, %arg2: memref<262144x128xf32, #tpu.memory_space<hbm>>, %arg3: memref<32768xi32, #tpu.memory_space<hbm>>, %arg4: memref<32768x128xf32, #tpu.memory_space<hbm>>, %arg5: memref<1024xi32, #tpu.memory_space<vmem>>, %arg6: memref<256x128xf32, #tpu.memory_space<vmem>>, %arg7: memref<256x128xf32, #tpu.memory_space<vmem>>, %arg8: memref<!tpu.dma_semaphore, #tpu.memory_space<semaphore_mem>>, %arg9: memref<!tpu.dma_semaphore, #tpu.memory_space<semaphore_mem>>, %arg10: memref<!tpu.dma_semaphore, #tpu.memory_space<semaphore_mem>>) attributes {dimension_semantics = [#tpu.dimension_semantics<core_parallel>, #tpu.dimension_semantics<subcore_parallel>], iteration_bounds = array<i64: 2, 16>, scalar_prefetch = 0 : i64, scratch_operands = 6 : i64, tpu.core_type = #tpu.core_type<sc_vector_subcore>, window_params = [{transform_indices = #map}, {transform_indices = #map1}, {transform_indices = #map}]} {
    %mul3A = arith.constant 2 : i32
    %mul3A_0 = arith.muli %arg1, %mul3A : i32
    %add3A = arith.addi %mul3A_0, %arg0 : i32
    %mul3A_1 = arith.constant 1024 : i32
    %mul3A_2 = arith.muli %add3A, %mul3A_1 : i32
    "tpu.region"() ({
      %run_scoped3A = tpu.sem_alloc : memref<!tpu.dma_semaphore, #tpu.memory_space<semaphore_mem>>
      %dma_start3A_177 = tpu.memref_slice %arg3[%mul3A_2] : memref<32768xi32, #tpu.memory_space<hbm>> -> memref<1024xi32, #tpu.memory_space<hbm>>
      %dma_start3A_178 = tpu.memref_slice %arg3[%mul3A_2] : memref<32768xi32, #tpu.memory_space<hbm>> -> memref<1024xi32, #tpu.memory_space<hbm>>
      tpu.enqueue_dma source(%dma_start3A_178 : memref<1024xi32, #tpu.memory_space<hbm>>) target(%arg5 : memref<1024xi32, #tpu.memory_space<vmem>>) target_semaphore(%run_scoped3A : memref<!tpu.dma_semaphore, #tpu.memory_space<semaphore_mem>>)
      %dma_wait3A_179 = tpu.memref_slice %arg3[%mul3A_2] : memref<32768xi32, #tpu.memory_space<hbm>> -> memref<1024xi32, #tpu.memory_space<hbm>>
      %dma_wait3A_180 = tpu.memref_slice %arg3[%mul3A_2] : memref<32768xi32, #tpu.memory_space<hbm>> -> memref<1024xi32, #tpu.memory_space<hbm>>
      tpu.wait_dma2 semaphore(%run_scoped3A : memref<!tpu.dma_semaphore, #tpu.memory_space<semaphore_mem>>) src(%dma_wait3A_180 : memref<1024xi32, #tpu.memory_space<hbm>>) dst(%arg5 : memref<1024xi32, #tpu.memory_space<vmem>>)
      tpu.yield
    }) : () -> ()
    %dma_start3A = arith.constant 0 : i32
    %dma_start3A_3 = arith.constant 0 : i32
    %dma_start3A_4 = tpu.memref_slice %arg6[%dma_start3A, %dma_start3A_3] : memref<256x128xf32, #tpu.memory_space<vmem>> -> memref<128x128xf32, #tpu.memory_space<vmem>>
    %dma_start3A_5 = arith.constant 0 : i32
    %dma_start3A_6 = tpu.memref_slice %arg5[%dma_start3A_5] : memref<1024xi32, #tpu.memory_space<vmem>> -> memref<128xi32, #tpu.memory_space<vmem>>
    %dma_start3A_7 = arith.constant 0 : i32
    %dma_start3A_8 = arith.constant 0 : i32
    %dma_start3A_9 = tpu.memref_slice %arg2[%dma_start3A_7, %dma_start3A_8] : memref<262144x128xf32, #tpu.memory_space<hbm>> -> memref<262144x128xf32, #tpu.memory_space<hbm>>
    tpu.enqueue_indirect_dma source(%dma_start3A_9 : memref<262144x128xf32, #tpu.memory_space<hbm>>) target(%dma_start3A_4 : memref<128x128xf32, #tpu.memory_space<vmem>>) offsets(%dma_start3A_6 : memref<128xi32, #tpu.memory_space<vmem>>) semaphore(%arg8 : memref<!tpu.dma_semaphore, #tpu.memory_space<semaphore_mem>>)
    %dma_start3A_10 = arith.constant 128 : i32
    %dma_start3A_11 = arith.constant 0 : i32
    %dma_start3A_12 = tpu.memref_slice %arg6[%dma_start3A_10, %dma_start3A_11] : memref<256x128xf32, #tpu.memory_space<vmem>> -> memref<128x128xf32, #tpu.memory_space<vmem>>
    %dma_start3A_13 = arith.constant 128 : i32
    %dma_start3A_14 = tpu.memref_slice %arg5[%dma_start3A_13] : memref<1024xi32, #tpu.memory_space<vmem>> -> memref<128xi32, #tpu.memory_space<vmem>>
    %dma_start3A_15 = arith.constant 0 : i32
    %dma_start3A_16 = arith.constant 0 : i32
    %dma_start3A_17 = tpu.memref_slice %arg2[%dma_start3A_15, %dma_start3A_16] : memref<262144x128xf32, #tpu.memory_space<hbm>> -> memref<262144x128xf32, #tpu.memory_space<hbm>>
    tpu.enqueue_indirect_dma source(%dma_start3A_17 : memref<262144x128xf32, #tpu.memory_space<hbm>>) target(%dma_start3A_12 : memref<128x128xf32, #tpu.memory_space<vmem>>) offsets(%dma_start3A_14 : memref<128xi32, #tpu.memory_space<vmem>>) semaphore(%arg8 : memref<!tpu.dma_semaphore, #tpu.memory_space<semaphore_mem>>)
    %dma_wait3A = arith.constant 0 : i32
    %dma_wait3A_18 = arith.constant 0 : i32
    %dma_wait3A_19 = tpu.memref_slice %arg6[%dma_wait3A, %dma_wait3A_18] : memref<256x128xf32, #tpu.memory_space<vmem>> -> memref<128x128xf32, #tpu.memory_space<vmem>>
    %dma_wait3A_20 = arith.constant 0 : i32
    %dma_wait3A_21 = tpu.memref_slice %arg5[%dma_wait3A_20] : memref<1024xi32, #tpu.memory_space<vmem>> -> memref<128xi32, #tpu.memory_space<vmem>>
    %dma_wait3A_22 = arith.constant 0 : i32
    %dma_wait3A_23 = arith.constant 0 : i32
    %dma_wait3A_24 = tpu.memref_slice %arg2[%dma_wait3A_22, %dma_wait3A_23] : memref<262144x128xf32, #tpu.memory_space<hbm>> -> memref<262144x128xf32, #tpu.memory_space<hbm>>
    tpu.wait_indirect_dma semaphore(%arg8 : memref<!tpu.dma_semaphore, #tpu.memory_space<semaphore_mem>>) src(%dma_wait3A_24 : memref<262144x128xf32, #tpu.memory_space<hbm>>) dst(%dma_wait3A_19 : memref<128x128xf32, #tpu.memory_space<vmem>>)
    %dma_wait3A_25 = arith.constant 128 : i32
    %dma_wait3A_26 = arith.constant 0 : i32
    %dma_wait3A_27 = tpu.memref_slice %arg6[%dma_wait3A_25, %dma_wait3A_26] : memref<256x128xf32, #tpu.memory_space<vmem>> -> memref<128x128xf32, #tpu.memory_space<vmem>>
    %dma_wait3A_28 = arith.constant 128 : i32
    %dma_wait3A_29 = tpu.memref_slice %arg5[%dma_wait3A_28] : memref<1024xi32, #tpu.memory_space<vmem>> -> memref<128xi32, #tpu.memory_space<vmem>>
    %dma_wait3A_30 = arith.constant 0 : i32
    %dma_wait3A_31 = arith.constant 0 : i32
    %dma_wait3A_32 = tpu.memref_slice %arg2[%dma_wait3A_30, %dma_wait3A_31] : memref<262144x128xf32, #tpu.memory_space<hbm>> -> memref<262144x128xf32, #tpu.memory_space<hbm>>
    tpu.wait_indirect_dma semaphore(%arg8 : memref<!tpu.dma_semaphore, #tpu.memory_space<semaphore_mem>>) src(%dma_wait3A_32 : memref<262144x128xf32, #tpu.memory_space<hbm>>) dst(%dma_wait3A_27 : memref<128x128xf32, #tpu.memory_space<vmem>>)
    %add3A_33 = arith.constant 0 : i32
    %add3A_34 = arith.addi %mul3A_2, %add3A_33 : i32
    %dma_start3A_35 = arith.constant 0 : i32
    %dma_start3A_36 = tpu.memref_slice %arg4[%add3A_34, %dma_start3A_35] : memref<32768x128xf32, #tpu.memory_space<hbm>> -> memref<256x128xf32, #tpu.memory_space<hbm>>
    %dma_start3A_37 = arith.constant 0 : i32
    %dma_start3A_38 = tpu.memref_slice %arg4[%add3A_34, %dma_start3A_37] : memref<32768x128xf32, #tpu.memory_space<hbm>> -> memref<256x128xf32, #tpu.memory_space<hbm>>
    tpu.enqueue_dma source(%arg6 : memref<256x128xf32, #tpu.memory_space<vmem>>) target(%dma_start3A_38 : memref<256x128xf32, #tpu.memory_space<hbm>>) target_semaphore(%arg9 : memref<!tpu.dma_semaphore, #tpu.memory_space<semaphore_mem>>)
    %dma_start3A_39 = arith.constant 0 : i32
    %dma_start3A_40 = arith.constant 0 : i32
    %dma_start3A_41 = tpu.memref_slice %arg7[%dma_start3A_39, %dma_start3A_40] : memref<256x128xf32, #tpu.memory_space<vmem>> -> memref<128x128xf32, #tpu.memory_space<vmem>>
    %dma_start3A_42 = arith.constant 256 : i32
    %dma_start3A_43 = tpu.memref_slice %arg5[%dma_start3A_42] : memref<1024xi32, #tpu.memory_space<vmem>> -> memref<128xi32, #tpu.memory_space<vmem>>
    %dma_start3A_44 = arith.constant 0 : i32
    %dma_start3A_45 = arith.constant 0 : i32
    %dma_start3A_46 = tpu.memref_slice %arg2[%dma_start3A_44, %dma_start3A_45] : memref<262144x128xf32, #tpu.memory_space<hbm>> -> memref<262144x128xf32, #tpu.memory_space<hbm>>
    tpu.enqueue_indirect_dma source(%dma_start3A_46 : memref<262144x128xf32, #tpu.memory_space<hbm>>) target(%dma_start3A_41 : memref<128x128xf32, #tpu.memory_space<vmem>>) offsets(%dma_start3A_43 : memref<128xi32, #tpu.memory_space<vmem>>) semaphore(%arg8 : memref<!tpu.dma_semaphore, #tpu.memory_space<semaphore_mem>>)
    %dma_start3A_47 = arith.constant 128 : i32
    %dma_start3A_48 = arith.constant 0 : i32
    %dma_start3A_49 = tpu.memref_slice %arg7[%dma_start3A_47, %dma_start3A_48] : memref<256x128xf32, #tpu.memory_space<vmem>> -> memref<128x128xf32, #tpu.memory_space<vmem>>
    %dma_start3A_50 = arith.constant 384 : i32
    %dma_start3A_51 = tpu.memref_slice %arg5[%dma_start3A_50] : memref<1024xi32, #tpu.memory_space<vmem>> -> memref<128xi32, #tpu.memory_space<vmem>>
    %dma_start3A_52 = arith.constant 0 : i32
    %dma_start3A_53 = arith.constant 0 : i32
    %dma_start3A_54 = tpu.memref_slice %arg2[%dma_start3A_52, %dma_start3A_53] : memref<262144x128xf32, #tpu.memory_space<hbm>> -> memref<262144x128xf32, #tpu.memory_space<hbm>>
    tpu.enqueue_indirect_dma source(%dma_start3A_54 : memref<262144x128xf32, #tpu.memory_space<hbm>>) target(%dma_start3A_49 : memref<128x128xf32, #tpu.memory_space<vmem>>) offsets(%dma_start3A_51 : memref<128xi32, #tpu.memory_space<vmem>>) semaphore(%arg8 : memref<!tpu.dma_semaphore, #tpu.memory_space<semaphore_mem>>)
    %dma_wait3A_55 = arith.constant 0 : i32
    %dma_wait3A_56 = arith.constant 0 : i32
    %dma_wait3A_57 = tpu.memref_slice %arg7[%dma_wait3A_55, %dma_wait3A_56] : memref<256x128xf32, #tpu.memory_space<vmem>> -> memref<128x128xf32, #tpu.memory_space<vmem>>
    %dma_wait3A_58 = arith.constant 256 : i32
    %dma_wait3A_59 = tpu.memref_slice %arg5[%dma_wait3A_58] : memref<1024xi32, #tpu.memory_space<vmem>> -> memref<128xi32, #tpu.memory_space<vmem>>
    %dma_wait3A_60 = arith.constant 0 : i32
    %dma_wait3A_61 = arith.constant 0 : i32
    %dma_wait3A_62 = tpu.memref_slice %arg2[%dma_wait3A_60, %dma_wait3A_61] : memref<262144x128xf32, #tpu.memory_space<hbm>> -> memref<262144x128xf32, #tpu.memory_space<hbm>>
    tpu.wait_indirect_dma semaphore(%arg8 : memref<!tpu.dma_semaphore, #tpu.memory_space<semaphore_mem>>) src(%dma_wait3A_62 : memref<262144x128xf32, #tpu.memory_space<hbm>>) dst(%dma_wait3A_57 : memref<128x128xf32, #tpu.memory_space<vmem>>)
    %dma_wait3A_63 = arith.constant 128 : i32
    %dma_wait3A_64 = arith.constant 0 : i32
    %dma_wait3A_65 = tpu.memref_slice %arg7[%dma_wait3A_63, %dma_wait3A_64] : memref<256x128xf32, #tpu.memory_space<vmem>> -> memref<128x128xf32, #tpu.memory_space<vmem>>
    %dma_wait3A_66 = arith.constant 384 : i32
    %dma_wait3A_67 = tpu.memref_slice %arg5[%dma_wait3A_66] : memref<1024xi32, #tpu.memory_space<vmem>> -> memref<128xi32, #tpu.memory_space<vmem>>
    %dma_wait3A_68 = arith.constant 0 : i32
    %dma_wait3A_69 = arith.constant 0 : i32
    %dma_wait3A_70 = tpu.memref_slice %arg2[%dma_wait3A_68, %dma_wait3A_69] : memref<262144x128xf32, #tpu.memory_space<hbm>> -> memref<262144x128xf32, #tpu.memory_space<hbm>>
    tpu.wait_indirect_dma semaphore(%arg8 : memref<!tpu.dma_semaphore, #tpu.memory_space<semaphore_mem>>) src(%dma_wait3A_70 : memref<262144x128xf32, #tpu.memory_space<hbm>>) dst(%dma_wait3A_65 : memref<128x128xf32, #tpu.memory_space<vmem>>)
    %add3A_71 = arith.constant 256 : i32
    %add3A_72 = arith.addi %mul3A_2, %add3A_71 : i32
    %dma_start3A_73 = arith.constant 0 : i32
    %dma_start3A_74 = tpu.memref_slice %arg4[%add3A_72, %dma_start3A_73] : memref<32768x128xf32, #tpu.memory_space<hbm>> -> memref<256x128xf32, #tpu.memory_space<hbm>>
    %dma_start3A_75 = arith.constant 0 : i32
    %dma_start3A_76 = tpu.memref_slice %arg4[%add3A_72, %dma_start3A_75] : memref<32768x128xf32, #tpu.memory_space<hbm>> -> memref<256x128xf32, #tpu.memory_space<hbm>>
    tpu.enqueue_dma source(%arg7 : memref<256x128xf32, #tpu.memory_space<vmem>>) target(%dma_start3A_76 : memref<256x128xf32, #tpu.memory_space<hbm>>) target_semaphore(%arg10 : memref<!tpu.dma_semaphore, #tpu.memory_space<semaphore_mem>>)
    %add3A_77 = arith.constant 0 : i32
    %add3A_78 = arith.addi %mul3A_2, %add3A_77 : i32
    %dma_wait3A_79 = arith.constant 0 : i32
    %dma_wait3A_80 = tpu.memref_slice %arg4[%add3A_78, %dma_wait3A_79] : memref<32768x128xf32, #tpu.memory_space<hbm>> -> memref<256x128xf32, #tpu.memory_space<hbm>>
    %dma_wait3A_81 = arith.constant 0 : i32
    %dma_wait3A_82 = tpu.memref_slice %arg4[%add3A_78, %dma_wait3A_81] : memref<32768x128xf32, #tpu.memory_space<hbm>> -> memref<256x128xf32, #tpu.memory_space<hbm>>
    tpu.wait_dma2 semaphore(%arg9 : memref<!tpu.dma_semaphore, #tpu.memory_space<semaphore_mem>>) src(%arg6 : memref<256x128xf32, #tpu.memory_space<vmem>>) dst(%dma_wait3A_82 : memref<256x128xf32, #tpu.memory_space<hbm>>)
    %dma_start3A_83 = arith.constant 0 : i32
    %dma_start3A_84 = arith.constant 0 : i32
    %dma_start3A_85 = tpu.memref_slice %arg6[%dma_start3A_83, %dma_start3A_84] : memref<256x128xf32, #tpu.memory_space<vmem>> -> memref<128x128xf32, #tpu.memory_space<vmem>>
    %dma_start3A_86 = arith.constant 512 : i32
    %dma_start3A_87 = tpu.memref_slice %arg5[%dma_start3A_86] : memref<1024xi32, #tpu.memory_space<vmem>> -> memref<128xi32, #tpu.memory_space<vmem>>
    %dma_start3A_88 = arith.constant 0 : i32
    %dma_start3A_89 = arith.constant 0 : i32
    %dma_start3A_90 = tpu.memref_slice %arg2[%dma_start3A_88, %dma_start3A_89] : memref<262144x128xf32, #tpu.memory_space<hbm>> -> memref<262144x128xf32, #tpu.memory_space<hbm>>
    tpu.enqueue_indirect_dma source(%dma_start3A_90 : memref<262144x128xf32, #tpu.memory_space<hbm>>) target(%dma_start3A_85 : memref<128x128xf32, #tpu.memory_space<vmem>>) offsets(%dma_start3A_87 : memref<128xi32, #tpu.memory_space<vmem>>) semaphore(%arg8 : memref<!tpu.dma_semaphore, #tpu.memory_space<semaphore_mem>>)
    %dma_start3A_91 = arith.constant 128 : i32
    %dma_start3A_92 = arith.constant 0 : i32
    %dma_start3A_93 = tpu.memref_slice %arg6[%dma_start3A_91, %dma_start3A_92] : memref<256x128xf32, #tpu.memory_space<vmem>> -> memref<128x128xf32, #tpu.memory_space<vmem>>
    %dma_start3A_94 = arith.constant 640 : i32
    %dma_start3A_95 = tpu.memref_slice %arg5[%dma_start3A_94] : memref<1024xi32, #tpu.memory_space<vmem>> -> memref<128xi32, #tpu.memory_space<vmem>>
    %dma_start3A_96 = arith.constant 0 : i32
    %dma_start3A_97 = arith.constant 0 : i32
    %dma_start3A_98 = tpu.memref_slice %arg2[%dma_start3A_96, %dma_start3A_97] : memref<262144x128xf32, #tpu.memory_space<hbm>> -> memref<262144x128xf32, #tpu.memory_space<hbm>>
    tpu.enqueue_indirect_dma source(%dma_start3A_98 : memref<262144x128xf32, #tpu.memory_space<hbm>>) target(%dma_start3A_93 : memref<128x128xf32, #tpu.memory_space<vmem>>) offsets(%dma_start3A_95 : memref<128xi32, #tpu.memory_space<vmem>>) semaphore(%arg8 : memref<!tpu.dma_semaphore, #tpu.memory_space<semaphore_mem>>)
    %dma_wait3A_99 = arith.constant 0 : i32
    %dma_wait3A_100 = arith.constant 0 : i32
    %dma_wait3A_101 = tpu.memref_slice %arg6[%dma_wait3A_99, %dma_wait3A_100] : memref<256x128xf32, #tpu.memory_space<vmem>> -> memref<128x128xf32, #tpu.memory_space<vmem>>
    %dma_wait3A_102 = arith.constant 512 : i32
    %dma_wait3A_103 = tpu.memref_slice %arg5[%dma_wait3A_102] : memref<1024xi32, #tpu.memory_space<vmem>> -> memref<128xi32, #tpu.memory_space<vmem>>
    %dma_wait3A_104 = arith.constant 0 : i32
    %dma_wait3A_105 = arith.constant 0 : i32
    %dma_wait3A_106 = tpu.memref_slice %arg2[%dma_wait3A_104, %dma_wait3A_105] : memref<262144x128xf32, #tpu.memory_space<hbm>> -> memref<262144x128xf32, #tpu.memory_space<hbm>>
    tpu.wait_indirect_dma semaphore(%arg8 : memref<!tpu.dma_semaphore, #tpu.memory_space<semaphore_mem>>) src(%dma_wait3A_106 : memref<262144x128xf32, #tpu.memory_space<hbm>>) dst(%dma_wait3A_101 : memref<128x128xf32, #tpu.memory_space<vmem>>)
    %dma_wait3A_107 = arith.constant 128 : i32
    %dma_wait3A_108 = arith.constant 0 : i32
    %dma_wait3A_109 = tpu.memref_slice %arg6[%dma_wait3A_107, %dma_wait3A_108] : memref<256x128xf32, #tpu.memory_space<vmem>> -> memref<128x128xf32, #tpu.memory_space<vmem>>
    %dma_wait3A_110 = arith.constant 640 : i32
    %dma_wait3A_111 = tpu.memref_slice %arg5[%dma_wait3A_110] : memref<1024xi32, #tpu.memory_space<vmem>> -> memref<128xi32, #tpu.memory_space<vmem>>
    %dma_wait3A_112 = arith.constant 0 : i32
    %dma_wait3A_113 = arith.constant 0 : i32
    %dma_wait3A_114 = tpu.memref_slice %arg2[%dma_wait3A_112, %dma_wait3A_113] : memref<262144x128xf32, #tpu.memory_space<hbm>> -> memref<262144x128xf32, #tpu.memory_space<hbm>>
    tpu.wait_indirect_dma semaphore(%arg8 : memref<!tpu.dma_semaphore, #tpu.memory_space<semaphore_mem>>) src(%dma_wait3A_114 : memref<262144x128xf32, #tpu.memory_space<hbm>>) dst(%dma_wait3A_109 : memref<128x128xf32, #tpu.memory_space<vmem>>)
    %add3A_115 = arith.constant 512 : i32
    %add3A_116 = arith.addi %mul3A_2, %add3A_115 : i32
    %dma_start3A_117 = arith.constant 0 : i32
    %dma_start3A_118 = tpu.memref_slice %arg4[%add3A_116, %dma_start3A_117] : memref<32768x128xf32, #tpu.memory_space<hbm>> -> memref<256x128xf32, #tpu.memory_space<hbm>>
    %dma_start3A_119 = arith.constant 0 : i32
    %dma_start3A_120 = tpu.memref_slice %arg4[%add3A_116, %dma_start3A_119] : memref<32768x128xf32, #tpu.memory_space<hbm>> -> memref<256x128xf32, #tpu.memory_space<hbm>>
    tpu.enqueue_dma source(%arg6 : memref<256x128xf32, #tpu.memory_space<vmem>>) target(%dma_start3A_120 : memref<256x128xf32, #tpu.memory_space<hbm>>) target_semaphore(%arg9 : memref<!tpu.dma_semaphore, #tpu.memory_space<semaphore_mem>>)
    %add3A_121 = arith.constant 256 : i32
    %add3A_122 = arith.addi %mul3A_2, %add3A_121 : i32
    %dma_wait3A_123 = arith.constant 0 : i32
    %dma_wait3A_124 = tpu.memref_slice %arg4[%add3A_122, %dma_wait3A_123] : memref<32768x128xf32, #tpu.memory_space<hbm>> -> memref<256x128xf32, #tpu.memory_space<hbm>>
    %dma_wait3A_125 = arith.constant 0 : i32
    %dma_wait3A_126 = tpu.memref_slice %arg4[%add3A_122, %dma_wait3A_125] : memref<32768x128xf32, #tpu.memory_space<hbm>> -> memref<256x128xf32, #tpu.memory_space<hbm>>
    tpu.wait_dma2 semaphore(%arg10 : memref<!tpu.dma_semaphore, #tpu.memory_space<semaphore_mem>>) src(%arg7 : memref<256x128xf32, #tpu.memory_space<vmem>>) dst(%dma_wait3A_126 : memref<256x128xf32, #tpu.memory_space<hbm>>)
    %dma_start3A_127 = arith.constant 0 : i32
    %dma_start3A_128 = arith.constant 0 : i32
    %dma_start3A_129 = tpu.memref_slice %arg7[%dma_start3A_127, %dma_start3A_128] : memref<256x128xf32, #tpu.memory_space<vmem>> -> memref<128x128xf32, #tpu.memory_space<vmem>>
    %dma_start3A_130 = arith.constant 768 : i32
    %dma_start3A_131 = tpu.memref_slice %arg5[%dma_start3A_130] : memref<1024xi32, #tpu.memory_space<vmem>> -> memref<128xi32, #tpu.memory_space<vmem>>
    %dma_start3A_132 = arith.constant 0 : i32
    %dma_start3A_133 = arith.constant 0 : i32
    %dma_start3A_134 = tpu.memref_slice %arg2[%dma_start3A_132, %dma_start3A_133] : memref<262144x128xf32, #tpu.memory_space<hbm>> -> memref<262144x128xf32, #tpu.memory_space<hbm>>
    tpu.enqueue_indirect_dma source(%dma_start3A_134 : memref<262144x128xf32, #tpu.memory_space<hbm>>) target(%dma_start3A_129 : memref<128x128xf32, #tpu.memory_space<vmem>>) offsets(%dma_start3A_131 : memref<128xi32, #tpu.memory_space<vmem>>) semaphore(%arg8 : memref<!tpu.dma_semaphore, #tpu.memory_space<semaphore_mem>>)
    %dma_start3A_135 = arith.constant 128 : i32
    %dma_start3A_136 = arith.constant 0 : i32
    %dma_start3A_137 = tpu.memref_slice %arg7[%dma_start3A_135, %dma_start3A_136] : memref<256x128xf32, #tpu.memory_space<vmem>> -> memref<128x128xf32, #tpu.memory_space<vmem>>
    %dma_start3A_138 = arith.constant 896 : i32
    %dma_start3A_139 = tpu.memref_slice %arg5[%dma_start3A_138] : memref<1024xi32, #tpu.memory_space<vmem>> -> memref<128xi32, #tpu.memory_space<vmem>>
    %dma_start3A_140 = arith.constant 0 : i32
    %dma_start3A_141 = arith.constant 0 : i32
    %dma_start3A_142 = tpu.memref_slice %arg2[%dma_start3A_140, %dma_start3A_141] : memref<262144x128xf32, #tpu.memory_space<hbm>> -> memref<262144x128xf32, #tpu.memory_space<hbm>>
    tpu.enqueue_indirect_dma source(%dma_start3A_142 : memref<262144x128xf32, #tpu.memory_space<hbm>>) target(%dma_start3A_137 : memref<128x128xf32, #tpu.memory_space<vmem>>) offsets(%dma_start3A_139 : memref<128xi32, #tpu.memory_space<vmem>>) semaphore(%arg8 : memref<!tpu.dma_semaphore, #tpu.memory_space<semaphore_mem>>)
    %dma_wait3A_143 = arith.constant 0 : i32
    %dma_wait3A_144 = arith.constant 0 : i32
    %dma_wait3A_145 = tpu.memref_slice %arg7[%dma_wait3A_143, %dma_wait3A_144] : memref<256x128xf32, #tpu.memory_space<vmem>> -> memref<128x128xf32, #tpu.memory_space<vmem>>
    %dma_wait3A_146 = arith.constant 768 : i32
    %dma_wait3A_147 = tpu.memref_slice %arg5[%dma_wait3A_146] : memref<1024xi32, #tpu.memory_space<vmem>> -> memref<128xi32, #tpu.memory_space<vmem>>
    %dma_wait3A_148 = arith.constant 0 : i32
    %dma_wait3A_149 = arith.constant 0 : i32
    %dma_wait3A_150 = tpu.memref_slice %arg2[%dma_wait3A_148, %dma_wait3A_149] : memref<262144x128xf32, #tpu.memory_space<hbm>> -> memref<262144x128xf32, #tpu.memory_space<hbm>>
    tpu.wait_indirect_dma semaphore(%arg8 : memref<!tpu.dma_semaphore, #tpu.memory_space<semaphore_mem>>) src(%dma_wait3A_150 : memref<262144x128xf32, #tpu.memory_space<hbm>>) dst(%dma_wait3A_145 : memref<128x128xf32, #tpu.memory_space<vmem>>)
    %dma_wait3A_151 = arith.constant 128 : i32
    %dma_wait3A_152 = arith.constant 0 : i32
    %dma_wait3A_153 = tpu.memref_slice %arg7[%dma_wait3A_151, %dma_wait3A_152] : memref<256x128xf32, #tpu.memory_space<vmem>> -> memref<128x128xf32, #tpu.memory_space<vmem>>
    %dma_wait3A_154 = arith.constant 896 : i32
    %dma_wait3A_155 = tpu.memref_slice %arg5[%dma_wait3A_154] : memref<1024xi32, #tpu.memory_space<vmem>> -> memref<128xi32, #tpu.memory_space<vmem>>
    %dma_wait3A_156 = arith.constant 0 : i32
    %dma_wait3A_157 = arith.constant 0 : i32
    %dma_wait3A_158 = tpu.memref_slice %arg2[%dma_wait3A_156, %dma_wait3A_157] : memref<262144x128xf32, #tpu.memory_space<hbm>> -> memref<262144x128xf32, #tpu.memory_space<hbm>>
    tpu.wait_indirect_dma semaphore(%arg8 : memref<!tpu.dma_semaphore, #tpu.memory_space<semaphore_mem>>) src(%dma_wait3A_158 : memref<262144x128xf32, #tpu.memory_space<hbm>>) dst(%dma_wait3A_153 : memref<128x128xf32, #tpu.memory_space<vmem>>)
    %add3A_159 = arith.constant 768 : i32
    %add3A_160 = arith.addi %mul3A_2, %add3A_159 : i32
    %dma_start3A_161 = arith.constant 0 : i32
    %dma_start3A_162 = tpu.memref_slice %arg4[%add3A_160, %dma_start3A_161] : memref<32768x128xf32, #tpu.memory_space<hbm>> -> memref<256x128xf32, #tpu.memory_space<hbm>>
    %dma_start3A_163 = arith.constant 0 : i32
    %dma_start3A_164 = tpu.memref_slice %arg4[%add3A_160, %dma_start3A_163] : memref<32768x128xf32, #tpu.memory_space<hbm>> -> memref<256x128xf32, #tpu.memory_space<hbm>>
    tpu.enqueue_dma source(%arg7 : memref<256x128xf32, #tpu.memory_space<vmem>>) target(%dma_start3A_164 : memref<256x128xf32, #tpu.memory_space<hbm>>) target_semaphore(%arg10 : memref<!tpu.dma_semaphore, #tpu.memory_space<semaphore_mem>>)
    %add3A_165 = arith.constant 512 : i32
    %add3A_166 = arith.addi %mul3A_2, %add3A_165 : i32
    %dma_wait3A_167 = arith.constant 0 : i32
    %dma_wait3A_168 = tpu.memref_slice %arg4[%add3A_166, %dma_wait3A_167] : memref<32768x128xf32, #tpu.memory_space<hbm>> -> memref<256x128xf32, #tpu.memory_space<hbm>>
    %dma_wait3A_169 = arith.constant 0 : i32
    %dma_wait3A_170 = tpu.memref_slice %arg4[%add3A_166, %dma_wait3A_169] : memref<32768x128xf32, #tpu.memory_space<hbm>> -> memref<256x128xf32, #tpu.memory_space<hbm>>
    tpu.wait_dma2 semaphore(%arg9 : memref<!tpu.dma_semaphore, #tpu.memory_space<semaphore_mem>>) src(%arg6 : memref<256x128xf32, #tpu.memory_space<vmem>>) dst(%dma_wait3A_170 : memref<256x128xf32, #tpu.memory_space<hbm>>)
    %add3A_171 = arith.constant 768 : i32
    %add3A_172 = arith.addi %mul3A_2, %add3A_171 : i32
    %dma_wait3A_173 = arith.constant 0 : i32
    %dma_wait3A_174 = tpu.memref_slice %arg4[%add3A_172, %dma_wait3A_173] : memref<32768x128xf32, #tpu.memory_space<hbm>> -> memref<256x128xf32, #tpu.memory_space<hbm>>
    %dma_wait3A_175 = arith.constant 0 : i32
    %dma_wait3A_176 = tpu.memref_slice %arg4[%add3A_172, %dma_wait3A_175] : memref<32768x128xf32, #tpu.memory_space<hbm>> -> memref<256x128xf32, #tpu.memory_space<hbm>>
    tpu.wait_dma2 semaphore(%arg10 : memref<!tpu.dma_semaphore, #tpu.memory_space<semaphore_mem>>) src(%arg7 : memref<256x128xf32, #tpu.memory_space<vmem>>) dst(%dma_wait3A_176 : memref<256x128xf32, #tpu.memory_space<hbm>>)
    return
  }
}

#map = affine_map<(d0, d1) -> (0, 0)>
#map1 = affine_map<(d0, d1) -> (0)>
module attributes {stable_mosaic.version = 14 : i64} {
  func.func @gk(%arg0: i32, %arg1: i32, %arg2: memref<262144x128xf32, #tpu.memory_space<hbm>>, %arg3: memref<32768xi32, #tpu.memory_space<hbm>>, %arg4: memref<32768x128xf32, #tpu.memory_space<hbm>>, %arg5: memref<1024xi32, #tpu.memory_space<vmem>>, %arg6: memref<256x128xf32, #tpu.memory_space<vmem>>, %arg7: memref<256x128xf32, #tpu.memory_space<vmem>>, %arg8: memref<!tpu.dma_semaphore, #tpu.memory_space<semaphore_mem>>, %arg9: memref<!tpu.dma_semaphore, #tpu.memory_space<semaphore_mem>>, %arg10: memref<!tpu.dma_semaphore, #tpu.memory_space<semaphore_mem>>) attributes {dimension_semantics = [#tpu.dimension_semantics<core_parallel>, #tpu.dimension_semantics<subcore_parallel>], iteration_bounds = array<i64: 2, 16>, scalar_prefetch = 0 : i64, scratch_operands = 6 : i64, tpu.core_type = #tpu.core_type<sc_vector_subcore>, window_params = [{transform_indices = #map}, {transform_indices = #map1}, {transform_indices = #map}]} {
    %mul3A = arith.constant 2 : i32
    %mul3A_0 = arith.muli %arg1, %mul3A : i32
    %add3A = arith.addi %mul3A_0, %arg0 : i32
    %mul3A_1 = arith.constant 1024 : i32
    %mul3A_2 = arith.muli %add3A, %mul3A_1 : i32
    "tpu.region"() ({
      %run_scoped3A = tpu.sem_alloc : memref<!tpu.dma_semaphore, #tpu.memory_space<semaphore_mem>>
      %dma_start3A_177 = tpu.memref_slice %arg3[%mul3A_2] : memref<32768xi32, #tpu.memory_space<hbm>> -> memref<1024xi32, #tpu.memory_space<hbm>>
      %dma_start3A_178 = tpu.memref_slice %arg3[%mul3A_2] : memref<32768xi32, #tpu.memory_space<hbm>> -> memref<1024xi32, #tpu.memory_space<hbm>>
      tpu.enqueue_dma source(%dma_start3A_178 : memref<1024xi32, #tpu.memory_space<hbm>>) target(%arg5 : memref<1024xi32, #tpu.memory_space<vmem>>) target_semaphore(%run_scoped3A : memref<!tpu.dma_semaphore, #tpu.memory_space<semaphore_mem>>)
      %dma_wait3A_179 = tpu.memref_slice %arg3[%mul3A_2] : memref<32768xi32, #tpu.memory_space<hbm>> -> memref<1024xi32, #tpu.memory_space<hbm>>
      %dma_wait3A_180 = tpu.memref_slice %arg3[%mul3A_2] : memref<32768xi32, #tpu.memory_space<hbm>> -> memref<1024xi32, #tpu.memory_space<hbm>>
      tpu.wait_dma2 semaphore(%run_scoped3A : memref<!tpu.dma_semaphore, #tpu.memory_space<semaphore_mem>>) src(%dma_wait3A_180 : memref<1024xi32, #tpu.memory_space<hbm>>) dst(%arg5 : memref<1024xi32, #tpu.memory_space<vmem>>)
      tpu.yield
    }) : () -> ()
    %dma_start3A = arith.constant 0 : i32
    %dma_start3A_3 = arith.constant 0 : i32
    %dma_start3A_4 = tpu.memref_slice %arg6[%dma_start3A, %dma_start3A_3] : memref<256x128xf32, #tpu.memory_space<vmem>> -> memref<128x128xf32, #tpu.memory_space<vmem>>
    %dma_start3A_5 = arith.constant 0 : i32
    %dma_start3A_6 = tpu.memref_slice %arg5[%dma_start3A_5] : memref<1024xi32, #tpu.memory_space<vmem>> -> memref<128xi32, #tpu.memory_space<vmem>>
    %dma_start3A_7 = arith.constant 0 : i32
    %dma_start3A_8 = arith.constant 0 : i32
    %dma_start3A_9 = tpu.memref_slice %arg2[%dma_start3A_7, %dma_start3A_8] : memref<262144x128xf32, #tpu.memory_space<hbm>> -> memref<262144x128xf32, #tpu.memory_space<hbm>>
    tpu.enqueue_indirect_dma source(%dma_start3A_9 : memref<262144x128xf32, #tpu.memory_space<hbm>>) target(%dma_start3A_4 : memref<128x128xf32, #tpu.memory_space<vmem>>) offsets(%dma_start3A_6 : memref<128xi32, #tpu.memory_space<vmem>>) semaphore(%arg8 : memref<!tpu.dma_semaphore, #tpu.memory_space<semaphore_mem>>)
    %dma_start3A_10 = arith.constant 128 : i32
    %dma_start3A_11 = arith.constant 0 : i32
    %dma_start3A_12 = tpu.memref_slice %arg6[%dma_start3A_10, %dma_start3A_11] : memref<256x128xf32, #tpu.memory_space<vmem>> -> memref<128x128xf32, #tpu.memory_space<vmem>>
    %dma_start3A_13 = arith.constant 128 : i32
    %dma_start3A_14 = tpu.memref_slice %arg5[%dma_start3A_13] : memref<1024xi32, #tpu.memory_space<vmem>> -> memref<128xi32, #tpu.memory_space<vmem>>
    %dma_start3A_15 = arith.constant 0 : i32
    %dma_start3A_16 = arith.constant 0 : i32
    %dma_start3A_17 = tpu.memref_slice %arg2[%dma_start3A_15, %dma_start3A_16] : memref<262144x128xf32, #tpu.memory_space<hbm>> -> memref<262144x128xf32, #tpu.memory_space<hbm>>
    tpu.enqueue_indirect_dma source(%dma_start3A_17 : memref<262144x128xf32, #tpu.memory_space<hbm>>) target(%dma_start3A_12 : memref<128x128xf32, #tpu.memory_space<vmem>>) offsets(%dma_start3A_14 : memref<128xi32, #tpu.memory_space<vmem>>) semaphore(%arg8 : memref<!tpu.dma_semaphore, #tpu.memory_space<semaphore_mem>>)
    %dma_wait3A = arith.constant 0 : i32
    %dma_wait3A_18 = arith.constant 0 : i32
    %dma_wait3A_19 = tpu.memref_slice %arg6[%dma_wait3A, %dma_wait3A_18] : memref<256x128xf32, #tpu.memory_space<vmem>> -> memref<128x128xf32, #tpu.memory_space<vmem>>
    %dma_wait3A_20 = arith.constant 0 : i32
    %dma_wait3A_21 = tpu.memref_slice %arg5[%dma_wait3A_20] : memref<1024xi32, #tpu.memory_space<vmem>> -> memref<128xi32, #tpu.memory_space<vmem>>
    %dma_wait3A_22 = arith.constant 0 : i32
    %dma_wait3A_23 = arith.constant 0 : i32
    %dma_wait3A_24 = tpu.memref_slice %arg2[%dma_wait3A_22, %dma_wait3A_23] : memref<262144x128xf32, #tpu.memory_space<hbm>> -> memref<262144x128xf32, #tpu.memory_space<hbm>>
    tpu.wait_indirect_dma semaphore(%arg8 : memref<!tpu.dma_semaphore, #tpu.memory_space<semaphore_mem>>) src(%dma_wait3A_24 : memref<262144x128xf32, #tpu.memory_space<hbm>>) dst(%dma_wait3A_19 : memref<128x128xf32, #tpu.memory_space<vmem>>)
    %dma_wait3A_25 = arith.constant 128 : i32
    %dma_wait3A_26 = arith.constant 0 : i32
    %dma_wait3A_27 = tpu.memref_slice %arg6[%dma_wait3A_25, %dma_wait3A_26] : memref<256x128xf32, #tpu.memory_space<vmem>> -> memref<128x128xf32, #tpu.memory_space<vmem>>
    %dma_wait3A_28 = arith.constant 128 : i32
    %dma_wait3A_29 = tpu.memref_slice %arg5[%dma_wait3A_28] : memref<1024xi32, #tpu.memory_space<vmem>> -> memref<128xi32, #tpu.memory_space<vmem>>
    %dma_wait3A_30 = arith.constant 0 : i32
    %dma_wait3A_31 = arith.constant 0 : i32
    %dma_wait3A_32 = tpu.memref_slice %arg2[%dma_wait3A_30, %dma_wait3A_31] : memref<262144x128xf32, #tpu.memory_space<hbm>> -> memref<262144x128xf32, #tpu.memory_space<hbm>>
    tpu.wait_indirect_dma semaphore(%arg8 : memref<!tpu.dma_semaphore, #tpu.memory_space<semaphore_mem>>) src(%dma_wait3A_32 : memref<262144x128xf32, #tpu.memory_space<hbm>>) dst(%dma_wait3A_27 : memref<128x128xf32, #tpu.memory_space<vmem>>)
    %add3A_33 = arith.constant 0 : i32
    %add3A_34 = arith.addi %mul3A_2, %add3A_33 : i32
    %dma_start3A_35 = arith.constant 0 : i32
    %dma_start3A_36 = tpu.memref_slice %arg4[%add3A_34, %dma_start3A_35] : memref<32768x128xf32, #tpu.memory_space<hbm>> -> memref<256x128xf32, #tpu.memory_space<hbm>>
    %dma_start3A_37 = arith.constant 0 : i32
    %dma_start3A_38 = tpu.memref_slice %arg4[%add3A_34, %dma_start3A_37] : memref<32768x128xf32, #tpu.memory_space<hbm>> -> memref<256x128xf32, #tpu.memory_space<hbm>>
    tpu.enqueue_dma source(%arg6 : memref<256x128xf32, #tpu.memory_space<vmem>>) target(%dma_start3A_38 : memref<256x128xf32, #tpu.memory_space<hbm>>) target_semaphore(%arg9 : memref<!tpu.dma_semaphore, #tpu.memory_space<semaphore_mem>>)
    %dma_start3A_39 = arith.constant 0 : i32
    %dma_start3A_40 = arith.constant 0 : i32
    %dma_start3A_41 = tpu.memref_slice %arg7[%dma_start3A_39, %dma_start3A_40] : memref<256x128xf32, #tpu.memory_space<vmem>> -> memref<128x128xf32, #tpu.memory_space<vmem>>
    %dma_start3A_42 = arith.constant 256 : i32
    %dma_start3A_43 = tpu.memref_slice %arg5[%dma_start3A_42] : memref<1024xi32, #tpu.memory_space<vmem>> -> memref<128xi32, #tpu.memory_space<vmem>>
    %dma_start3A_44 = arith.constant 0 : i32
    %dma_start3A_45 = arith.constant 0 : i32
    %dma_start3A_46 = tpu.memref_slice %arg2[%dma_start3A_44, %dma_start3A_45] : memref<262144x128xf32, #tpu.memory_space<hbm>> -> memref<262144x128xf32, #tpu.memory_space<hbm>>
    tpu.enqueue_indirect_dma source(%dma_start3A_46 : memref<262144x128xf32, #tpu.memory_space<hbm>>) target(%dma_start3A_41 : memref<128x128xf32, #tpu.memory_space<vmem>>) offsets(%dma_start3A_43 : memref<128xi32, #tpu.memory_space<vmem>>) semaphore(%arg8 : memref<!tpu.dma_semaphore, #tpu.memory_space<semaphore_mem>>)
    %dma_start3A_47 = arith.constant 128 : i32
    %dma_start3A_48 = arith.constant 0 : i32
    %dma_start3A_49 = tpu.memref_slice %arg7[%dma_start3A_47, %dma_start3A_48] : memref<256x128xf32, #tpu.memory_space<vmem>> -> memref<128x128xf32, #tpu.memory_space<vmem>>
    %dma_start3A_50 = arith.constant 384 : i32
    %dma_start3A_51 = tpu.memref_slice %arg5[%dma_start3A_50] : memref<1024xi32, #tpu.memory_space<vmem>> -> memref<128xi32, #tpu.memory_space<vmem>>
    %dma_start3A_52 = arith.constant 0 : i32
    %dma_start3A_53 = arith.constant 0 : i32
    %dma_start3A_54 = tpu.memref_slice %arg2[%dma_start3A_52, %dma_start3A_53] : memref<262144x128xf32, #tpu.memory_space<hbm>> -> memref<262144x128xf32, #tpu.memory_space<hbm>>
    tpu.enqueue_indirect_dma source(%dma_start3A_54 : memref<262144x128xf32, #tpu.memory_space<hbm>>) target(%dma_start3A_49 : memref<128x128xf32, #tpu.memory_space<vmem>>) offsets(%dma_start3A_51 : memref<128xi32, #tpu.memory_space<vmem>>) semaphore(%arg8 : memref<!tpu.dma_semaphore, #tpu.memory_space<semaphore_mem>>)
    %dma_wait3A_55 = arith.constant 0 : i32
    %dma_wait3A_56 = arith.constant 0 : i32
    %dma_wait3A_57 = tpu.memref_slice %arg7[%dma_wait3A_55, %dma_wait3A_56] : memref<256x128xf32, #tpu.memory_space<vmem>> -> memref<128x128xf32, #tpu.memory_space<vmem>>
    %dma_wait3A_58 = arith.constant 256 : i32
    %dma_wait3A_59 = tpu.memref_slice %arg5[%dma_wait3A_58] : memref<1024xi32, #tpu.memory_space<vmem>> -> memref<128xi32, #tpu.memory_space<vmem>>
    %dma_wait3A_60 = arith.constant 0 : i32
    %dma_wait3A_61 = arith.constant 0 : i32
    %dma_wait3A_62 = tpu.memref_slice %arg2[%dma_wait3A_60, %dma_wait3A_61] : memref<262144x128xf32, #tpu.memory_space<hbm>> -> memref<262144x128xf32, #tpu.memory_space<hbm>>
    tpu.wait_indirect_dma semaphore(%arg8 : memref<!tpu.dma_semaphore, #tpu.memory_space<semaphore_mem>>) src(%dma_wait3A_62 : memref<262144x128xf32, #tpu.memory_space<hbm>>) dst(%dma_wait3A_57 : memref<128x128xf32, #tpu.memory_space<vmem>>)
    %dma_wait3A_63 = arith.constant 128 : i32
    %dma_wait3A_64 = arith.constant 0 : i32
    %dma_wait3A_65 = tpu.memref_slice %arg7[%dma_wait3A_63, %dma_wait3A_64] : memref<256x128xf32, #tpu.memory_space<vmem>> -> memref<128x128xf32, #tpu.memory_space<vmem>>
    %dma_wait3A_66 = arith.constant 384 : i32
    %dma_wait3A_67 = tpu.memref_slice %arg5[%dma_wait3A_66] : memref<1024xi32, #tpu.memory_space<vmem>> -> memref<128xi32, #tpu.memory_space<vmem>>
    %dma_wait3A_68 = arith.constant 0 : i32
    %dma_wait3A_69 = arith.constant 0 : i32
    %dma_wait3A_70 = tpu.memref_slice %arg2[%dma_wait3A_68, %dma_wait3A_69] : memref<262144x128xf32, #tpu.memory_space<hbm>> -> memref<262144x128xf32, #tpu.memory_space<hbm>>
    tpu.wait_indirect_dma semaphore(%arg8 : memref<!tpu.dma_semaphore, #tpu.memory_space<semaphore_mem>>) src(%dma_wait3A_70 : memref<262144x128xf32, #tpu.memory_space<hbm>>) dst(%dma_wait3A_65 : memref<128x128xf32, #tpu.memory_space<vmem>>)
    %add3A_71 = arith.constant 256 : i32
    %add3A_72 = arith.addi %mul3A_2, %add3A_71 : i32
    %dma_start3A_73 = arith.constant 0 : i32
    %dma_start3A_74 = tpu.memref_slice %arg4[%add3A_72, %dma_start3A_73] : memref<32768x128xf32, #tpu.memory_space<hbm>> -> memref<256x128xf32, #tpu.memory_space<hbm>>
    %dma_start3A_75 = arith.constant 0 : i32
    %dma_start3A_76 = tpu.memref_slice %arg4[%add3A_72, %dma_start3A_75] : memref<32768x128xf32, #tpu.memory_space<hbm>> -> memref<256x128xf32, #tpu.memory_space<hbm>>
    tpu.enqueue_dma source(%arg7 : memref<256x128xf32, #tpu.memory_space<vmem>>) target(%dma_start3A_76 : memref<256x128xf32, #tpu.memory_space<hbm>>) target_semaphore(%arg10 : memref<!tpu.dma_semaphore, #tpu.memory_space<semaphore_mem>>)
    %add3A_77 = arith.constant 0 : i32
    %add3A_78 = arith.addi %mul3A_2, %add3A_77 : i32
    %dma_wait3A_79 = arith.constant 0 : i32
    %dma_wait3A_80 = tpu.memref_slice %arg4[%add3A_78, %dma_wait3A_79] : memref<32768x128xf32, #tpu.memory_space<hbm>> -> memref<256x128xf32, #tpu.memory_space<hbm>>
    %dma_wait3A_81 = arith.constant 0 : i32
    %dma_wait3A_82 = tpu.memref_slice %arg4[%add3A_78, %dma_wait3A_81] : memref<32768x128xf32, #tpu.memory_space<hbm>> -> memref<256x128xf32, #tpu.memory_space<hbm>>
    tpu.wait_dma2 semaphore(%arg9 : memref<!tpu.dma_semaphore, #tpu.memory_space<semaphore_mem>>) src(%arg6 : memref<256x128xf32, #tpu.memory_space<vmem>>) dst(%dma_wait3A_82 : memref<256x128xf32, #tpu.memory_space<hbm>>)
    %dma_start3A_83 = arith.constant 0 : i32
    %dma_start3A_84 = arith.constant 0 : i32
    %dma_start3A_85 = tpu.memref_slice %arg6[%dma_start3A_83, %dma_start3A_84] : memref<256x128xf32, #tpu.memory_space<vmem>> -> memref<128x128xf32, #tpu.memory_space<vmem>>
    %dma_start3A_86 = arith.constant 512 : i32
    %dma_start3A_87 = tpu.memref_slice %arg5[%dma_start3A_86] : memref<1024xi32, #tpu.memory_space<vmem>> -> memref<128xi32, #tpu.memory_space<vmem>>
    %dma_start3A_88 = arith.constant 0 : i32
    %dma_start3A_89 = arith.constant 0 : i32
    %dma_start3A_90 = tpu.memref_slice %arg2[%dma_start3A_88, %dma_start3A_89] : memref<262144x128xf32, #tpu.memory_space<hbm>> -> memref<262144x128xf32, #tpu.memory_space<hbm>>
    tpu.enqueue_indirect_dma source(%dma_start3A_90 : memref<262144x128xf32, #tpu.memory_space<hbm>>) target(%dma_start3A_85 : memref<128x128xf32, #tpu.memory_space<vmem>>) offsets(%dma_start3A_87 : memref<128xi32, #tpu.memory_space<vmem>>) semaphore(%arg8 : memref<!tpu.dma_semaphore, #tpu.memory_space<semaphore_mem>>)
    %dma_start3A_91 = arith.constant 128 : i32
    %dma_start3A_92 = arith.constant 0 : i32
    %dma_start3A_93 = tpu.memref_slice %arg6[%dma_start3A_91, %dma_start3A_92] : memref<256x128xf32, #tpu.memory_space<vmem>> -> memref<128x128xf32, #tpu.memory_space<vmem>>
    %dma_start3A_94 = arith.constant 640 : i32
    %dma_start3A_95 = tpu.memref_slice %arg5[%dma_start3A_94] : memref<1024xi32, #tpu.memory_space<vmem>> -> memref<128xi32, #tpu.memory_space<vmem>>
    %dma_start3A_96 = arith.constant 0 : i32
    %dma_start3A_97 = arith.constant 0 : i32
    %dma_start3A_98 = tpu.memref_slice %arg2[%dma_start3A_96, %dma_start3A_97] : memref<262144x128xf32, #tpu.memory_space<hbm>> -> memref<262144x128xf32, #tpu.memory_space<hbm>>
    tpu.enqueue_indirect_dma source(%dma_start3A_98 : memref<262144x128xf32, #tpu.memory_space<hbm>>) target(%dma_start3A_93 : memref<128x128xf32, #tpu.memory_space<vmem>>) offsets(%dma_start3A_95 : memref<128xi32, #tpu.memory_space<vmem>>) semaphore(%arg8 : memref<!tpu.dma_semaphore, #tpu.memory_space<semaphore_mem>>)
    %dma_wait3A_99 = arith.constant 0 : i32
    %dma_wait3A_100 = arith.constant 0 : i32
    %dma_wait3A_101 = tpu.memref_slice %arg6[%dma_wait3A_99, %dma_wait3A_100] : memref<256x128xf32, #tpu.memory_space<vmem>> -> memref<128x128xf32, #tpu.memory_space<vmem>>
    %dma_wait3A_102 = arith.constant 512 : i32
    %dma_wait3A_103 = tpu.memref_slice %arg5[%dma_wait3A_102] : memref<1024xi32, #tpu.memory_space<vmem>> -> memref<128xi32, #tpu.memory_space<vmem>>
    %dma_wait3A_104 = arith.constant 0 : i32
    %dma_wait3A_105 = arith.constant 0 : i32
    %dma_wait3A_106 = tpu.memref_slice %arg2[%dma_wait3A_104, %dma_wait3A_105] : memref<262144x128xf32, #tpu.memory_space<hbm>> -> memref<262144x128xf32, #tpu.memory_space<hbm>>
    tpu.wait_indirect_dma semaphore(%arg8 : memref<!tpu.dma_semaphore, #tpu.memory_space<semaphore_mem>>) src(%dma_wait3A_106 : memref<262144x128xf32, #tpu.memory_space<hbm>>) dst(%dma_wait3A_101 : memref<128x128xf32, #tpu.memory_space<vmem>>)
    %dma_wait3A_107 = arith.constant 128 : i32
    %dma_wait3A_108 = arith.constant 0 : i32
    %dma_wait3A_109 = tpu.memref_slice %arg6[%dma_wait3A_107, %dma_wait3A_108] : memref<256x128xf32, #tpu.memory_space<vmem>> -> memref<128x128xf32, #tpu.memory_space<vmem>>
    %dma_wait3A_110 = arith.constant 640 : i32
    %dma_wait3A_111 = tpu.memref_slice %arg5[%dma_wait3A_110] : memref<1024xi32, #tpu.memory_space<vmem>> -> memref<128xi32, #tpu.memory_space<vmem>>
    %dma_wait3A_112 = arith.constant 0 : i32
    %dma_wait3A_113 = arith.constant 0 : i32
    %dma_wait3A_114 = tpu.memref_slice %arg2[%dma_wait3A_112, %dma_wait3A_113] : memref<262144x128xf32, #tpu.memory_space<hbm>> -> memref<262144x128xf32, #tpu.memory_space<hbm>>
    tpu.wait_indirect_dma semaphore(%arg8 : memref<!tpu.dma_semaphore, #tpu.memory_space<semaphore_mem>>) src(%dma_wait3A_114 : memref<262144x128xf32, #tpu.memory_space<hbm>>) dst(%dma_wait3A_109 : memref<128x128xf32, #tpu.memory_space<vmem>>)
    %add3A_115 = arith.constant 512 : i32
    %add3A_116 = arith.addi %mul3A_2, %add3A_115 : i32
    %dma_start3A_117 = arith.constant 0 : i32
    %dma_start3A_118 = tpu.memref_slice %arg4[%add3A_116, %dma_start3A_117] : memref<32768x128xf32, #tpu.memory_space<hbm>> -> memref<256x128xf32, #tpu.memory_space<hbm>>
    %dma_start3A_119 = arith.constant 0 : i32
    %dma_start3A_120 = tpu.memref_slice %arg4[%add3A_116, %dma_start3A_119] : memref<32768x128xf32, #tpu.memory_space<hbm>> -> memref<256x128xf32, #tpu.memory_space<hbm>>
    tpu.enqueue_dma source(%arg6 : memref<256x128xf32, #tpu.memory_space<vmem>>) target(%dma_start3A_120 : memref<256x128xf32, #tpu.memory_space<hbm>>) target_semaphore(%arg9 : memref<!tpu.dma_semaphore, #tpu.memory_space<semaphore_mem>>)
    %add3A_121 = arith.constant 256 : i32
    %add3A_122 = arith.addi %mul3A_2, %add3A_121 : i32
    %dma_wait3A_123 = arith.constant 0 : i32
    %dma_wait3A_124 = tpu.memref_slice %arg4[%add3A_122, %dma_wait3A_123] : memref<32768x128xf32, #tpu.memory_space<hbm>> -> memref<256x128xf32, #tpu.memory_space<hbm>>
    %dma_wait3A_125 = arith.constant 0 : i32
    %dma_wait3A_126 = tpu.memref_slice %arg4[%add3A_122, %dma_wait3A_125] : memref<32768x128xf32, #tpu.memory_space<hbm>> -> memref<256x128xf32, #tpu.memory_space<hbm>>
    tpu.wait_dma2 semaphore(%arg10 : memref<!tpu.dma_semaphore, #tpu.memory_space<semaphore_mem>>) src(%arg7 : memref<256x128xf32, #tpu.memory_space<vmem>>) dst(%dma_wait3A_126 : memref<256x128xf32, #tpu.memory_space<hbm>>)
    %dma_start3A_127 = arith.constant 0 : i32
    %dma_start3A_128 = arith.constant 0 : i32
    %dma_start3A_129 = tpu.memref_slice %arg7[%dma_start3A_127, %dma_start3A_128] : memref<256x128xf32, #tpu.memory_space<vmem>> -> memref<128x128xf32, #tpu.memory_space<vmem>>
    %dma_start3A_130 = arith.constant 768 : i32
    %dma_start3A_131 = tpu.memref_slice %arg5[%dma_start3A_130] : memref<1024xi32, #tpu.memory_space<vmem>> -> memref<128xi32, #tpu.memory_space<vmem>>
    %dma_start3A_132 = arith.constant 0 : i32
    %dma_start3A_133 = arith.constant 0 : i32
    %dma_start3A_134 = tpu.memref_slice %arg2[%dma_start3A_132, %dma_start3A_133] : memref<262144x128xf32, #tpu.memory_space<hbm>> -> memref<262144x128xf32, #tpu.memory_space<hbm>>
    tpu.enqueue_indirect_dma source(%dma_start3A_134 : memref<262144x128xf32, #tpu.memory_space<hbm>>) target(%dma_start3A_129 : memref<128x128xf32, #tpu.memory_space<vmem>>) offsets(%dma_start3A_131 : memref<128xi32, #tpu.memory_space<vmem>>) semaphore(%arg8 : memref<!tpu.dma_semaphore, #tpu.memory_space<semaphore_mem>>)
    %dma_start3A_135 = arith.constant 128 : i32
    %dma_start3A_136 = arith.constant 0 : i32
    %dma_start3A_137 = tpu.memref_slice %arg7[%dma_start3A_135, %dma_start3A_136] : memref<256x128xf32, #tpu.memory_space<vmem>> -> memref<128x128xf32, #tpu.memory_space<vmem>>
    %dma_start3A_138 = arith.constant 896 : i32
    %dma_start3A_139 = tpu.memref_slice %arg5[%dma_start3A_138] : memref<1024xi32, #tpu.memory_space<vmem>> -> memref<128xi32, #tpu.memory_space<vmem>>
    %dma_start3A_140 = arith.constant 0 : i32
    %dma_start3A_141 = arith.constant 0 : i32
    %dma_start3A_142 = tpu.memref_slice %arg2[%dma_start3A_140, %dma_start3A_141] : memref<262144x128xf32, #tpu.memory_space<hbm>> -> memref<262144x128xf32, #tpu.memory_space<hbm>>
    tpu.enqueue_indirect_dma source(%dma_start3A_142 : memref<262144x128xf32, #tpu.memory_space<hbm>>) target(%dma_start3A_137 : memref<128x128xf32, #tpu.memory_space<vmem>>) offsets(%dma_start3A_139 : memref<128xi32, #tpu.memory_space<vmem>>) semaphore(%arg8 : memref<!tpu.dma_semaphore, #tpu.memory_space<semaphore_mem>>)
    %dma_wait3A_143 = arith.constant 0 : i32
    %dma_wait3A_144 = arith.constant 0 : i32
    %dma_wait3A_145 = tpu.memref_slice %arg7[%dma_wait3A_143, %dma_wait3A_144] : memref<256x128xf32, #tpu.memory_space<vmem>> -> memref<128x128xf32, #tpu.memory_space<vmem>>
    %dma_wait3A_146 = arith.constant 768 : i32
    %dma_wait3A_147 = tpu.memref_slice %arg5[%dma_wait3A_146] : memref<1024xi32, #tpu.memory_space<vmem>> -> memref<128xi32, #tpu.memory_space<vmem>>
    %dma_wait3A_148 = arith.constant 0 : i32
    %dma_wait3A_149 = arith.constant 0 : i32
    %dma_wait3A_150 = tpu.memref_slice %arg2[%dma_wait3A_148, %dma_wait3A_149] : memref<262144x128xf32, #tpu.memory_space<hbm>> -> memref<262144x128xf32, #tpu.memory_space<hbm>>
    tpu.wait_indirect_dma semaphore(%arg8 : memref<!tpu.dma_semaphore, #tpu.memory_space<semaphore_mem>>) src(%dma_wait3A_150 : memref<262144x128xf32, #tpu.memory_space<hbm>>) dst(%dma_wait3A_145 : memref<128x128xf32, #tpu.memory_space<vmem>>)
    %dma_wait3A_151 = arith.constant 128 : i32
    %dma_wait3A_152 = arith.constant 0 : i32
    %dma_wait3A_153 = tpu.memref_slice %arg7[%dma_wait3A_151, %dma_wait3A_152] : memref<256x128xf32, #tpu.memory_space<vmem>> -> memref<128x128xf32, #tpu.memory_space<vmem>>
    %dma_wait3A_154 = arith.constant 896 : i32
    %dma_wait3A_155 = tpu.memref_slice %arg5[%dma_wait3A_154] : memref<1024xi32, #tpu.memory_space<vmem>> -> memref<128xi32, #tpu.memory_space<vmem>>
    %dma_wait3A_156 = arith.constant 0 : i32
    %dma_wait3A_157 = arith.constant 0 : i32
    %dma_wait3A_158 = tpu.memref_slice %arg2[%dma_wait3A_156, %dma_wait3A_157] : memref<262144x128xf32, #tpu.memory_space<hbm>> -> memref<262144x128xf32, #tpu.memory_space<hbm>>
    tpu.wait_indirect_dma semaphore(%arg8 : memref<!tpu.dma_semaphore, #tpu.memory_space<semaphore_mem>>) src(%dma_wait3A_158 : memref<262144x128xf32, #tpu.memory_space<hbm>>) dst(%dma_wait3A_153 : memref<128x128xf32, #tpu.memory_space<vmem>>)
    %add3A_159 = arith.constant 768 : i32
    %add3A_160 = arith.addi %mul3A_2, %add3A_159 : i32
    %dma_start3A_161 = arith.constant 0 : i32
    %dma_start3A_162 = tpu.memref_slice %arg4[%add3A_160, %dma_start3A_161] : memref<32768x128xf32, #tpu.memory_space<hbm>> -> memref<256x128xf32, #tpu.memory_space<hbm>>
    %dma_start3A_163 = arith.constant 0 : i32
    %dma_start3A_164 = tpu.memref_slice %arg4[%add3A_160, %dma_start3A_163] : memref<32768x128xf32, #tpu.memory_space<hbm>> -> memref<256x128xf32, #tpu.memory_space<hbm>>
    tpu.enqueue_dma source(%arg7 : memref<256x128xf32, #tpu.memory_space<vmem>>) target(%dma_start3A_164 : memref<256x128xf32, #tpu.memory_space<hbm>>) target_semaphore(%arg10 : memref<!tpu.dma_semaphore, #tpu.memory_space<semaphore_mem>>)
    %add3A_165 = arith.constant 512 : i32
    %add3A_166 = arith.addi %mul3A_2, %add3A_165 : i32
    %dma_wait3A_167 = arith.constant 0 : i32
    %dma_wait3A_168 = tpu.memref_slice %arg4[%add3A_166, %dma_wait3A_167] : memref<32768x128xf32, #tpu.memory_space<hbm>> -> memref<256x128xf32, #tpu.memory_space<hbm>>
    %dma_wait3A_169 = arith.constant 0 : i32
    %dma_wait3A_170 = tpu.memref_slice %arg4[%add3A_166, %dma_wait3A_169] : memref<32768x128xf32, #tpu.memory_space<hbm>> -> memref<256x128xf32, #tpu.memory_space<hbm>>
    tpu.wait_dma2 semaphore(%arg9 : memref<!tpu.dma_semaphore, #tpu.memory_space<semaphore_mem>>) src(%arg6 : memref<256x128xf32, #tpu.memory_space<vmem>>) dst(%dma_wait3A_170 : memref<256x128xf32, #tpu.memory_space<hbm>>)
    %add3A_171 = arith.constant 768 : i32
    %add3A_172 = arith.addi %mul3A_2, %add3A_171 : i32
    %dma_wait3A_173 = arith.constant 0 : i32
    %dma_wait3A_174 = tpu.memref_slice %arg4[%add3A_172, %dma_wait3A_173] : memref<32768x128xf32, #tpu.memory_space<hbm>> -> memref<256x128xf32, #tpu.memory_space<hbm>>
    %dma_wait3A_175 = arith.constant 0 : i32
    %dma_wait3A_176 = tpu.memref_slice %arg4[%add3A_172, %dma_wait3A_175] : memref<32768x128xf32, #tpu.memory_space<hbm>> -> memref<256x128xf32, #tpu.memory_space<hbm>>
    tpu.wait_dma2 semaphore(%arg10 : memref<!tpu.dma_semaphore, #tpu.memory_space<semaphore_mem>>) src(%arg7 : memref<256x128xf32, #tpu.memory_space<vmem>>) dst(%dma_wait3A_176 : memref<256x128xf32, #tpu.memory_space<hbm>>)
    return
  }
}

#map = affine_map<(d0, d1) -> (0, 0)>
#map1 = affine_map<(d0, d1) -> (0)>
module attributes {stable_mosaic.version = 14 : i64} {
  func.func @gk(%arg0: i32, %arg1: i32, %arg2: memref<262144x128xf32, #tpu.memory_space<hbm>>, %arg3: memref<32768xi32, #tpu.memory_space<hbm>>, %arg4: memref<32768x128xf32, #tpu.memory_space<hbm>>, %arg5: memref<1024xi32, #tpu.memory_space<vmem>>, %arg6: memref<256x128xf32, #tpu.memory_space<vmem>>, %arg7: memref<256x128xf32, #tpu.memory_space<vmem>>, %arg8: memref<!tpu.dma_semaphore, #tpu.memory_space<semaphore_mem>>, %arg9: memref<!tpu.dma_semaphore, #tpu.memory_space<semaphore_mem>>, %arg10: memref<!tpu.dma_semaphore, #tpu.memory_space<semaphore_mem>>) attributes {dimension_semantics = [#tpu.dimension_semantics<core_parallel>, #tpu.dimension_semantics<subcore_parallel>], iteration_bounds = array<i64: 2, 16>, scalar_prefetch = 0 : i64, scratch_operands = 6 : i64, tpu.core_type = #tpu.core_type<sc_vector_subcore>, window_params = [{transform_indices = #map}, {transform_indices = #map1}, {transform_indices = #map}]} {
    %mul3A = arith.constant 2 : i32
    %mul3A_0 = arith.muli %arg1, %mul3A : i32
    %add3A = arith.addi %mul3A_0, %arg0 : i32
    %mul3A_1 = arith.constant 1024 : i32
    %mul3A_2 = arith.muli %add3A, %mul3A_1 : i32
    "tpu.region"() ({
      %run_scoped3A = tpu.sem_alloc : memref<!tpu.dma_semaphore, #tpu.memory_space<semaphore_mem>>
      %dma_start3A_177 = tpu.memref_slice %arg3[%mul3A_2] : memref<32768xi32, #tpu.memory_space<hbm>> -> memref<1024xi32, #tpu.memory_space<hbm>>
      %dma_start3A_178 = tpu.memref_slice %arg3[%mul3A_2] : memref<32768xi32, #tpu.memory_space<hbm>> -> memref<1024xi32, #tpu.memory_space<hbm>>
      tpu.enqueue_dma source(%dma_start3A_178 : memref<1024xi32, #tpu.memory_space<hbm>>) target(%arg5 : memref<1024xi32, #tpu.memory_space<vmem>>) target_semaphore(%run_scoped3A : memref<!tpu.dma_semaphore, #tpu.memory_space<semaphore_mem>>)
      %dma_wait3A_179 = tpu.memref_slice %arg3[%mul3A_2] : memref<32768xi32, #tpu.memory_space<hbm>> -> memref<1024xi32, #tpu.memory_space<hbm>>
      %dma_wait3A_180 = tpu.memref_slice %arg3[%mul3A_2] : memref<32768xi32, #tpu.memory_space<hbm>> -> memref<1024xi32, #tpu.memory_space<hbm>>
      tpu.wait_dma2 semaphore(%run_scoped3A : memref<!tpu.dma_semaphore, #tpu.memory_space<semaphore_mem>>) src(%dma_wait3A_180 : memref<1024xi32, #tpu.memory_space<hbm>>) dst(%arg5 : memref<1024xi32, #tpu.memory_space<vmem>>)
      tpu.yield
    }) : () -> ()
    %dma_start3A = arith.constant 0 : i32
    %dma_start3A_3 = arith.constant 0 : i32
    %dma_start3A_4 = tpu.memref_slice %arg6[%dma_start3A, %dma_start3A_3] : memref<256x128xf32, #tpu.memory_space<vmem>> -> memref<128x128xf32, #tpu.memory_space<vmem>>
    %dma_start3A_5 = arith.constant 0 : i32
    %dma_start3A_6 = tpu.memref_slice %arg5[%dma_start3A_5] : memref<1024xi32, #tpu.memory_space<vmem>> -> memref<128xi32, #tpu.memory_space<vmem>>
    %dma_start3A_7 = arith.constant 0 : i32
    %dma_start3A_8 = arith.constant 0 : i32
    %dma_start3A_9 = tpu.memref_slice %arg2[%dma_start3A_7, %dma_start3A_8] : memref<262144x128xf32, #tpu.memory_space<hbm>> -> memref<262144x128xf32, #tpu.memory_space<hbm>>
    tpu.enqueue_indirect_dma source(%dma_start3A_9 : memref<262144x128xf32, #tpu.memory_space<hbm>>) target(%dma_start3A_4 : memref<128x128xf32, #tpu.memory_space<vmem>>) offsets(%dma_start3A_6 : memref<128xi32, #tpu.memory_space<vmem>>) semaphore(%arg8 : memref<!tpu.dma_semaphore, #tpu.memory_space<semaphore_mem>>)
    %dma_start3A_10 = arith.constant 128 : i32
    %dma_start3A_11 = arith.constant 0 : i32
    %dma_start3A_12 = tpu.memref_slice %arg6[%dma_start3A_10, %dma_start3A_11] : memref<256x128xf32, #tpu.memory_space<vmem>> -> memref<128x128xf32, #tpu.memory_space<vmem>>
    %dma_start3A_13 = arith.constant 128 : i32
    %dma_start3A_14 = tpu.memref_slice %arg5[%dma_start3A_13] : memref<1024xi32, #tpu.memory_space<vmem>> -> memref<128xi32, #tpu.memory_space<vmem>>
    %dma_start3A_15 = arith.constant 0 : i32
    %dma_start3A_16 = arith.constant 0 : i32
    %dma_start3A_17 = tpu.memref_slice %arg2[%dma_start3A_15, %dma_start3A_16] : memref<262144x128xf32, #tpu.memory_space<hbm>> -> memref<262144x128xf32, #tpu.memory_space<hbm>>
    tpu.enqueue_indirect_dma source(%dma_start3A_17 : memref<262144x128xf32, #tpu.memory_space<hbm>>) target(%dma_start3A_12 : memref<128x128xf32, #tpu.memory_space<vmem>>) offsets(%dma_start3A_14 : memref<128xi32, #tpu.memory_space<vmem>>) semaphore(%arg8 : memref<!tpu.dma_semaphore, #tpu.memory_space<semaphore_mem>>)
    %dma_wait3A = arith.constant 0 : i32
    %dma_wait3A_18 = arith.constant 0 : i32
    %dma_wait3A_19 = tpu.memref_slice %arg6[%dma_wait3A, %dma_wait3A_18] : memref<256x128xf32, #tpu.memory_space<vmem>> -> memref<128x128xf32, #tpu.memory_space<vmem>>
    %dma_wait3A_20 = arith.constant 0 : i32
    %dma_wait3A_21 = tpu.memref_slice %arg5[%dma_wait3A_20] : memref<1024xi32, #tpu.memory_space<vmem>> -> memref<128xi32, #tpu.memory_space<vmem>>
    %dma_wait3A_22 = arith.constant 0 : i32
    %dma_wait3A_23 = arith.constant 0 : i32
    %dma_wait3A_24 = tpu.memref_slice %arg2[%dma_wait3A_22, %dma_wait3A_23] : memref<262144x128xf32, #tpu.memory_space<hbm>> -> memref<262144x128xf32, #tpu.memory_space<hbm>>
    tpu.wait_indirect_dma semaphore(%arg8 : memref<!tpu.dma_semaphore, #tpu.memory_space<semaphore_mem>>) src(%dma_wait3A_24 : memref<262144x128xf32, #tpu.memory_space<hbm>>) dst(%dma_wait3A_19 : memref<128x128xf32, #tpu.memory_space<vmem>>)
    %dma_wait3A_25 = arith.constant 128 : i32
    %dma_wait3A_26 = arith.constant 0 : i32
    %dma_wait3A_27 = tpu.memref_slice %arg6[%dma_wait3A_25, %dma_wait3A_26] : memref<256x128xf32, #tpu.memory_space<vmem>> -> memref<128x128xf32, #tpu.memory_space<vmem>>
    %dma_wait3A_28 = arith.constant 128 : i32
    %dma_wait3A_29 = tpu.memref_slice %arg5[%dma_wait3A_28] : memref<1024xi32, #tpu.memory_space<vmem>> -> memref<128xi32, #tpu.memory_space<vmem>>
    %dma_wait3A_30 = arith.constant 0 : i32
    %dma_wait3A_31 = arith.constant 0 : i32
    %dma_wait3A_32 = tpu.memref_slice %arg2[%dma_wait3A_30, %dma_wait3A_31] : memref<262144x128xf32, #tpu.memory_space<hbm>> -> memref<262144x128xf32, #tpu.memory_space<hbm>>
    tpu.wait_indirect_dma semaphore(%arg8 : memref<!tpu.dma_semaphore, #tpu.memory_space<semaphore_mem>>) src(%dma_wait3A_32 : memref<262144x128xf32, #tpu.memory_space<hbm>>) dst(%dma_wait3A_27 : memref<128x128xf32, #tpu.memory_space<vmem>>)
    %add3A_33 = arith.constant 0 : i32
    %add3A_34 = arith.addi %mul3A_2, %add3A_33 : i32
    %dma_start3A_35 = arith.constant 0 : i32
    %dma_start3A_36 = tpu.memref_slice %arg4[%add3A_34, %dma_start3A_35] : memref<32768x128xf32, #tpu.memory_space<hbm>> -> memref<256x128xf32, #tpu.memory_space<hbm>>
    %dma_start3A_37 = arith.constant 0 : i32
    %dma_start3A_38 = tpu.memref_slice %arg4[%add3A_34, %dma_start3A_37] : memref<32768x128xf32, #tpu.memory_space<hbm>> -> memref<256x128xf32, #tpu.memory_space<hbm>>
    tpu.enqueue_dma source(%arg6 : memref<256x128xf32, #tpu.memory_space<vmem>>) target(%dma_start3A_38 : memref<256x128xf32, #tpu.memory_space<hbm>>) target_semaphore(%arg9 : memref<!tpu.dma_semaphore, #tpu.memory_space<semaphore_mem>>)
    %dma_start3A_39 = arith.constant 0 : i32
    %dma_start3A_40 = arith.constant 0 : i32
    %dma_start3A_41 = tpu.memref_slice %arg7[%dma_start3A_39, %dma_start3A_40] : memref<256x128xf32, #tpu.memory_space<vmem>> -> memref<128x128xf32, #tpu.memory_space<vmem>>
    %dma_start3A_42 = arith.constant 256 : i32
    %dma_start3A_43 = tpu.memref_slice %arg5[%dma_start3A_42] : memref<1024xi32, #tpu.memory_space<vmem>> -> memref<128xi32, #tpu.memory_space<vmem>>
    %dma_start3A_44 = arith.constant 0 : i32
    %dma_start3A_45 = arith.constant 0 : i32
    %dma_start3A_46 = tpu.memref_slice %arg2[%dma_start3A_44, %dma_start3A_45] : memref<262144x128xf32, #tpu.memory_space<hbm>> -> memref<262144x128xf32, #tpu.memory_space<hbm>>
    tpu.enqueue_indirect_dma source(%dma_start3A_46 : memref<262144x128xf32, #tpu.memory_space<hbm>>) target(%dma_start3A_41 : memref<128x128xf32, #tpu.memory_space<vmem>>) offsets(%dma_start3A_43 : memref<128xi32, #tpu.memory_space<vmem>>) semaphore(%arg8 : memref<!tpu.dma_semaphore, #tpu.memory_space<semaphore_mem>>)
    %dma_start3A_47 = arith.constant 128 : i32
    %dma_start3A_48 = arith.constant 0 : i32
    %dma_start3A_49 = tpu.memref_slice %arg7[%dma_start3A_47, %dma_start3A_48] : memref<256x128xf32, #tpu.memory_space<vmem>> -> memref<128x128xf32, #tpu.memory_space<vmem>>
    %dma_start3A_50 = arith.constant 384 : i32
    %dma_start3A_51 = tpu.memref_slice %arg5[%dma_start3A_50] : memref<1024xi32, #tpu.memory_space<vmem>> -> memref<128xi32, #tpu.memory_space<vmem>>
    %dma_start3A_52 = arith.constant 0 : i32
    %dma_start3A_53 = arith.constant 0 : i32
    %dma_start3A_54 = tpu.memref_slice %arg2[%dma_start3A_52, %dma_start3A_53] : memref<262144x128xf32, #tpu.memory_space<hbm>> -> memref<262144x128xf32, #tpu.memory_space<hbm>>
    tpu.enqueue_indirect_dma source(%dma_start3A_54 : memref<262144x128xf32, #tpu.memory_space<hbm>>) target(%dma_start3A_49 : memref<128x128xf32, #tpu.memory_space<vmem>>) offsets(%dma_start3A_51 : memref<128xi32, #tpu.memory_space<vmem>>) semaphore(%arg8 : memref<!tpu.dma_semaphore, #tpu.memory_space<semaphore_mem>>)
    %dma_wait3A_55 = arith.constant 0 : i32
    %dma_wait3A_56 = arith.constant 0 : i32
    %dma_wait3A_57 = tpu.memref_slice %arg7[%dma_wait3A_55, %dma_wait3A_56] : memref<256x128xf32, #tpu.memory_space<vmem>> -> memref<128x128xf32, #tpu.memory_space<vmem>>
    %dma_wait3A_58 = arith.constant 256 : i32
    %dma_wait3A_59 = tpu.memref_slice %arg5[%dma_wait3A_58] : memref<1024xi32, #tpu.memory_space<vmem>> -> memref<128xi32, #tpu.memory_space<vmem>>
    %dma_wait3A_60 = arith.constant 0 : i32
    %dma_wait3A_61 = arith.constant 0 : i32
    %dma_wait3A_62 = tpu.memref_slice %arg2[%dma_wait3A_60, %dma_wait3A_61] : memref<262144x128xf32, #tpu.memory_space<hbm>> -> memref<262144x128xf32, #tpu.memory_space<hbm>>
    tpu.wait_indirect_dma semaphore(%arg8 : memref<!tpu.dma_semaphore, #tpu.memory_space<semaphore_mem>>) src(%dma_wait3A_62 : memref<262144x128xf32, #tpu.memory_space<hbm>>) dst(%dma_wait3A_57 : memref<128x128xf32, #tpu.memory_space<vmem>>)
    %dma_wait3A_63 = arith.constant 128 : i32
    %dma_wait3A_64 = arith.constant 0 : i32
    %dma_wait3A_65 = tpu.memref_slice %arg7[%dma_wait3A_63, %dma_wait3A_64] : memref<256x128xf32, #tpu.memory_space<vmem>> -> memref<128x128xf32, #tpu.memory_space<vmem>>
    %dma_wait3A_66 = arith.constant 384 : i32
    %dma_wait3A_67 = tpu.memref_slice %arg5[%dma_wait3A_66] : memref<1024xi32, #tpu.memory_space<vmem>> -> memref<128xi32, #tpu.memory_space<vmem>>
    %dma_wait3A_68 = arith.constant 0 : i32
    %dma_wait3A_69 = arith.constant 0 : i32
    %dma_wait3A_70 = tpu.memref_slice %arg2[%dma_wait3A_68, %dma_wait3A_69] : memref<262144x128xf32, #tpu.memory_space<hbm>> -> memref<262144x128xf32, #tpu.memory_space<hbm>>
    tpu.wait_indirect_dma semaphore(%arg8 : memref<!tpu.dma_semaphore, #tpu.memory_space<semaphore_mem>>) src(%dma_wait3A_70 : memref<262144x128xf32, #tpu.memory_space<hbm>>) dst(%dma_wait3A_65 : memref<128x128xf32, #tpu.memory_space<vmem>>)
    %add3A_71 = arith.constant 256 : i32
    %add3A_72 = arith.addi %mul3A_2, %add3A_71 : i32
    %dma_start3A_73 = arith.constant 0 : i32
    %dma_start3A_74 = tpu.memref_slice %arg4[%add3A_72, %dma_start3A_73] : memref<32768x128xf32, #tpu.memory_space<hbm>> -> memref<256x128xf32, #tpu.memory_space<hbm>>
    %dma_start3A_75 = arith.constant 0 : i32
    %dma_start3A_76 = tpu.memref_slice %arg4[%add3A_72, %dma_start3A_75] : memref<32768x128xf32, #tpu.memory_space<hbm>> -> memref<256x128xf32, #tpu.memory_space<hbm>>
    tpu.enqueue_dma source(%arg7 : memref<256x128xf32, #tpu.memory_space<vmem>>) target(%dma_start3A_76 : memref<256x128xf32, #tpu.memory_space<hbm>>) target_semaphore(%arg10 : memref<!tpu.dma_semaphore, #tpu.memory_space<semaphore_mem>>)
    %add3A_77 = arith.constant 0 : i32
    %add3A_78 = arith.addi %mul3A_2, %add3A_77 : i32
    %dma_wait3A_79 = arith.constant 0 : i32
    %dma_wait3A_80 = tpu.memref_slice %arg4[%add3A_78, %dma_wait3A_79] : memref<32768x128xf32, #tpu.memory_space<hbm>> -> memref<256x128xf32, #tpu.memory_space<hbm>>
    %dma_wait3A_81 = arith.constant 0 : i32
    %dma_wait3A_82 = tpu.memref_slice %arg4[%add3A_78, %dma_wait3A_81] : memref<32768x128xf32, #tpu.memory_space<hbm>> -> memref<256x128xf32, #tpu.memory_space<hbm>>
    tpu.wait_dma2 semaphore(%arg9 : memref<!tpu.dma_semaphore, #tpu.memory_space<semaphore_mem>>) src(%arg6 : memref<256x128xf32, #tpu.memory_space<vmem>>) dst(%dma_wait3A_82 : memref<256x128xf32, #tpu.memory_space<hbm>>)
    %dma_start3A_83 = arith.constant 0 : i32
    %dma_start3A_84 = arith.constant 0 : i32
    %dma_start3A_85 = tpu.memref_slice %arg6[%dma_start3A_83, %dma_start3A_84] : memref<256x128xf32, #tpu.memory_space<vmem>> -> memref<128x128xf32, #tpu.memory_space<vmem>>
    %dma_start3A_86 = arith.constant 512 : i32
    %dma_start3A_87 = tpu.memref_slice %arg5[%dma_start3A_86] : memref<1024xi32, #tpu.memory_space<vmem>> -> memref<128xi32, #tpu.memory_space<vmem>>
    %dma_start3A_88 = arith.constant 0 : i32
    %dma_start3A_89 = arith.constant 0 : i32
    %dma_start3A_90 = tpu.memref_slice %arg2[%dma_start3A_88, %dma_start3A_89] : memref<262144x128xf32, #tpu.memory_space<hbm>> -> memref<262144x128xf32, #tpu.memory_space<hbm>>
    tpu.enqueue_indirect_dma source(%dma_start3A_90 : memref<262144x128xf32, #tpu.memory_space<hbm>>) target(%dma_start3A_85 : memref<128x128xf32, #tpu.memory_space<vmem>>) offsets(%dma_start3A_87 : memref<128xi32, #tpu.memory_space<vmem>>) semaphore(%arg8 : memref<!tpu.dma_semaphore, #tpu.memory_space<semaphore_mem>>)
    %dma_start3A_91 = arith.constant 128 : i32
    %dma_start3A_92 = arith.constant 0 : i32
    %dma_start3A_93 = tpu.memref_slice %arg6[%dma_start3A_91, %dma_start3A_92] : memref<256x128xf32, #tpu.memory_space<vmem>> -> memref<128x128xf32, #tpu.memory_space<vmem>>
    %dma_start3A_94 = arith.constant 640 : i32
    %dma_start3A_95 = tpu.memref_slice %arg5[%dma_start3A_94] : memref<1024xi32, #tpu.memory_space<vmem>> -> memref<128xi32, #tpu.memory_space<vmem>>
    %dma_start3A_96 = arith.constant 0 : i32
    %dma_start3A_97 = arith.constant 0 : i32
    %dma_start3A_98 = tpu.memref_slice %arg2[%dma_start3A_96, %dma_start3A_97] : memref<262144x128xf32, #tpu.memory_space<hbm>> -> memref<262144x128xf32, #tpu.memory_space<hbm>>
    tpu.enqueue_indirect_dma source(%dma_start3A_98 : memref<262144x128xf32, #tpu.memory_space<hbm>>) target(%dma_start3A_93 : memref<128x128xf32, #tpu.memory_space<vmem>>) offsets(%dma_start3A_95 : memref<128xi32, #tpu.memory_space<vmem>>) semaphore(%arg8 : memref<!tpu.dma_semaphore, #tpu.memory_space<semaphore_mem>>)
    %dma_wait3A_99 = arith.constant 0 : i32
    %dma_wait3A_100 = arith.constant 0 : i32
    %dma_wait3A_101 = tpu.memref_slice %arg6[%dma_wait3A_99, %dma_wait3A_100] : memref<256x128xf32, #tpu.memory_space<vmem>> -> memref<128x128xf32, #tpu.memory_space<vmem>>
    %dma_wait3A_102 = arith.constant 512 : i32
    %dma_wait3A_103 = tpu.memref_slice %arg5[%dma_wait3A_102] : memref<1024xi32, #tpu.memory_space<vmem>> -> memref<128xi32, #tpu.memory_space<vmem>>
    %dma_wait3A_104 = arith.constant 0 : i32
    %dma_wait3A_105 = arith.constant 0 : i32
    %dma_wait3A_106 = tpu.memref_slice %arg2[%dma_wait3A_104, %dma_wait3A_105] : memref<262144x128xf32, #tpu.memory_space<hbm>> -> memref<262144x128xf32, #tpu.memory_space<hbm>>
    tpu.wait_indirect_dma semaphore(%arg8 : memref<!tpu.dma_semaphore, #tpu.memory_space<semaphore_mem>>) src(%dma_wait3A_106 : memref<262144x128xf32, #tpu.memory_space<hbm>>) dst(%dma_wait3A_101 : memref<128x128xf32, #tpu.memory_space<vmem>>)
    %dma_wait3A_107 = arith.constant 128 : i32
    %dma_wait3A_108 = arith.constant 0 : i32
    %dma_wait3A_109 = tpu.memref_slice %arg6[%dma_wait3A_107, %dma_wait3A_108] : memref<256x128xf32, #tpu.memory_space<vmem>> -> memref<128x128xf32, #tpu.memory_space<vmem>>
    %dma_wait3A_110 = arith.constant 640 : i32
    %dma_wait3A_111 = tpu.memref_slice %arg5[%dma_wait3A_110] : memref<1024xi32, #tpu.memory_space<vmem>> -> memref<128xi32, #tpu.memory_space<vmem>>
    %dma_wait3A_112 = arith.constant 0 : i32
    %dma_wait3A_113 = arith.constant 0 : i32
    %dma_wait3A_114 = tpu.memref_slice %arg2[%dma_wait3A_112, %dma_wait3A_113] : memref<262144x128xf32, #tpu.memory_space<hbm>> -> memref<262144x128xf32, #tpu.memory_space<hbm>>
    tpu.wait_indirect_dma semaphore(%arg8 : memref<!tpu.dma_semaphore, #tpu.memory_space<semaphore_mem>>) src(%dma_wait3A_114 : memref<262144x128xf32, #tpu.memory_space<hbm>>) dst(%dma_wait3A_109 : memref<128x128xf32, #tpu.memory_space<vmem>>)
    %add3A_115 = arith.constant 512 : i32
    %add3A_116 = arith.addi %mul3A_2, %add3A_115 : i32
    %dma_start3A_117 = arith.constant 0 : i32
    %dma_start3A_118 = tpu.memref_slice %arg4[%add3A_116, %dma_start3A_117] : memref<32768x128xf32, #tpu.memory_space<hbm>> -> memref<256x128xf32, #tpu.memory_space<hbm>>
    %dma_start3A_119 = arith.constant 0 : i32
    %dma_start3A_120 = tpu.memref_slice %arg4[%add3A_116, %dma_start3A_119] : memref<32768x128xf32, #tpu.memory_space<hbm>> -> memref<256x128xf32, #tpu.memory_space<hbm>>
    tpu.enqueue_dma source(%arg6 : memref<256x128xf32, #tpu.memory_space<vmem>>) target(%dma_start3A_120 : memref<256x128xf32, #tpu.memory_space<hbm>>) target_semaphore(%arg9 : memref<!tpu.dma_semaphore, #tpu.memory_space<semaphore_mem>>)
    %add3A_121 = arith.constant 256 : i32
    %add3A_122 = arith.addi %mul3A_2, %add3A_121 : i32
    %dma_wait3A_123 = arith.constant 0 : i32
    %dma_wait3A_124 = tpu.memref_slice %arg4[%add3A_122, %dma_wait3A_123] : memref<32768x128xf32, #tpu.memory_space<hbm>> -> memref<256x128xf32, #tpu.memory_space<hbm>>
    %dma_wait3A_125 = arith.constant 0 : i32
    %dma_wait3A_126 = tpu.memref_slice %arg4[%add3A_122, %dma_wait3A_125] : memref<32768x128xf32, #tpu.memory_space<hbm>> -> memref<256x128xf32, #tpu.memory_space<hbm>>
    tpu.wait_dma2 semaphore(%arg10 : memref<!tpu.dma_semaphore, #tpu.memory_space<semaphore_mem>>) src(%arg7 : memref<256x128xf32, #tpu.memory_space<vmem>>) dst(%dma_wait3A_126 : memref<256x128xf32, #tpu.memory_space<hbm>>)
    %dma_start3A_127 = arith.constant 0 : i32
    %dma_start3A_128 = arith.constant 0 : i32
    %dma_start3A_129 = tpu.memref_slice %arg7[%dma_start3A_127, %dma_start3A_128] : memref<256x128xf32, #tpu.memory_space<vmem>> -> memref<128x128xf32, #tpu.memory_space<vmem>>
    %dma_start3A_130 = arith.constant 768 : i32
    %dma_start3A_131 = tpu.memref_slice %arg5[%dma_start3A_130] : memref<1024xi32, #tpu.memory_space<vmem>> -> memref<128xi32, #tpu.memory_space<vmem>>
    %dma_start3A_132 = arith.constant 0 : i32
    %dma_start3A_133 = arith.constant 0 : i32
    %dma_start3A_134 = tpu.memref_slice %arg2[%dma_start3A_132, %dma_start3A_133] : memref<262144x128xf32, #tpu.memory_space<hbm>> -> memref<262144x128xf32, #tpu.memory_space<hbm>>
    tpu.enqueue_indirect_dma source(%dma_start3A_134 : memref<262144x128xf32, #tpu.memory_space<hbm>>) target(%dma_start3A_129 : memref<128x128xf32, #tpu.memory_space<vmem>>) offsets(%dma_start3A_131 : memref<128xi32, #tpu.memory_space<vmem>>) semaphore(%arg8 : memref<!tpu.dma_semaphore, #tpu.memory_space<semaphore_mem>>)
    %dma_start3A_135 = arith.constant 128 : i32
    %dma_start3A_136 = arith.constant 0 : i32
    %dma_start3A_137 = tpu.memref_slice %arg7[%dma_start3A_135, %dma_start3A_136] : memref<256x128xf32, #tpu.memory_space<vmem>> -> memref<128x128xf32, #tpu.memory_space<vmem>>
    %dma_start3A_138 = arith.constant 896 : i32
    %dma_start3A_139 = tpu.memref_slice %arg5[%dma_start3A_138] : memref<1024xi32, #tpu.memory_space<vmem>> -> memref<128xi32, #tpu.memory_space<vmem>>
    %dma_start3A_140 = arith.constant 0 : i32
    %dma_start3A_141 = arith.constant 0 : i32
    %dma_start3A_142 = tpu.memref_slice %arg2[%dma_start3A_140, %dma_start3A_141] : memref<262144x128xf32, #tpu.memory_space<hbm>> -> memref<262144x128xf32, #tpu.memory_space<hbm>>
    tpu.enqueue_indirect_dma source(%dma_start3A_142 : memref<262144x128xf32, #tpu.memory_space<hbm>>) target(%dma_start3A_137 : memref<128x128xf32, #tpu.memory_space<vmem>>) offsets(%dma_start3A_139 : memref<128xi32, #tpu.memory_space<vmem>>) semaphore(%arg8 : memref<!tpu.dma_semaphore, #tpu.memory_space<semaphore_mem>>)
    %dma_wait3A_143 = arith.constant 0 : i32
    %dma_wait3A_144 = arith.constant 0 : i32
    %dma_wait3A_145 = tpu.memref_slice %arg7[%dma_wait3A_143, %dma_wait3A_144] : memref<256x128xf32, #tpu.memory_space<vmem>> -> memref<128x128xf32, #tpu.memory_space<vmem>>
    %dma_wait3A_146 = arith.constant 768 : i32
    %dma_wait3A_147 = tpu.memref_slice %arg5[%dma_wait3A_146] : memref<1024xi32, #tpu.memory_space<vmem>> -> memref<128xi32, #tpu.memory_space<vmem>>
    %dma_wait3A_148 = arith.constant 0 : i32
    %dma_wait3A_149 = arith.constant 0 : i32
    %dma_wait3A_150 = tpu.memref_slice %arg2[%dma_wait3A_148, %dma_wait3A_149] : memref<262144x128xf32, #tpu.memory_space<hbm>> -> memref<262144x128xf32, #tpu.memory_space<hbm>>
    tpu.wait_indirect_dma semaphore(%arg8 : memref<!tpu.dma_semaphore, #tpu.memory_space<semaphore_mem>>) src(%dma_wait3A_150 : memref<262144x128xf32, #tpu.memory_space<hbm>>) dst(%dma_wait3A_145 : memref<128x128xf32, #tpu.memory_space<vmem>>)
    %dma_wait3A_151 = arith.constant 128 : i32
    %dma_wait3A_152 = arith.constant 0 : i32
    %dma_wait3A_153 = tpu.memref_slice %arg7[%dma_wait3A_151, %dma_wait3A_152] : memref<256x128xf32, #tpu.memory_space<vmem>> -> memref<128x128xf32, #tpu.memory_space<vmem>>
    %dma_wait3A_154 = arith.constant 896 : i32
    %dma_wait3A_155 = tpu.memref_slice %arg5[%dma_wait3A_154] : memref<1024xi32, #tpu.memory_space<vmem>> -> memref<128xi32, #tpu.memory_space<vmem>>
    %dma_wait3A_156 = arith.constant 0 : i32
    %dma_wait3A_157 = arith.constant 0 : i32
    %dma_wait3A_158 = tpu.memref_slice %arg2[%dma_wait3A_156, %dma_wait3A_157] : memref<262144x128xf32, #tpu.memory_space<hbm>> -> memref<262144x128xf32, #tpu.memory_space<hbm>>
    tpu.wait_indirect_dma semaphore(%arg8 : memref<!tpu.dma_semaphore, #tpu.memory_space<semaphore_mem>>) src(%dma_wait3A_158 : memref<262144x128xf32, #tpu.memory_space<hbm>>) dst(%dma_wait3A_153 : memref<128x128xf32, #tpu.memory_space<vmem>>)
    %add3A_159 = arith.constant 768 : i32
    %add3A_160 = arith.addi %mul3A_2, %add3A_159 : i32
    %dma_start3A_161 = arith.constant 0 : i32
    %dma_start3A_162 = tpu.memref_slice %arg4[%add3A_160, %dma_start3A_161] : memref<32768x128xf32, #tpu.memory_space<hbm>> -> memref<256x128xf32, #tpu.memory_space<hbm>>
    %dma_start3A_163 = arith.constant 0 : i32
    %dma_start3A_164 = tpu.memref_slice %arg4[%add3A_160, %dma_start3A_163] : memref<32768x128xf32, #tpu.memory_space<hbm>> -> memref<256x128xf32, #tpu.memory_space<hbm>>
    tpu.enqueue_dma source(%arg7 : memref<256x128xf32, #tpu.memory_space<vmem>>) target(%dma_start3A_164 : memref<256x128xf32, #tpu.memory_space<hbm>>) target_semaphore(%arg10 : memref<!tpu.dma_semaphore, #tpu.memory_space<semaphore_mem>>)
    %add3A_165 = arith.constant 512 : i32
    %add3A_166 = arith.addi %mul3A_2, %add3A_165 : i32
    %dma_wait3A_167 = arith.constant 0 : i32
    %dma_wait3A_168 = tpu.memref_slice %arg4[%add3A_166, %dma_wait3A_167] : memref<32768x128xf32, #tpu.memory_space<hbm>> -> memref<256x128xf32, #tpu.memory_space<hbm>>
    %dma_wait3A_169 = arith.constant 0 : i32
    %dma_wait3A_170 = tpu.memref_slice %arg4[%add3A_166, %dma_wait3A_169] : memref<32768x128xf32, #tpu.memory_space<hbm>> -> memref<256x128xf32, #tpu.memory_space<hbm>>
    tpu.wait_dma2 semaphore(%arg9 : memref<!tpu.dma_semaphore, #tpu.memory_space<semaphore_mem>>) src(%arg6 : memref<256x128xf32, #tpu.memory_space<vmem>>) dst(%dma_wait3A_170 : memref<256x128xf32, #tpu.memory_space<hbm>>)
    %add3A_171 = arith.constant 768 : i32
    %add3A_172 = arith.addi %mul3A_2, %add3A_171 : i32
    %dma_wait3A_173 = arith.constant 0 : i32
    %dma_wait3A_174 = tpu.memref_slice %arg4[%add3A_172, %dma_wait3A_173] : memref<32768x128xf32, #tpu.memory_space<hbm>> -> memref<256x128xf32, #tpu.memory_space<hbm>>
    %dma_wait3A_175 = arith.constant 0 : i32
    %dma_wait3A_176 = tpu.memref_slice %arg4[%add3A_172, %dma_wait3A_175] : memref<32768x128xf32, #tpu.memory_space<hbm>> -> memref<256x128xf32, #tpu.memory_space<hbm>>
    tpu.wait_dma2 semaphore(%arg10 : memref<!tpu.dma_semaphore, #tpu.memory_space<semaphore_mem>>) src(%arg7 : memref<256x128xf32, #tpu.memory_space<vmem>>) dst(%dma_wait3A_176 : memref<256x128xf32, #tpu.memory_space<hbm>>)
    return
  }
}

module attributes {stable_mosaic.version = 14 : i64} {
  func.func @_a_body(%arg0: memref<512x3xf32, #tpu.memory_space<vmem>>, %arg1: memref<3x512xf32, #tpu.memory_space<vmem>>, %arg2: memref<512x512xf32, #tpu.memory_space<vmem>>, %arg3: memref<512x256xf32, #tpu.memory_space<vmem>>, %arg4: memref<512x64xf32, #tpu.memory_space<vmem>>, %arg5: memref<128x5xf32, #tpu.memory_space<vmem>>, %arg6: memref<256x64xf32, #tpu.memory_space<vmem>>, %arg7: memref<64x64xf32, #tpu.memory_space<vmem>>, %arg8: memref<512x64xf32, #tpu.memory_space<vmem>>, %arg9: memref<512x64xi32, #tpu.memory_space<vmem>>, %arg10: memref<512x64xi32, #tpu.memory_space<vmem>>, %arg11: memref<512x64xf32, #tpu.memory_space<vmem>>, %arg12: memref<512x3xf32, #tpu.memory_space<vmem>>) attributes {dimension_semantics = [], scalar_prefetch = 0 : i64, scratch_operands = 0 : i64, tpu.core_type = #tpu.core_type<tc>} {
    %get3A = arith.constant 0 : index
    %get3A_0 = arith.constant 0 : index
    %get3A_1 = vector.load %arg3[%get3A, %get3A_0] : memref<512x256xf32, #tpu.memory_space<vmem>>, vector<512x256xf32>
    %get3A_2 = arith.constant 0 : index
    %get3A_3 = arith.constant 0 : index
    %get3A_4 = vector.load %arg6[%get3A_2, %get3A_3] : memref<256x64xf32, #tpu.memory_space<vmem>>, vector<256x64xf32>
    %dot_general3A = arith.constant dense<0.000000e+00> : vector<512x64xf32>
    %dot_general3A_5 = tpu.matmul %get3A_1, %get3A_4, %dot_general3A {dimension_numbers = #tpu.dot_dimension_numbers<[1], [0], [0], [1], [0, 0, 1, 1], [], []>, transpose_lhs_hint = false} : vector<512x256xf32>, vector<256x64xf32>, vector<512x64xf32> -> vector<512x64xf32>
    %get3A_6 = arith.constant 0 : index
    %get3A_7 = arith.constant 0 : index
    %get3A_8 = vector.load %arg4[%get3A_6, %get3A_7] : memref<512x64xf32, #tpu.memory_space<vmem>>, vector<512x64xf32>
    %get3A_9 = arith.constant 0 : index
    %get3A_10 = arith.constant 0 : index
    %get3A_11 = vector.load %arg7[%get3A_9, %get3A_10] : memref<64x64xf32, #tpu.memory_space<vmem>>, vector<64x64xf32>
    %dot_general3A_12 = arith.constant dense<0.000000e+00> : vector<512x64xf32>
    %dot_general3A_13 = tpu.matmul %get3A_8, %get3A_11, %dot_general3A_12 {dimension_numbers = #tpu.dot_dimension_numbers<[1], [0], [0], [1], [0, 0, 1, 1], [], []>, transpose_lhs_hint = false} : vector<512x64xf32>, vector<64x64xf32>, vector<512x64xf32> -> vector<512x64xf32>
    %add3A = arith.addf %dot_general3A_5, %dot_general3A_13 : vector<512x64xf32>
    %max3A = arith.constant 0.000000e+00 : f32
    %max3A_14 = vector.broadcast %max3A : f32 to vector<512x64xf32>
    %max3A_15 = arith.maximumf %add3A, %max3A_14 : vector<512x64xf32>
    %swap3A = arith.constant 0 : index
    %swap3A_16 = arith.constant 0 : index
    %swap3A_17 = vector.load %arg11[%swap3A, %swap3A_16] : memref<512x64xf32, #tpu.memory_space<vmem>>, vector<512x64xf32>
    tpu.vector_store %arg11[%swap3A, %swap3A_16], %max3A_15 {strides = array<i32>} : memref<512x64xf32, #tpu.memory_space<vmem>>, vector<512x64xf32>,
    %get3A_18 = arith.constant 0 : index
    %get3A_19 = arith.constant 0 : index
    %get3A_20 = vector.load %arg0[%get3A_18, %get3A_19] : memref<512x3xf32, #tpu.memory_space<vmem>>, vector<512x3xf32>
    %get3A_21 = arith.constant 0 : index
    %get3A_22 = arith.constant 0 : index
    %get3A_23 = vector.load %arg5[%get3A_21, %get3A_22] : memref<128x5xf32, #tpu.memory_space<vmem>>, vector<128x5xf32>
    %slice3A = vector.extract_strided_slice %get3A_23 {offsets = [0, 0], sizes = [128, 4], strides = [1, 1]} : vector<128x5xf32> to vector<128x4xf32>
    %convert_element_type3A = arith.fptosi %slice3A : vector<128x4xf32> to vector<128x4xi32>
    %jit3A = arith.constant 0 : i32
    %jit3A_24 = arith.constant 511 : i32
    %max3A_25 = vector.broadcast %jit3A : i32 to vector<128x4xi32>
    %max3A_26 = arith.maxsi %max3A_25, %convert_element_type3A : vector<128x4xi32>
    %min3A = vector.broadcast %jit3A_24 : i32 to vector<128x4xi32>
    %min3A_27 = arith.minsi %min3A, %max3A_26 : vector<128x4xi32>
    %slice3A_28 = vector.extract_strided_slice %get3A_23 {offsets = [0, 4], sizes = [128, 1], strides = [1, 1]} : vector<128x5xf32> to vector<128x1xf32>
    %iota3A = tpu.iota {dimensions = array<i32: 1>} : vector<128x512xi32>
    %slice3A_29 = vector.extract_strided_slice %min3A_27 {offsets = [0, 0], sizes = [128, 1], strides = [1, 1]} : vector<128x4xi32> to vector<128x1xi32>
    %eq3A = vector.broadcast %slice3A_29 : vector<128x1xi32> to vector<128x512xi32>
    %eq3A_30 = arith.cmpi eq, %eq3A, %iota3A : vector<128x512xi32>
    %convert_element_type3A_31 = arith.extui %eq3A_30 : vector<128x512xi1> to vector<128x512xi32>
    %convert_element_type3A_32 = arith.sitofp %convert_element_type3A_31 : vector<128x512xi32> to vector<128x512xf32>
    %slice3A_33 = vector.extract_strided_slice %min3A_27 {offsets = [0, 1], sizes = [128, 1], strides = [1, 1]} : vector<128x4xi32> to vector<128x1xi32>
    %eq3A_34 = vector.broadcast %slice3A_33 : vector<128x1xi32> to vector<128x512xi32>
    %eq3A_35 = arith.cmpi eq, %eq3A_34, %iota3A : vector<128x512xi32>
    %convert_element_type3A_36 = arith.extui %eq3A_35 : vector<128x512xi1> to vector<128x512xi32>
    %convert_element_type3A_37 = arith.sitofp %convert_element_type3A_36 : vector<128x512xi32> to vector<128x512xf32>
    %slice3A_38 = vector.extract_strided_slice %min3A_27 {offsets = [0, 2], sizes = [128, 1], strides = [1, 1]} : vector<128x4xi32> to vector<128x1xi32>
    %eq3A_39 = vector.broadcast %slice3A_38 : vector<128x1xi32> to vector<128x512xi32>
    %eq3A_40 = arith.cmpi eq, %eq3A_39, %iota3A : vector<128x512xi32>
    %convert_element_type3A_41 = arith.extui %eq3A_40 : vector<128x512xi1> to vector<128x512xi32>
    %convert_element_type3A_42 = arith.sitofp %convert_element_type3A_41 : vector<128x512xi32> to vector<128x512xf32>
    %slice3A_43 = vector.extract_strided_slice %min3A_27 {offsets = [0, 3], sizes = [128, 1], strides = [1, 1]} : vector<128x4xi32> to vector<128x1xi32>
    %eq3A_44 = vector.broadcast %slice3A_43 : vector<128x1xi32> to vector<128x512xi32>
    %eq3A_45 = arith.cmpi eq, %eq3A_44, %iota3A : vector<128x512xi32>
    %convert_element_type3A_46 = arith.extui %eq3A_45 : vector<128x512xi1> to vector<128x512xi32>
    %convert_element_type3A_47 = arith.sitofp %convert_element_type3A_46 : vector<128x512xi32> to vector<128x512xf32>
    %dot_general3A_48 = arith.constant dense<0.000000e+00> : vector<128x3xf32>
    %dot_general3A_49 = tpu.matmul %convert_element_type3A_32, %get3A_20, %dot_general3A_48 {dimension_numbers = #tpu.dot_dimension_numbers<[1], [0], [0], [1], [0, 0, 1, 1], [], []>, transpose_lhs_hint = false} : vector<128x512xf32>, vector<512x3xf32>, vector<128x3xf32> -> vector<128x3xf32>
    %dot_general3A_50 = arith.constant dense<0.000000e+00> : vector<128x3xf32>
    %dot_general3A_51 = tpu.matmul %convert_element_type3A_37, %get3A_20, %dot_general3A_50 {dimension_numbers = #tpu.dot_dimension_numbers<[1], [0], [0], [1], [0, 0, 1, 1], [], []>, transpose_lhs_hint = false} : vector<128x512xf32>, vector<512x3xf32>, vector<128x3xf32> -> vector<128x3xf32>
    %dot_general3A_52 = arith.constant dense<0.000000e+00> : vector<128x3xf32>
    %dot_general3A_53 = tpu.matmul %convert_element_type3A_42, %get3A_20, %dot_general3A_52 {dimension_numbers = #tpu.dot_dimension_numbers<[1], [0], [0], [1], [0, 0, 1, 1], [], []>, transpose_lhs_hint = false} : vector<128x512xf32>, vector<512x3xf32>, vector<128x3xf32> -> vector<128x3xf32>
    %dot_general3A_54 = arith.constant dense<0.000000e+00> : vector<128x3xf32>
    %dot_general3A_55 = tpu.matmul %convert_element_type3A_47, %get3A_20, %dot_general3A_54 {dimension_numbers = #tpu.dot_dimension_numbers<[1], [0], [0], [1], [0, 0, 1, 1], [], []>, transpose_lhs_hint = false} : vector<128x512xf32>, vector<512x3xf32>, vector<128x3xf32> -> vector<128x3xf32>
    %sub3A = arith.subf %dot_general3A_51, %dot_general3A_49 : vector<128x3xf32>
    %sub3A_56 = arith.subf %dot_general3A_53, %dot_general3A_49 : vector<128x3xf32>
    %sub3A_57 = arith.subf %dot_general3A_55, %dot_general3A_49 : vector<128x3xf32>
    %slice3A_58 = vector.extract_strided_slice %sub3A {offsets = [0, 0], sizes = [128, 1], strides = [1, 1]} : vector<128x3xf32> to vector<128x1xf32>
    %slice3A_59 = vector.extract_strided_slice %sub3A {offsets = [0, 1], sizes = [128, 1], strides = [1, 1]} : vector<128x3xf32> to vector<128x1xf32>
    %slice3A_60 = vector.extract_strided_slice %sub3A {offsets = [0, 2], sizes = [128, 1], strides = [1, 1]} : vector<128x3xf32> to vector<128x1xf32>
    %slice3A_61 = vector.extract_strided_slice %sub3A_56 {offsets = [0, 0], sizes = [128, 1], strides = [1, 1]} : vector<128x3xf32> to vector<128x1xf32>
    %slice3A_62 = vector.extract_strided_slice %sub3A_56 {offsets = [0, 1], sizes = [128, 1], strides = [1, 1]} : vector<128x3xf32> to vector<128x1xf32>
    %slice3A_63 = vector.extract_strided_slice %sub3A_56 {offsets = [0, 2], sizes = [128, 1], strides = [1, 1]} : vector<128x3xf32> to vector<128x1xf32>
    %mul3A = arith.mulf %slice3A_59, %slice3A_63 : vector<128x1xf32>
    %mul3A_64 = arith.mulf %slice3A_60, %slice3A_62 : vector<128x1xf32>
    %sub3A_65 = arith.subf %mul3A, %mul3A_64 : vector<128x1xf32>
    %mul3A_66 = arith.mulf %slice3A_60, %slice3A_61 : vector<128x1xf32>
    %mul3A_67 = arith.mulf %slice3A_58, %slice3A_63 : vector<128x1xf32>
    %sub3A_68 = arith.subf %mul3A_66, %mul3A_67 : vector<128x1xf32>
    %mul3A_69 = arith.mulf %slice3A_58, %slice3A_62 : vector<128x1xf32>
    %mul3A_70 = arith.mulf %slice3A_59, %slice3A_61 : vector<128x1xf32>
    %sub3A_71 = arith.subf %mul3A_69, %mul3A_70 : vector<128x1xf32>
    %concatenate3A = tpu.concatenate %sub3A_65, %sub3A_68, %sub3A_71 in 1 : vector<128x1xf32>, vector<128x1xf32>, vector<128x1xf32> -> vector<128x3xf32>
    %mul3A_72 = arith.mulf %concatenate3A, %concatenate3A : vector<128x3xf32>
    %reduce_sum3A = arith.constant dense<0.000000e+00> : vector<128xf32>
    %reduce_sum3A_73 = vector.multi_reduction <add>, %mul3A_72, %reduce_sum3A [1] : vector<128x3xf32> to vector<128xf32>
    %broadcast_in_dim3A = vector.shape_cast %reduce_sum3A_73 : vector<128xf32> to vector<128x1xf32>
    %sqrt3A = math.sqrt %broadcast_in_dim3A : vector<128x1xf32>
    %mul3A_74 = arith.mulf %sub3A_57, %sub3A_57 : vector<128x3xf32>
    %reduce_sum3A_75 = arith.constant dense<0.000000e+00> : vector<128xf32>
    %reduce_sum3A_76 = vector.multi_reduction <add>, %mul3A_74, %reduce_sum3A_75 [1] : vector<128x3xf32> to vector<128xf32>
    %broadcast_in_dim3A_77 = vector.shape_cast %reduce_sum3A_76 : vector<128xf32> to vector<128x1xf32>
    %sqrt3A_78 = math.sqrt %broadcast_in_dim3A_77 : vector<128x1xf32>
    %mul3A_79 = arith.mulf %sqrt3A, %sqrt3A_78 : vector<128x1xf32>
    %add3A_80 = arith.constant 9.99999997E-7 : f32
    %add3A_81 = vector.broadcast %add3A_80 : f32 to vector<128x1xf32>
    %add3A_82 = arith.addf %mul3A_79, %add3A_81 : vector<128x1xf32>
    %mul3A_83 = arith.mulf %concatenate3A, %sub3A_57 : vector<128x3xf32>
    %reduce_sum3A_84 = arith.constant dense<0.000000e+00> : vector<128xf32>
    %reduce_sum3A_85 = vector.multi_reduction <add>, %mul3A_83, %reduce_sum3A_84 [1] : vector<128x3xf32> to vector<128xf32>
    %broadcast_in_dim3A_86 = vector.shape_cast %reduce_sum3A_85 : vector<128xf32> to vector<128x1xf32>
    %div3A = arith.divf %broadcast_in_dim3A_86, %add3A_82 : vector<128x1xf32>
    %sub3A_87 = arith.subf %div3A, %slice3A_28 : vector<128x1xf32>
    %mul3A_88 = arith.constant 2.000000e+00 : f32
    %mul3A_89 = vector.broadcast %mul3A_88 : f32 to vector<128x1xf32>
    %mul3A_90 = arith.mulf %mul3A_89, %sub3A_87 : vector<128x1xf32>
    %div3A_91 = arith.divf %mul3A_90, %add3A_82 : vector<128x1xf32>
    %neg3A = arith.constant 0.000000e+00 : f32
    %neg3A_92 = vector.broadcast %neg3A : f32 to vector<128x1xf32>
    %neg3A_93 = arith.subf %neg3A_92, %mul3A_90 : vector<128x1xf32>
    %mul3A_94 = arith.mulf %neg3A_93, %broadcast_in_dim3A_86 : vector<128x1xf32>
    %mul3A_95 = arith.mulf %add3A_82, %add3A_82 : vector<128x1xf32>
    %div3A_96 = arith.divf %mul3A_94, %mul3A_95 : vector<128x1xf32>
    %gt3A = arith.constant 0.000000e+00 : f32
    %gt3A_97 = vector.broadcast %gt3A : f32 to vector<128x1xf32>
    %gt3A_98 = arith.cmpf ogt, %sqrt3A, %gt3A_97 : vector<128x1xf32>
    %mul3A_99 = arith.mulf %div3A_96, %sqrt3A_78 : vector<128x1xf32>
    %max3A_100 = arith.constant 1.000000e-30 : f32
    %max3A_101 = vector.broadcast %max3A_100 : f32 to vector<128x1xf32>
    %max3A_102 = arith.maximumf %sqrt3A, %max3A_101 : vector<128x1xf32>
    %div3A_103 = arith.divf %mul3A_99, %max3A_102 : vector<128x1xf32>
    %jit3A_104 = arith.constant 0.000000e+00 : f32
    %broadcast_in_dim3A_105 = vector.broadcast %jit3A_104 : f32 to vector<128x1xf32>
    %select_n3A = arith.select %gt3A_98, %div3A_103, %broadcast_in_dim3A_105 : vector<128x1xi1>, vector<128x1xf32>
    %gt3A_106 = arith.constant 0.000000e+00 : f32
    %gt3A_107 = vector.broadcast %gt3A_106 : f32 to vector<128x1xf32>
    %gt3A_108 = arith.cmpf ogt, %sqrt3A_78, %gt3A_107 : vector<128x1xf32>
    %mul3A_109 = arith.mulf %div3A_96, %sqrt3A : vector<128x1xf32>
    %max3A_110 = arith.constant 1.000000e-30 : f32
    %max3A_111 = vector.broadcast %max3A_110 : f32 to vector<128x1xf32>
    %max3A_112 = arith.maximumf %sqrt3A_78, %max3A_111 : vector<128x1xf32>
    %div3A_113 = arith.divf %mul3A_109, %max3A_112 : vector<128x1xf32>
    %jit3A_114 = arith.constant 0.000000e+00 : f32
    %broadcast_in_dim3A_115 = vector.broadcast %jit3A_114 : f32 to vector<128x1xf32>
    %select_n3A_116 = arith.select %gt3A_108, %div3A_113, %broadcast_in_dim3A_115 : vector<128x1xi1>, vector<128x1xf32>
    %mul3A_117 = vector.broadcast %div3A_91 : vector<128x1xf32> to vector<128x3xf32>
    %mul3A_118 = arith.mulf %sub3A_57, %mul3A_117 : vector<128x3xf32>
    %mul3A_119 = vector.broadcast %select_n3A : vector<128x1xf32> to vector<128x3xf32>
    %mul3A_120 = arith.mulf %mul3A_119, %concatenate3A : vector<128x3xf32>
    %add3A_121 = arith.addf %mul3A_118, %mul3A_120 : vector<128x3xf32>
    %mul3A_122 = vector.broadcast %div3A_91 : vector<128x1xf32> to vector<128x3xf32>
    %mul3A_123 = arith.mulf %concatenate3A, %mul3A_122 : vector<128x3xf32>
    %mul3A_124 = vector.broadcast %select_n3A_116 : vector<128x1xf32> to vector<128x3xf32>
    %mul3A_125 = arith.mulf %mul3A_124, %sub3A_57 : vector<128x3xf32>
    %add3A_126 = arith.addf %mul3A_123, %mul3A_125 : vector<128x3xf32>
    %slice3A_127 = vector.extract_strided_slice %sub3A_56 {offsets = [0, 0], sizes = [128, 1], strides = [1, 1]} : vector<128x3xf32> to vector<128x1xf32>
    %slice3A_128 = vector.extract_strided_slice %sub3A_56 {offsets = [0, 1], sizes = [128, 1], strides = [1, 1]} : vector<128x3xf32> to vector<128x1xf32>
    %slice3A_129 = vector.extract_strided_slice %sub3A_56 {offsets = [0, 2], sizes = [128, 1], strides = [1, 1]} : vector<128x3xf32> to vector<128x1xf32>
    %slice3A_130 = vector.extract_strided_slice %add3A_121 {offsets = [0, 0], sizes = [128, 1], strides = [1, 1]} : vector<128x3xf32> to vector<128x1xf32>
    %slice3A_131 = vector.extract_strided_slice %add3A_121 {offsets = [0, 1], sizes = [128, 1], strides = [1, 1]} : vector<128x3xf32> to vector<128x1xf32>
    %slice3A_132 = vector.extract_strided_slice %add3A_121 {offsets = [0, 2], sizes = [128, 1], strides = [1, 1]} : vector<128x3xf32> to vector<128x1xf32>
    %mul3A_133 = arith.mulf %slice3A_128, %slice3A_132 : vector<128x1xf32>
    %mul3A_134 = arith.mulf %slice3A_129, %slice3A_131 : vector<128x1xf32>
    %sub3A_135 = arith.subf %mul3A_133, %mul3A_134 : vector<128x1xf32>
    %mul3A_136 = arith.mulf %slice3A_129, %slice3A_130 : vector<128x1xf32>
    %mul3A_137 = arith.mulf %slice3A_127, %slice3A_132 : vector<128x1xf32>
    %sub3A_138 = arith.subf %mul3A_136, %mul3A_137 : vector<128x1xf32>
    %mul3A_139 = arith.mulf %slice3A_127, %slice3A_131 : vector<128x1xf32>
    %mul3A_140 = arith.mulf %slice3A_128, %slice3A_130 : vector<128x1xf32>
    %sub3A_141 = arith.subf %mul3A_139, %mul3A_140 : vector<128x1xf32>
    %concatenate3A_142 = tpu.concatenate %sub3A_135, %sub3A_138, %sub3A_141 in 1 : vector<128x1xf32>, vector<128x1xf32>, vector<128x1xf32> -> vector<128x3xf32>
    %slice3A_143 = vector.extract_strided_slice %add3A_121 {offsets = [0, 0], sizes = [128, 1], strides = [1, 1]} : vector<128x3xf32> to vector<128x1xf32>
    %slice3A_144 = vector.extract_strided_slice %add3A_121 {offsets = [0, 1], sizes = [128, 1], strides = [1, 1]} : vector<128x3xf32> to vector<128x1xf32>
    %slice3A_145 = vector.extract_strided_slice %add3A_121 {offsets = [0, 2], sizes = [128, 1], strides = [1, 1]} : vector<128x3xf32> to vector<128x1xf32>
    %slice3A_146 = vector.extract_strided_slice %sub3A {offsets = [0, 0], sizes = [128, 1], strides = [1, 1]} : vector<128x3xf32> to vector<128x1xf32>
    %slice3A_147 = vector.extract_strided_slice %sub3A {offsets = [0, 1], sizes = [128, 1], strides = [1, 1]} : vector<128x3xf32> to vector<128x1xf32>
    %slice3A_148 = vector.extract_strided_slice %sub3A {offsets = [0, 2], sizes = [128, 1], strides = [1, 1]} : vector<128x3xf32> to vector<128x1xf32>
    %mul3A_149 = arith.mulf %slice3A_144, %slice3A_148 : vector<128x1xf32>
    %mul3A_150 = arith.mulf %slice3A_145, %slice3A_147 : vector<128x1xf32>
    %sub3A_151 = arith.subf %mul3A_149, %mul3A_150 : vector<128x1xf32>
    %mul3A_152 = arith.mulf %slice3A_145, %slice3A_146 : vector<128x1xf32>
    %mul3A_153 = arith.mulf %slice3A_143, %slice3A_148 : vector<128x1xf32>
    %sub3A_154 = arith.subf %mul3A_152, %mul3A_153 : vector<128x1xf32>
    %mul3A_155 = arith.mulf %slice3A_143, %slice3A_147 : vector<128x1xf32>
    %mul3A_156 = arith.mulf %slice3A_144, %slice3A_146 : vector<128x1xf32>
    %sub3A_157 = arith.subf %mul3A_155, %mul3A_156 : vector<128x1xf32>
    %concatenate3A_158 = tpu.concatenate %sub3A_151, %sub3A_154, %sub3A_157 in 1 : vector<128x1xf32>, vector<128x1xf32>, vector<128x1xf32> -> vector<128x3xf32>
    %add3A_159 = arith.addf %concatenate3A_142, %concatenate3A_158 : vector<128x3xf32>
    %add3A_160 = arith.addf %add3A_159, %add3A_126 : vector<128x3xf32>
    %neg3A_161 = arith.constant 0.000000e+00 : f32
    %neg3A_162 = vector.broadcast %neg3A_161 : f32 to vector<128x3xf32>
    %neg3A_163 = arith.subf %neg3A_162, %add3A_160 : vector<128x3xf32>
    %broadcast_in_dim3A_164 = arith.constant 0.000000e+00 : f32
    %broadcast_in_dim3A_165 = vector.broadcast %broadcast_in_dim3A_164 : f32 to vector<512x3xf32>
    %dot_general3A_166 = arith.constant dense<0.000000e+00> : vector<512x3xf32>
    %dot_general3A_167 = tpu.matmul %convert_element_type3A_32, %neg3A_163, %dot_general3A_166 {dimension_numbers = #tpu.dot_dimension_numbers<[0], [0], [1], [1], [0, 1, 1, 1], [], []>, transpose_lhs_hint = false} : vector<128x512xf32>, vector<128x3xf32>, vector<512x3xf32> -> vector<512x3xf32>
    %add3A_168 = arith.addf %broadcast_in_dim3A_165, %dot_general3A_167 : vector<512x3xf32>
    %dot_general3A_169 = arith.constant dense<0.000000e+00> : vector<512x3xf32>
    %dot_general3A_170 = tpu.matmul %convert_element_type3A_37, %concatenate3A_142, %dot_general3A_169 {dimension_numbers = #tpu.dot_dimension_numbers<[0], [0], [1], [1], [0, 1, 1, 1], [], []>, transpose_lhs_hint = false} : vector<128x512xf32>, vector<128x3xf32>, vector<512x3xf32> -> vector<512x3xf32>
    %add3A_171 = arith.addf %add3A_168, %dot_general3A_170 : vector<512x3xf32>
    %dot_general3A_172 = arith.constant dense<0.000000e+00> : vector<512x3xf32>
    %dot_general3A_173 = tpu.matmul %convert_element_type3A_42, %concatenate3A_158, %dot_general3A_172 {dimension_numbers = #tpu.dot_dimension_numbers<[0], [0], [1], [1], [0, 1, 1, 1], [], []>, transpose_lhs_hint = false} : vector<128x512xf32>, vector<128x3xf32>, vector<512x3xf32> -> vector<512x3xf32>
    %add3A_174 = arith.addf %add3A_171, %dot_general3A_173 : vector<512x3xf32>
    %dot_general3A_175 = arith.constant dense<0.000000e+00> : vector<512x3xf32>
    %dot_general3A_176 = tpu.matmul %convert_element_type3A_47, %add3A_126, %dot_general3A_175 {dimension_numbers = #tpu.dot_dimension_numbers<[0], [0], [1], [1], [0, 1, 1, 1], [], []>, transpose_lhs_hint = false} : vector<128x512xf32>, vector<128x3xf32>, vector<512x3xf32> -> vector<512x3xf32>
    %add3A_177 = arith.addf %add3A_174, %dot_general3A_176 : vector<512x3xf32>
    %swap3A_178 = arith.constant 0 : index
    %swap3A_179 = arith.constant 0 : index
    %swap3A_180 = vector.load %arg12[%swap3A_178, %swap3A_179] : memref<512x3xf32, #tpu.memory_space<vmem>>, vector<512x3xf32>
    tpu.vector_store %arg12[%swap3A_178, %swap3A_179], %add3A_177 {strides = array<i32>} : memref<512x3xf32, #tpu.memory_space<vmem>>, vector<512x3xf32>,
    %broadcast_in_dim3A_181 = arith.constant 0.000000e+00 : f32
    %broadcast_in_dim3A_182 = vector.broadcast %broadcast_in_dim3A_181 : f32 to vector<512x512xf32>
    %slice3A_183 = vector.extract_strided_slice %get3A_20 {offsets = [0, 0], sizes = [512, 1], strides = [1, 1]} : vector<512x3xf32> to vector<512x1xf32>
    %get3A_184 = arith.constant 0 : index
    %get3A_185 = arith.constant 0 : index
    %get3A_186 = vector.load %arg1[%get3A_184, %get3A_185] : memref<3x512xf32, #tpu.memory_space<vmem>>, vector<1x512xf32>
    %sub3A_187 = vector.broadcast %slice3A_183 : vector<512x1xf32> to vector<512x512xf32>
    %sub3A_188 = vector.broadcast %get3A_186 : vector<1x512xf32> to vector<512x512xf32>
    %sub3A_189 = arith.subf %sub3A_187, %sub3A_188 : vector<512x512xf32>
    %mul3A_190 = arith.mulf %sub3A_189, %sub3A_189 : vector<512x512xf32>
    %add3A_191 = arith.addf %broadcast_in_dim3A_182, %mul3A_190 : vector<512x512xf32>
    %slice3A_192 = vector.extract_strided_slice %get3A_20 {offsets = [0, 1], sizes = [512, 1], strides = [1, 1]} : vector<512x3xf32> to vector<512x1xf32>
    %get3A_193 = arith.constant 1 : index
    %get3A_194 = arith.constant 0 : index
    %get3A_195 = vector.load %arg1[%get3A_193, %get3A_194] : memref<3x512xf32, #tpu.memory_space<vmem>>, vector<1x512xf32>
    %sub3A_196 = vector.broadcast %slice3A_192 : vector<512x1xf32> to vector<512x512xf32>
    %sub3A_197 = vector.broadcast %get3A_195 : vector<1x512xf32> to vector<512x512xf32>
    %sub3A_198 = arith.subf %sub3A_196, %sub3A_197 : vector<512x512xf32>
    %mul3A_199 = arith.mulf %sub3A_198, %sub3A_198 : vector<512x512xf32>
    %add3A_200 = arith.addf %add3A_191, %mul3A_199 : vector<512x512xf32>
    %slice3A_201 = vector.extract_strided_slice %get3A_20 {offsets = [0, 2], sizes = [512, 1], strides = [1, 1]} : vector<512x3xf32> to vector<512x1xf32>
    %get3A_202 = arith.constant 2 : index
    %get3A_203 = arith.constant 0 : index
    %get3A_204 = vector.load %arg1[%get3A_202, %get3A_203] : memref<3x512xf32, #tpu.memory_space<vmem>>, vector<1x512xf32>
    %sub3A_205 = vector.broadcast %slice3A_201 : vector<512x1xf32> to vector<512x512xf32>
    %sub3A_206 = vector.broadcast %get3A_204 : vector<1x512xf32> to vector<512x512xf32>
    %sub3A_207 = arith.subf %sub3A_205, %sub3A_206 : vector<512x512xf32>
    %mul3A_208 = arith.mulf %sub3A_207, %sub3A_207 : vector<512x512xf32>
    %add3A_209 = arith.addf %add3A_200, %mul3A_208 : vector<512x512xf32>
    %sqrt3A_210 = math.sqrt %add3A_209 : vector<512x512xf32>
    %get3A_211 = arith.constant 0 : index
    %get3A_212 = arith.constant 0 : index
    %get3A_213 = vector.load %arg2[%get3A_211, %get3A_212] : memref<512x512xf32, #tpu.memory_space<vmem>>, vector<512x512xf32>
    %add3A_214 = arith.addf %sqrt3A_210, %get3A_213 : vector<512x512xf32>
    %iota3A_215 = tpu.iota {dimensions = array<i32: 1>} : vector<512x512xi32>
    %convert_element_type3A_216 = arith.sitofp %iota3A_215 : vector<512x512xi32> to vector<512x512xf32>
    %iota3A_217 = tpu.iota {dimensions = array<i32: 1>} : vector<512x64xi32>
    %broadcast_in_dim3A_218 = arith.constant 0.000000e+00 : f32
    %broadcast_in_dim3A_219 = vector.broadcast %broadcast_in_dim3A_218 : f32 to vector<512x64xf32>
    %scan3A = arith.constant 0 : i32
    %scan3A_220 = arith.constant 64 : i32
    %scan3A_221 = arith.addi %scan3A, %scan3A_220 : i32
    %scan3A_222 = arith.constant 1 : i32
    %scan3A_223:3 = scf.for %scan3A_240 = %scan3A to %scan3A_221 step %scan3A_222 iter_args(%scan3A_241 = %add3A_214, %scan3A_242 = %broadcast_in_dim3A_219, %scan3A_243 = %broadcast_in_dim3A_219) -> (vector<512x512xf32>, vector<512x64xf32>, vector<512x64xf32>)  : i32 {
      %reduce_min3A = arith.constant dense<0x7F800000> : vector<512xf32>
      %reduce_min3A_244 = vector.multi_reduction <minimumf>, %scan3A_241, %reduce_min3A [1] : vector<512x512xf32> to vector<512xf32>
      %broadcast_in_dim3A_245 = vector.shape_cast %reduce_min3A_244 : vector<512xf32> to vector<512x1xf32>
      %eq3A_246 = vector.broadcast %broadcast_in_dim3A_245 : vector<512x1xf32> to vector<512x512xf32>
      %eq3A_247 = arith.cmpf oeq, %scan3A_241, %eq3A_246 : vector<512x512xf32>
      %jit3A_248 = arith.constant 1.000000e+09 : f32
      %broadcast_in_dim3A_249 = vector.broadcast %jit3A_248 : f32 to vector<512x512xf32>
      %select_n3A_250 = arith.select %eq3A_247, %convert_element_type3A_216, %broadcast_in_dim3A_249 : vector<512x512xi1>, vector<512x512xf32>
      %reduce_min3A_251 = arith.constant dense<0x7F800000> : vector<512xf32>
      %reduce_min3A_252 = vector.multi_reduction <minimumf>, %select_n3A_250, %reduce_min3A_251 [1] : vector<512x512xf32> to vector<512xf32>
      %broadcast_in_dim3A_253 = vector.shape_cast %reduce_min3A_252 : vector<512xf32> to vector<512x1xf32>
      %eq3A_254 = vector.broadcast %scan3A_240 : i32 to vector<512x64xi32>
      %eq3A_255 = arith.cmpi eq, %iota3A_217, %eq3A_254 : vector<512x64xi32>
      %broadcast_in_dim3A_256 = vector.shape_cast %broadcast_in_dim3A_245 : vector<512x1xf32> to vector<512x1xf32>
      %broadcast_in_dim3A_257 = vector.broadcast %broadcast_in_dim3A_256 : vector<512x1xf32> to vector<512x64xf32>
      %select_n3A_258 = arith.select %eq3A_255, %broadcast_in_dim3A_257, %scan3A_242 : vector<512x64xi1>, vector<512x64xf32>
      %broadcast_in_dim3A_259 = vector.shape_cast %broadcast_in_dim3A_253 : vector<512x1xf32> to vector<512x1xf32>
      %broadcast_in_dim3A_260 = vector.broadcast %broadcast_in_dim3A_259 : vector<512x1xf32> to vector<512x64xf32>
      %select_n3A_261 = arith.select %eq3A_255, %broadcast_in_dim3A_260, %scan3A_243 : vector<512x64xi1>, vector<512x64xf32>
      %eq3A_262 = vector.broadcast %broadcast_in_dim3A_253 : vector<512x1xf32> to vector<512x512xf32>
      %eq3A_263 = arith.cmpf oeq, %convert_element_type3A_216, %eq3A_262 : vector<512x512xf32>
      %jit3A_264 = arith.constant 0x7F800000 : f32
      %broadcast_in_dim3A_265 = vector.broadcast %jit3A_264 : f32 to vector<512x512xf32>
      %select_n3A_266 = arith.select %eq3A_263, %broadcast_in_dim3A_265, %scan3A_241 : vector<512x512xi1>, vector<512x512xf32>
      scf.yield %select_n3A_266, %select_n3A_258, %select_n3A_261 : vector<512x512xf32>, vector<512x64xf32>, vector<512x64xf32>
    }
    %scan3A_224 = arith.constant 64 : i32
    %convert_element_type3A_225 = arith.fptosi %scan3A_223#2 : vector<512x64xf32> to vector<512x64xi32>
    %swap3A_226 = arith.constant 0 : index
    %swap3A_227 = arith.constant 0 : index
    %swap3A_228 = vector.load %arg8[%swap3A_226, %swap3A_227] : memref<512x64xf32, #tpu.memory_space<vmem>>, vector<512x64xf32>
    tpu.vector_store %arg8[%swap3A_226, %swap3A_227], %scan3A_223#1 {strides = array<i32>} : memref<512x64xf32, #tpu.memory_space<vmem>>, vector<512x64xf32>,
    %swap3A_229 = arith.constant 0 : index
    %swap3A_230 = arith.constant 0 : index
    %swap3A_231 = vector.load %arg9[%swap3A_229, %swap3A_230] : memref<512x64xi32, #tpu.memory_space<vmem>>, vector<512x64xi32>
    tpu.vector_store %arg9[%swap3A_229, %swap3A_230], %convert_element_type3A_225 {strides = array<i32>} : memref<512x64xi32, #tpu.memory_space<vmem>>, vector<512x64xi32>,
    %iota3A_232 = tpu.iota {dimensions = array<i32: 0>} : vector<512x64xi32>
    %mul3A_233 = arith.constant 512 : i32
    %mul3A_234 = vector.broadcast %mul3A_233 : i32 to vector<512x64xi32>
    %mul3A_235 = arith.muli %mul3A_234, %iota3A_232 : vector<512x64xi32>
    %add3A_236 = arith.addi %convert_element_type3A_225, %mul3A_235 : vector<512x64xi32>
    %swap3A_237 = arith.constant 0 : index
    %swap3A_238 = arith.constant 0 : index
    %swap3A_239 = vector.load %arg10[%swap3A_237, %swap3A_238] : memref<512x64xi32, #tpu.memory_space<vmem>>, vector<512x64xi32>
    tpu.vector_store %arg10[%swap3A_237, %swap3A_238], %add3A_236 {strides = array<i32>} : memref<512x64xi32, #tpu.memory_space<vmem>>, vector<512x64xi32>,
    return
  }
}

module attributes {stable_mosaic.version = 14 : i64} {
  func.func @_p_body(%arg0: i32, %arg1: memref<16x192x512xf32, #tpu.memory_space<vmem>>, %arg2: memref<16x512xi32, #tpu.memory_space<vmem>>, %arg3: memref<192x64xf32, #tpu.memory_space<vmem>>, %arg4: memref<8x64xf32, #tpu.memory_space<vmem>>, %arg5: memref<8192x128xf32, #tpu.memory_space<vmem>>) attributes {dimension_semantics = [#tpu.dimension_semantics<arbitrary>], iteration_bounds = array<i64: 32>, scalar_prefetch = 0 : i64, scratch_operands = 0 : i64, tpu.core_type = #tpu.core_type<tc>, window_params = [{transform_indices = @transform_0, window_bounds = array<i64: 16, 192, 512>}, {transform_indices = @transform_1, window_bounds = array<i64: 16, 512>}, {pipeline_mode = #tpu.pipeline_mode<synchronous>, transform_indices = @transform_2, window_bounds = array<i64: 192, 64>}, {pipeline_mode = #tpu.pipeline_mode<synchronous>, transform_indices = @transform_3, window_bounds = array<i64: 8, 64>}, {transform_indices = @transform_4, window_bounds = array<i64: 8192, 128>}]} {
    %get3A = arith.constant 0 : index
    %get3A_0 = arith.constant 0 : index
    %get3A_1 = vector.load %arg2[%get3A, %get3A_0] : memref<16x512xi32, #tpu.memory_space<vmem>>, vector<16x512xi32>
    %iota3A = tpu.iota {dimensions = array<i32: 2>} : vector<16x512x8xi32>
    %broadcast_in_dim3A = vector.shape_cast %get3A_1 : vector<16x512xi32> to vector<16x512x1xi32>
    %eq3A = vector.broadcast %broadcast_in_dim3A : vector<16x512x1xi32> to vector<16x512x8xi32>
    %eq3A_2 = arith.cmpi eq, %eq3A, %iota3A : vector<16x512x8xi32>
    %convert_element_type3A = arith.extui %eq3A_2 : vector<16x512x8xi1> to vector<16x512x8xi32>
    %convert_element_type3A_3 = arith.sitofp %convert_element_type3A : vector<16x512x8xi32> to vector<16x512x8xf32>
    %reshape3A = vector.shape_cast %convert_element_type3A_3 : vector<16x512x8xf32> to vector<8192x8xf32>
    %get3A_4 = arith.constant 0 : index
    %get3A_5 = arith.constant 0 : index
    %get3A_6 = vector.load %arg4[%get3A_4, %get3A_5] : memref<8x64xf32, #tpu.memory_space<vmem>>, vector<8x64xf32>
    %dot_general3A = arith.constant dense<0.000000e+00> : vector<8192x64xf32>
    %dot_general3A_7 = tpu.matmul %reshape3A, %get3A_6, %dot_general3A {dimension_numbers = #tpu.dot_dimension_numbers<[1], [0], [0], [1], [0, 0, 1, 1], [], []>, transpose_lhs_hint = false} : vector<8192x8xf32>, vector<8x64xf32>, vector<8192x64xf32> -> vector<8192x64xf32>
    %broadcast_in_dim3A_8 = arith.constant 0.000000e+00 : f32
    %broadcast_in_dim3A_9 = vector.broadcast %broadcast_in_dim3A_8 : f32 to vector<512x64xf32>
    %get3A_10 = arith.constant 0 : index
    %get3A_11 = arith.constant 0 : index
    %get3A_12 = arith.constant 0 : index
    %get3A_13 = vector.load %arg1[%get3A_10, %get3A_11, %get3A_12] : memref<16x192x512xf32, #tpu.memory_space<vmem>>, vector<1x192x512xf32>
    %get3A_14 = vector.shape_cast %get3A_13 : vector<1x192x512xf32> to vector<192x512xf32>
    %get3A_15 = arith.constant 0 : index
    %get3A_16 = arith.constant 0 : index
    %get3A_17 = vector.load %arg3[%get3A_15, %get3A_16] : memref<192x64xf32, #tpu.memory_space<vmem>>, vector<192x64xf32>
    %dot_general3A_18 = arith.constant dense<0.000000e+00> : vector<512x64xf32>
    %dot_general3A_19 = tpu.matmul %get3A_14, %get3A_17, %dot_general3A_18 {dimension_numbers = #tpu.dot_dimension_numbers<[0], [0], [1], [1], [0, 1, 1, 1], [], []>, transpose_lhs_hint = false} : vector<192x512xf32>, vector<192x64xf32>, vector<512x64xf32> -> vector<512x64xf32>
    %slice3A = vector.extract_strided_slice %dot_general3A_7 {offsets = [0, 0], sizes = [512, 64], strides = [1, 1]} : vector<8192x64xf32> to vector<512x64xf32>
    %add3A = arith.addf %dot_general3A_19, %slice3A : vector<512x64xf32>
    %concatenate3A = tpu.concatenate %add3A, %broadcast_in_dim3A_9 in 1 : vector<512x64xf32>, vector<512x64xf32> -> vector<512x128xf32>
    %swap3A = arith.constant 0 : index
    %swap3A_20 = arith.constant 0 : index
    %swap3A_21 = vector.load %arg5[%swap3A, %swap3A_20] : memref<8192x128xf32, #tpu.memory_space<vmem>>, vector<512x128xf32>
    tpu.vector_store %arg5[%swap3A, %swap3A_20], %concatenate3A {strides = array<i32>} : memref<8192x128xf32, #tpu.memory_space<vmem>>, vector<512x128xf32>,
    %get3A_22 = arith.constant 1 : index
    %get3A_23 = arith.constant 0 : index
    %get3A_24 = arith.constant 0 : index
    %get3A_25 = vector.load %arg1[%get3A_22, %get3A_23, %get3A_24] : memref<16x192x512xf32, #tpu.memory_space<vmem>>, vector<1x192x512xf32>
    %get3A_26 = vector.shape_cast %get3A_25 : vector<1x192x512xf32> to vector<192x512xf32>
    %get3A_27 = arith.constant 0 : index
    %get3A_28 = arith.constant 0 : index
    %get3A_29 = vector.load %arg3[%get3A_27, %get3A_28] : memref<192x64xf32, #tpu.memory_space<vmem>>, vector<192x64xf32>
    %dot_general3A_30 = arith.constant dense<0.000000e+00> : vector<512x64xf32>
    %dot_general3A_31 = tpu.matmul %get3A_26, %get3A_29, %dot_general3A_30 {dimension_numbers = #tpu.dot_dimension_numbers<[0], [0], [1], [1], [0, 1, 1, 1], [], []>, transpose_lhs_hint = false} : vector<192x512xf32>, vector<192x64xf32>, vector<512x64xf32> -> vector<512x64xf32>
    %slice3A_32 = vector.extract_strided_slice %dot_general3A_7 {offsets = [512, 0], sizes = [512, 64], strides = [1, 1]} : vector<8192x64xf32> to vector<512x64xf32>
    %add3A_33 = arith.addf %dot_general3A_31, %slice3A_32 : vector<512x64xf32>
    %concatenate3A_34 = tpu.concatenate %add3A_33, %broadcast_in_dim3A_9 in 1 : vector<512x64xf32>, vector<512x64xf32> -> vector<512x128xf32>
    %swap3A_35 = arith.constant 512 : index
    %swap3A_36 = arith.constant 0 : index
    %swap3A_37 = vector.load %arg5[%swap3A_35, %swap3A_36] : memref<8192x128xf32, #tpu.memory_space<vmem>>, vector<512x128xf32>
    tpu.vector_store %arg5[%swap3A_35, %swap3A_36], %concatenate3A_34 {strides = array<i32>} : memref<8192x128xf32, #tpu.memory_space<vmem>>, vector<512x128xf32>,
    %get3A_38 = arith.constant 2 : index
    %get3A_39 = arith.constant 0 : index
    %get3A_40 = arith.constant 0 : index
    %get3A_41 = vector.load %arg1[%get3A_38, %get3A_39, %get3A_40] : memref<16x192x512xf32, #tpu.memory_space<vmem>>, vector<1x192x512xf32>
    %get3A_42 = vector.shape_cast %get3A_41 : vector<1x192x512xf32> to vector<192x512xf32>
    %get3A_43 = arith.constant 0 : index
    %get3A_44 = arith.constant 0 : index
    %get3A_45 = vector.load %arg3[%get3A_43, %get3A_44] : memref<192x64xf32, #tpu.memory_space<vmem>>, vector<192x64xf32>
    %dot_general3A_46 = arith.constant dense<0.000000e+00> : vector<512x64xf32>
    %dot_general3A_47 = tpu.matmul %get3A_42, %get3A_45, %dot_general3A_46 {dimension_numbers = #tpu.dot_dimension_numbers<[0], [0], [1], [1], [0, 1, 1, 1], [], []>, transpose_lhs_hint = false} : vector<192x512xf32>, vector<192x64xf32>, vector<512x64xf32> -> vector<512x64xf32>
    %slice3A_48 = vector.extract_strided_slice %dot_general3A_7 {offsets = [1024, 0], sizes = [512, 64], strides = [1, 1]} : vector<8192x64xf32> to vector<512x64xf32>
    %add3A_49 = arith.addf %dot_general3A_47, %slice3A_48 : vector<512x64xf32>
    %concatenate3A_50 = tpu.concatenate %add3A_49, %broadcast_in_dim3A_9 in 1 : vector<512x64xf32>, vector<512x64xf32> -> vector<512x128xf32>
    %swap3A_51 = arith.constant 1024 : index
    %swap3A_52 = arith.constant 0 : index
    %swap3A_53 = vector.load %arg5[%swap3A_51, %swap3A_52] : memref<8192x128xf32, #tpu.memory_space<vmem>>, vector<512x128xf32>
    tpu.vector_store %arg5[%swap3A_51, %swap3A_52], %concatenate3A_50 {strides = array<i32>} : memref<8192x128xf32, #tpu.memory_space<vmem>>, vector<512x128xf32>,
    %get3A_54 = arith.constant 3 : index
    %get3A_55 = arith.constant 0 : index
    %get3A_56 = arith.constant 0 : index
    %get3A_57 = vector.load %arg1[%get3A_54, %get3A_55, %get3A_56] : memref<16x192x512xf32, #tpu.memory_space<vmem>>, vector<1x192x512xf32>
    %get3A_58 = vector.shape_cast %get3A_57 : vector<1x192x512xf32> to vector<192x512xf32>
    %get3A_59 = arith.constant 0 : index
    %get3A_60 = arith.constant 0 : index
    %get3A_61 = vector.load %arg3[%get3A_59, %get3A_60] : memref<192x64xf32, #tpu.memory_space<vmem>>, vector<192x64xf32>
    %dot_general3A_62 = arith.constant dense<0.000000e+00> : vector<512x64xf32>
    %dot_general3A_63 = tpu.matmul %get3A_58, %get3A_61, %dot_general3A_62 {dimension_numbers = #tpu.dot_dimension_numbers<[0], [0], [1], [1], [0, 1, 1, 1], [], []>, transpose_lhs_hint = false} : vector<192x512xf32>, vector<192x64xf32>, vector<512x64xf32> -> vector<512x64xf32>
    %slice3A_64 = vector.extract_strided_slice %dot_general3A_7 {offsets = [1536, 0], sizes = [512, 64], strides = [1, 1]} : vector<8192x64xf32> to vector<512x64xf32>
    %add3A_65 = arith.addf %dot_general3A_63, %slice3A_64 : vector<512x64xf32>
    %concatenate3A_66 = tpu.concatenate %add3A_65, %broadcast_in_dim3A_9 in 1 : vector<512x64xf32>, vector<512x64xf32> -> vector<512x128xf32>
    %swap3A_67 = arith.constant 1536 : index
    %swap3A_68 = arith.constant 0 : index
    %swap3A_69 = vector.load %arg5[%swap3A_67, %swap3A_68] : memref<8192x128xf32, #tpu.memory_space<vmem>>, vector<512x128xf32>
    tpu.vector_store %arg5[%swap3A_67, %swap3A_68], %concatenate3A_66 {strides = array<i32>} : memref<8192x128xf32, #tpu.memory_space<vmem>>, vector<512x128xf32>,
    %get3A_70 = arith.constant 4 : index
    %get3A_71 = arith.constant 0 : index
    %get3A_72 = arith.constant 0 : index
    %get3A_73 = vector.load %arg1[%get3A_70, %get3A_71, %get3A_72] : memref<16x192x512xf32, #tpu.memory_space<vmem>>, vector<1x192x512xf32>
    %get3A_74 = vector.shape_cast %get3A_73 : vector<1x192x512xf32> to vector<192x512xf32>
    %get3A_75 = arith.constant 0 : index
    %get3A_76 = arith.constant 0 : index
    %get3A_77 = vector.load %arg3[%get3A_75, %get3A_76] : memref<192x64xf32, #tpu.memory_space<vmem>>, vector<192x64xf32>
    %dot_general3A_78 = arith.constant dense<0.000000e+00> : vector<512x64xf32>
    %dot_general3A_79 = tpu.matmul %get3A_74, %get3A_77, %dot_general3A_78 {dimension_numbers = #tpu.dot_dimension_numbers<[0], [0], [1], [1], [0, 1, 1, 1], [], []>, transpose_lhs_hint = false} : vector<192x512xf32>, vector<192x64xf32>, vector<512x64xf32> -> vector<512x64xf32>
    %slice3A_80 = vector.extract_strided_slice %dot_general3A_7 {offsets = [2048, 0], sizes = [512, 64], strides = [1, 1]} : vector<8192x64xf32> to vector<512x64xf32>
    %add3A_81 = arith.addf %dot_general3A_79, %slice3A_80 : vector<512x64xf32>
    %concatenate3A_82 = tpu.concatenate %add3A_81, %broadcast_in_dim3A_9 in 1 : vector<512x64xf32>, vector<512x64xf32> -> vector<512x128xf32>
    %swap3A_83 = arith.constant 2048 : index
    %swap3A_84 = arith.constant 0 : index
    %swap3A_85 = vector.load %arg5[%swap3A_83, %swap3A_84] : memref<8192x128xf32, #tpu.memory_space<vmem>>, vector<512x128xf32>
    tpu.vector_store %arg5[%swap3A_83, %swap3A_84], %concatenate3A_82 {strides = array<i32>} : memref<8192x128xf32, #tpu.memory_space<vmem>>, vector<512x128xf32>,
    %get3A_86 = arith.constant 5 : index
    %get3A_87 = arith.constant 0 : index
    %get3A_88 = arith.constant 0 : index
    %get3A_89 = vector.load %arg1[%get3A_86, %get3A_87, %get3A_88] : memref<16x192x512xf32, #tpu.memory_space<vmem>>, vector<1x192x512xf32>
    %get3A_90 = vector.shape_cast %get3A_89 : vector<1x192x512xf32> to vector<192x512xf32>
    %get3A_91 = arith.constant 0 : index
    %get3A_92 = arith.constant 0 : index
    %get3A_93 = vector.load %arg3[%get3A_91, %get3A_92] : memref<192x64xf32, #tpu.memory_space<vmem>>, vector<192x64xf32>
    %dot_general3A_94 = arith.constant dense<0.000000e+00> : vector<512x64xf32>
    %dot_general3A_95 = tpu.matmul %get3A_90, %get3A_93, %dot_general3A_94 {dimension_numbers = #tpu.dot_dimension_numbers<[0], [0], [1], [1], [0, 1, 1, 1], [], []>, transpose_lhs_hint = false} : vector<192x512xf32>, vector<192x64xf32>, vector<512x64xf32> -> vector<512x64xf32>
    %slice3A_96 = vector.extract_strided_slice %dot_general3A_7 {offsets = [2560, 0], sizes = [512, 64], strides = [1, 1]} : vector<8192x64xf32> to vector<512x64xf32>
    %add3A_97 = arith.addf %dot_general3A_95, %slice3A_96 : vector<512x64xf32>
    %concatenate3A_98 = tpu.concatenate %add3A_97, %broadcast_in_dim3A_9 in 1 : vector<512x64xf32>, vector<512x64xf32> -> vector<512x128xf32>
    %swap3A_99 = arith.constant 2560 : index
    %swap3A_100 = arith.constant 0 : index
    %swap3A_101 = vector.load %arg5[%swap3A_99, %swap3A_100] : memref<8192x128xf32, #tpu.memory_space<vmem>>, vector<512x128xf32>
    tpu.vector_store %arg5[%swap3A_99, %swap3A_100], %concatenate3A_98 {strides = array<i32>} : memref<8192x128xf32, #tpu.memory_space<vmem>>, vector<512x128xf32>,
    %get3A_102 = arith.constant 6 : index
    %get3A_103 = arith.constant 0 : index
    %get3A_104 = arith.constant 0 : index
    %get3A_105 = vector.load %arg1[%get3A_102, %get3A_103, %get3A_104] : memref<16x192x512xf32, #tpu.memory_space<vmem>>, vector<1x192x512xf32>
    %get3A_106 = vector.shape_cast %get3A_105 : vector<1x192x512xf32> to vector<192x512xf32>
    %get3A_107 = arith.constant 0 : index
    %get3A_108 = arith.constant 0 : index
    %get3A_109 = vector.load %arg3[%get3A_107, %get3A_108] : memref<192x64xf32, #tpu.memory_space<vmem>>, vector<192x64xf32>
    %dot_general3A_110 = arith.constant dense<0.000000e+00> : vector<512x64xf32>
    %dot_general3A_111 = tpu.matmul %get3A_106, %get3A_109, %dot_general3A_110 {dimension_numbers = #tpu.dot_dimension_numbers<[0], [0], [1], [1], [0, 1, 1, 1], [], []>, transpose_lhs_hint = false} : vector<192x512xf32>, vector<192x64xf32>, vector<512x64xf32> -> vector<512x64xf32>
    %slice3A_112 = vector.extract_strided_slice %dot_general3A_7 {offsets = [3072, 0], sizes = [512, 64], strides = [1, 1]} : vector<8192x64xf32> to vector<512x64xf32>
    %add3A_113 = arith.addf %dot_general3A_111, %slice3A_112 : vector<512x64xf32>
    %concatenate3A_114 = tpu.concatenate %add3A_113, %broadcast_in_dim3A_9 in 1 : vector<512x64xf32>, vector<512x64xf32> -> vector<512x128xf32>
    %swap3A_115 = arith.constant 3072 : index
    %swap3A_116 = arith.constant 0 : index
    %swap3A_117 = vector.load %arg5[%swap3A_115, %swap3A_116] : memref<8192x128xf32, #tpu.memory_space<vmem>>, vector<512x128xf32>
    tpu.vector_store %arg5[%swap3A_115, %swap3A_116], %concatenate3A_114 {strides = array<i32>} : memref<8192x128xf32, #tpu.memory_space<vmem>>, vector<512x128xf32>,
    %get3A_118 = arith.constant 7 : index
    %get3A_119 = arith.constant 0 : index
    %get3A_120 = arith.constant 0 : index
    %get3A_121 = vector.load %arg1[%get3A_118, %get3A_119, %get3A_120] : memref<16x192x512xf32, #tpu.memory_space<vmem>>, vector<1x192x512xf32>
    %get3A_122 = vector.shape_cast %get3A_121 : vector<1x192x512xf32> to vector<192x512xf32>
    %get3A_123 = arith.constant 0 : index
    %get3A_124 = arith.constant 0 : index
    %get3A_125 = vector.load %arg3[%get3A_123, %get3A_124] : memref<192x64xf32, #tpu.memory_space<vmem>>, vector<192x64xf32>
    %dot_general3A_126 = arith.constant dense<0.000000e+00> : vector<512x64xf32>
    %dot_general3A_127 = tpu.matmul %get3A_122, %get3A_125, %dot_general3A_126 {dimension_numbers = #tpu.dot_dimension_numbers<[0], [0], [1], [1], [0, 1, 1, 1], [], []>, transpose_lhs_hint = false} : vector<192x512xf32>, vector<192x64xf32>, vector<512x64xf32> -> vector<512x64xf32>
    %slice3A_128 = vector.extract_strided_slice %dot_general3A_7 {offsets = [3584, 0], sizes = [512, 64], strides = [1, 1]} : vector<8192x64xf32> to vector<512x64xf32>
    %add3A_129 = arith.addf %dot_general3A_127, %slice3A_128 : vector<512x64xf32>
    %concatenate3A_130 = tpu.concatenate %add3A_129, %broadcast_in_dim3A_9 in 1 : vector<512x64xf32>, vector<512x64xf32> -> vector<512x128xf32>
    %swap3A_131 = arith.constant 3584 : index
    %swap3A_132 = arith.constant 0 : index
    %swap3A_133 = vector.load %arg5[%swap3A_131, %swap3A_132] : memref<8192x128xf32, #tpu.memory_space<vmem>>, vector<512x128xf32>
    tpu.vector_store %arg5[%swap3A_131, %swap3A_132], %concatenate3A_130 {strides = array<i32>} : memref<8192x128xf32, #tpu.memory_space<vmem>>, vector<512x128xf32>,
    %get3A_134 = arith.constant 8 : index
    %get3A_135 = arith.constant 0 : index
    %get3A_136 = arith.constant 0 : index
    %get3A_137 = vector.load %arg1[%get3A_134, %get3A_135, %get3A_136] : memref<16x192x512xf32, #tpu.memory_space<vmem>>, vector<1x192x512xf32>
    %get3A_138 = vector.shape_cast %get3A_137 : vector<1x192x512xf32> to vector<192x512xf32>
    %get3A_139 = arith.constant 0 : index
    %get3A_140 = arith.constant 0 : index
    %get3A_141 = vector.load %arg3[%get3A_139, %get3A_140] : memref<192x64xf32, #tpu.memory_space<vmem>>, vector<192x64xf32>
    %dot_general3A_142 = arith.constant dense<0.000000e+00> : vector<512x64xf32>
    %dot_general3A_143 = tpu.matmul %get3A_138, %get3A_141, %dot_general3A_142 {dimension_numbers = #tpu.dot_dimension_numbers<[0], [0], [1], [1], [0, 1, 1, 1], [], []>, transpose_lhs_hint = false} : vector<192x512xf32>, vector<192x64xf32>, vector<512x64xf32> -> vector<512x64xf32>
    %slice3A_144 = vector.extract_strided_slice %dot_general3A_7 {offsets = [4096, 0], sizes = [512, 64], strides = [1, 1]} : vector<8192x64xf32> to vector<512x64xf32>
    %add3A_145 = arith.addf %dot_general3A_143, %slice3A_144 : vector<512x64xf32>
    %concatenate3A_146 = tpu.concatenate %add3A_145, %broadcast_in_dim3A_9 in 1 : vector<512x64xf32>, vector<512x64xf32> -> vector<512x128xf32>
    %swap3A_147 = arith.constant 4096 : index
    %swap3A_148 = arith.constant 0 : index
    %swap3A_149 = vector.load %arg5[%swap3A_147, %swap3A_148] : memref<8192x128xf32, #tpu.memory_space<vmem>>, vector<512x128xf32>
    tpu.vector_store %arg5[%swap3A_147, %swap3A_148], %concatenate3A_146 {strides = array<i32>} : memref<8192x128xf32, #tpu.memory_space<vmem>>, vector<512x128xf32>,
    %get3A_150 = arith.constant 9 : index
    %get3A_151 = arith.constant 0 : index
    %get3A_152 = arith.constant 0 : index
    %get3A_153 = vector.load %arg1[%get3A_150, %get3A_151, %get3A_152] : memref<16x192x512xf32, #tpu.memory_space<vmem>>, vector<1x192x512xf32>
    %get3A_154 = vector.shape_cast %get3A_153 : vector<1x192x512xf32> to vector<192x512xf32>
    %get3A_155 = arith.constant 0 : index
    %get3A_156 = arith.constant 0 : index
    %get3A_157 = vector.load %arg3[%get3A_155, %get3A_156] : memref<192x64xf32, #tpu.memory_space<vmem>>, vector<192x64xf32>
    %dot_general3A_158 = arith.constant dense<0.000000e+00> : vector<512x64xf32>
    %dot_general3A_159 = tpu.matmul %get3A_154, %get3A_157, %dot_general3A_158 {dimension_numbers = #tpu.dot_dimension_numbers<[0], [0], [1], [1], [0, 1, 1, 1], [], []>, transpose_lhs_hint = false} : vector<192x512xf32>, vector<192x64xf32>, vector<512x64xf32> -> vector<512x64xf32>
    %slice3A_160 = vector.extract_strided_slice %dot_general3A_7 {offsets = [4608, 0], sizes = [512, 64], strides = [1, 1]} : vector<8192x64xf32> to vector<512x64xf32>
    %add3A_161 = arith.addf %dot_general3A_159, %slice3A_160 : vector<512x64xf32>
    %concatenate3A_162 = tpu.concatenate %add3A_161, %broadcast_in_dim3A_9 in 1 : vector<512x64xf32>, vector<512x64xf32> -> vector<512x128xf32>
    %swap3A_163 = arith.constant 4608 : index
    %swap3A_164 = arith.constant 0 : index
    %swap3A_165 = vector.load %arg5[%swap3A_163, %swap3A_164] : memref<8192x128xf32, #tpu.memory_space<vmem>>, vector<512x128xf32>
    tpu.vector_store %arg5[%swap3A_163, %swap3A_164], %concatenate3A_162 {strides = array<i32>} : memref<8192x128xf32, #tpu.memory_space<vmem>>, vector<512x128xf32>,
    %get3A_166 = arith.constant 10 : index
    %get3A_167 = arith.constant 0 : index
    %get3A_168 = arith.constant 0 : index
    %get3A_169 = vector.load %arg1[%get3A_166, %get3A_167, %get3A_168] : memref<16x192x512xf32, #tpu.memory_space<vmem>>, vector<1x192x512xf32>
    %get3A_170 = vector.shape_cast %get3A_169 : vector<1x192x512xf32> to vector<192x512xf32>
    %get3A_171 = arith.constant 0 : index
    %get3A_172 = arith.constant 0 : index
    %get3A_173 = vector.load %arg3[%get3A_171, %get3A_172] : memref<192x64xf32, #tpu.memory_space<vmem>>, vector<192x64xf32>
    %dot_general3A_174 = arith.constant dense<0.000000e+00> : vector<512x64xf32>
    %dot_general3A_175 = tpu.matmul %get3A_170, %get3A_173, %dot_general3A_174 {dimension_numbers = #tpu.dot_dimension_numbers<[0], [0], [1], [1], [0, 1, 1, 1], [], []>, transpose_lhs_hint = false} : vector<192x512xf32>, vector<192x64xf32>, vector<512x64xf32> -> vector<512x64xf32>
    %slice3A_176 = vector.extract_strided_slice %dot_general3A_7 {offsets = [5120, 0], sizes = [512, 64], strides = [1, 1]} : vector<8192x64xf32> to vector<512x64xf32>
    %add3A_177 = arith.addf %dot_general3A_175, %slice3A_176 : vector<512x64xf32>
    %concatenate3A_178 = tpu.concatenate %add3A_177, %broadcast_in_dim3A_9 in 1 : vector<512x64xf32>, vector<512x64xf32> -> vector<512x128xf32>
    %swap3A_179 = arith.constant 5120 : index
    %swap3A_180 = arith.constant 0 : index
    %swap3A_181 = vector.load %arg5[%swap3A_179, %swap3A_180] : memref<8192x128xf32, #tpu.memory_space<vmem>>, vector<512x128xf32>
    tpu.vector_store %arg5[%swap3A_179, %swap3A_180], %concatenate3A_178 {strides = array<i32>} : memref<8192x128xf32, #tpu.memory_space<vmem>>, vector<512x128xf32>,
    %get3A_182 = arith.constant 11 : index
    %get3A_183 = arith.constant 0 : index
    %get3A_184 = arith.constant 0 : index
    %get3A_185 = vector.load %arg1[%get3A_182, %get3A_183, %get3A_184] : memref<16x192x512xf32, #tpu.memory_space<vmem>>, vector<1x192x512xf32>
    %get3A_186 = vector.shape_cast %get3A_185 : vector<1x192x512xf32> to vector<192x512xf32>
    %get3A_187 = arith.constant 0 : index
    %get3A_188 = arith.constant 0 : index
    %get3A_189 = vector.load %arg3[%get3A_187, %get3A_188] : memref<192x64xf32, #tpu.memory_space<vmem>>, vector<192x64xf32>
    %dot_general3A_190 = arith.constant dense<0.000000e+00> : vector<512x64xf32>
    %dot_general3A_191 = tpu.matmul %get3A_186, %get3A_189, %dot_general3A_190 {dimension_numbers = #tpu.dot_dimension_numbers<[0], [0], [1], [1], [0, 1, 1, 1], [], []>, transpose_lhs_hint = false} : vector<192x512xf32>, vector<192x64xf32>, vector<512x64xf32> -> vector<512x64xf32>
    %slice3A_192 = vector.extract_strided_slice %dot_general3A_7 {offsets = [5632, 0], sizes = [512, 64], strides = [1, 1]} : vector<8192x64xf32> to vector<512x64xf32>
    %add3A_193 = arith.addf %dot_general3A_191, %slice3A_192 : vector<512x64xf32>
    %concatenate3A_194 = tpu.concatenate %add3A_193, %broadcast_in_dim3A_9 in 1 : vector<512x64xf32>, vector<512x64xf32> -> vector<512x128xf32>
    %swap3A_195 = arith.constant 5632 : index
    %swap3A_196 = arith.constant 0 : index
    %swap3A_197 = vector.load %arg5[%swap3A_195, %swap3A_196] : memref<8192x128xf32, #tpu.memory_space<vmem>>, vector<512x128xf32>
    tpu.vector_store %arg5[%swap3A_195, %swap3A_196], %concatenate3A_194 {strides = array<i32>} : memref<8192x128xf32, #tpu.memory_space<vmem>>, vector<512x128xf32>,
    %get3A_198 = arith.constant 12 : index
    %get3A_199 = arith.constant 0 : index
    %get3A_200 = arith.constant 0 : index
    %get3A_201 = vector.load %arg1[%get3A_198, %get3A_199, %get3A_200] : memref<16x192x512xf32, #tpu.memory_space<vmem>>, vector<1x192x512xf32>
    %get3A_202 = vector.shape_cast %get3A_201 : vector<1x192x512xf32> to vector<192x512xf32>
    %get3A_203 = arith.constant 0 : index
    %get3A_204 = arith.constant 0 : index
    %get3A_205 = vector.load %arg3[%get3A_203, %get3A_204] : memref<192x64xf32, #tpu.memory_space<vmem>>, vector<192x64xf32>
    %dot_general3A_206 = arith.constant dense<0.000000e+00> : vector<512x64xf32>
    %dot_general3A_207 = tpu.matmul %get3A_202, %get3A_205, %dot_general3A_206 {dimension_numbers = #tpu.dot_dimension_numbers<[0], [0], [1], [1], [0, 1, 1, 1], [], []>, transpose_lhs_hint = false} : vector<192x512xf32>, vector<192x64xf32>, vector<512x64xf32> -> vector<512x64xf32>
    %slice3A_208 = vector.extract_strided_slice %dot_general3A_7 {offsets = [6144, 0], sizes = [512, 64], strides = [1, 1]} : vector<8192x64xf32> to vector<512x64xf32>
    %add3A_209 = arith.addf %dot_general3A_207, %slice3A_208 : vector<512x64xf32>
    %concatenate3A_210 = tpu.concatenate %add3A_209, %broadcast_in_dim3A_9 in 1 : vector<512x64xf32>, vector<512x64xf32> -> vector<512x128xf32>
    %swap3A_211 = arith.constant 6144 : index
    %swap3A_212 = arith.constant 0 : index
    %swap3A_213 = vector.load %arg5[%swap3A_211, %swap3A_212] : memref<8192x128xf32, #tpu.memory_space<vmem>>, vector<512x128xf32>
    tpu.vector_store %arg5[%swap3A_211, %swap3A_212], %concatenate3A_210 {strides = array<i32>} : memref<8192x128xf32, #tpu.memory_space<vmem>>, vector<512x128xf32>,
    %get3A_214 = arith.constant 13 : index
    %get3A_215 = arith.constant 0 : index
    %get3A_216 = arith.constant 0 : index
    %get3A_217 = vector.load %arg1[%get3A_214, %get3A_215, %get3A_216] : memref<16x192x512xf32, #tpu.memory_space<vmem>>, vector<1x192x512xf32>
    %get3A_218 = vector.shape_cast %get3A_217 : vector<1x192x512xf32> to vector<192x512xf32>
    %get3A_219 = arith.constant 0 : index
    %get3A_220 = arith.constant 0 : index
    %get3A_221 = vector.load %arg3[%get3A_219, %get3A_220] : memref<192x64xf32, #tpu.memory_space<vmem>>, vector<192x64xf32>
    %dot_general3A_222 = arith.constant dense<0.000000e+00> : vector<512x64xf32>
    %dot_general3A_223 = tpu.matmul %get3A_218, %get3A_221, %dot_general3A_222 {dimension_numbers = #tpu.dot_dimension_numbers<[0], [0], [1], [1], [0, 1, 1, 1], [], []>, transpose_lhs_hint = false} : vector<192x512xf32>, vector<192x64xf32>, vector<512x64xf32> -> vector<512x64xf32>
    %slice3A_224 = vector.extract_strided_slice %dot_general3A_7 {offsets = [6656, 0], sizes = [512, 64], strides = [1, 1]} : vector<8192x64xf32> to vector<512x64xf32>
    %add3A_225 = arith.addf %dot_general3A_223, %slice3A_224 : vector<512x64xf32>
    %concatenate3A_226 = tpu.concatenate %add3A_225, %broadcast_in_dim3A_9 in 1 : vector<512x64xf32>, vector<512x64xf32> -> vector<512x128xf32>
    %swap3A_227 = arith.constant 6656 : index
    %swap3A_228 = arith.constant 0 : index
    %swap3A_229 = vector.load %arg5[%swap3A_227, %swap3A_228] : memref<8192x128xf32, #tpu.memory_space<vmem>>, vector<512x128xf32>
    tpu.vector_store %arg5[%swap3A_227, %swap3A_228], %concatenate3A_226 {strides = array<i32>} : memref<8192x128xf32, #tpu.memory_space<vmem>>, vector<512x128xf32>,
    %get3A_230 = arith.constant 14 : index
    %get3A_231 = arith.constant 0 : index
    %get3A_232 = arith.constant 0 : index
    %get3A_233 = vector.load %arg1[%get3A_230, %get3A_231, %get3A_232] : memref<16x192x512xf32, #tpu.memory_space<vmem>>, vector<1x192x512xf32>
    %get3A_234 = vector.shape_cast %get3A_233 : vector<1x192x512xf32> to vector<192x512xf32>
    %get3A_235 = arith.constant 0 : index
    %get3A_236 = arith.constant 0 : index
    %get3A_237 = vector.load %arg3[%get3A_235, %get3A_236] : memref<192x64xf32, #tpu.memory_space<vmem>>, vector<192x64xf32>
    %dot_general3A_238 = arith.constant dense<0.000000e+00> : vector<512x64xf32>
    %dot_general3A_239 = tpu.matmul %get3A_234, %get3A_237, %dot_general3A_238 {dimension_numbers = #tpu.dot_dimension_numbers<[0], [0], [1], [1], [0, 1, 1, 1], [], []>, transpose_lhs_hint = false} : vector<192x512xf32>, vector<192x64xf32>, vector<512x64xf32> -> vector<512x64xf32>
    %slice3A_240 = vector.extract_strided_slice %dot_general3A_7 {offsets = [7168, 0], sizes = [512, 64], strides = [1, 1]} : vector<8192x64xf32> to vector<512x64xf32>
    %add3A_241 = arith.addf %dot_general3A_239, %slice3A_240 : vector<512x64xf32>
    %concatenate3A_242 = tpu.concatenate %add3A_241, %broadcast_in_dim3A_9 in 1 : vector<512x64xf32>, vector<512x64xf32> -> vector<512x128xf32>
    %swap3A_243 = arith.constant 7168 : index
    %swap3A_244 = arith.constant 0 : index
    %swap3A_245 = vector.load %arg5[%swap3A_243, %swap3A_244] : memref<8192x128xf32, #tpu.memory_space<vmem>>, vector<512x128xf32>
    tpu.vector_store %arg5[%swap3A_243, %swap3A_244], %concatenate3A_242 {strides = array<i32>} : memref<8192x128xf32, #tpu.memory_space<vmem>>, vector<512x128xf32>,
    %get3A_246 = arith.constant 15 : index
    %get3A_247 = arith.constant 0 : index
    %get3A_248 = arith.constant 0 : index
    %get3A_249 = vector.load %arg1[%get3A_246, %get3A_247, %get3A_248] : memref<16x192x512xf32, #tpu.memory_space<vmem>>, vector<1x192x512xf32>
    %get3A_250 = vector.shape_cast %get3A_249 : vector<1x192x512xf32> to vector<192x512xf32>
    %get3A_251 = arith.constant 0 : index
    %get3A_252 = arith.constant 0 : index
    %get3A_253 = vector.load %arg3[%get3A_251, %get3A_252] : memref<192x64xf32, #tpu.memory_space<vmem>>, vector<192x64xf32>
    %dot_general3A_254 = arith.constant dense<0.000000e+00> : vector<512x64xf32>
    %dot_general3A_255 = tpu.matmul %get3A_250, %get3A_253, %dot_general3A_254 {dimension_numbers = #tpu.dot_dimension_numbers<[0], [0], [1], [1], [0, 1, 1, 1], [], []>, transpose_lhs_hint = false} : vector<192x512xf32>, vector<192x64xf32>, vector<512x64xf32> -> vector<512x64xf32>
    %slice3A_256 = vector.extract_strided_slice %dot_general3A_7 {offsets = [7680, 0], sizes = [512, 64], strides = [1, 1]} : vector<8192x64xf32> to vector<512x64xf32>
    %add3A_257 = arith.addf %dot_general3A_255, %slice3A_256 : vector<512x64xf32>
    %concatenate3A_258 = tpu.concatenate %add3A_257, %broadcast_in_dim3A_9 in 1 : vector<512x64xf32>, vector<512x64xf32> -> vector<512x128xf32>
    %swap3A_259 = arith.constant 7680 : index
    %swap3A_260 = arith.constant 0 : index
    %swap3A_261 = vector.load %arg5[%swap3A_259, %swap3A_260] : memref<8192x128xf32, #tpu.memory_space<vmem>>, vector<512x128xf32>
    tpu.vector_store %arg5[%swap3A_259, %swap3A_260], %concatenate3A_258 {strides = array<i32>} : memref<8192x128xf32, #tpu.memory_space<vmem>>, vector<512x128xf32>,
    return
  }
  func.func @transform_0(%arg0: i32) -> (i32, i32, i32) {
    %c0_i32 = arith.constant 0 : i32
    %c0_i32_0 = arith.constant 0 : i32
    %c0_i32_1 = arith.constant 0 : i32
    return %arg0, %c0_i32, %c0_i32_0 : i32, i32, i32
  }
  func.func @transform_1(%arg0: i32) -> (i32, i32) {
    %c0_i32 = arith.constant 0 : i32
    %c0_i32_0 = arith.constant 0 : i32
    return %arg0, %c0_i32 : i32, i32
  }
  func.func @transform_2(%arg0: i32) -> (i32, i32) {
    %c0_i32 = arith.constant 0 : i32
    %c0_i32_0 = arith.constant 0 : i32
    %c0_i32_1 = arith.constant 0 : i32
    return %c0_i32, %c0_i32_0 : i32, i32
  }
  func.func @transform_3(%arg0: i32) -> (i32, i32) {
    %c0_i32 = arith.constant 0 : i32
    %c0_i32_0 = arith.constant 0 : i32
    %c0_i32_1 = arith.constant 0 : i32
    return %c0_i32, %c0_i32_0 : i32, i32
  }
  func.func @transform_4(%arg0: i32) -> (i32, i32) {
    %c0_i32 = arith.constant 0 : i32
    %c0_i32_0 = arith.constant 0 : i32
    return %arg0, %c0_i32 : i32, i32
  }
}

module attributes {stable_mosaic.version = 14 : i64} {
  func.func @_b_body(%arg0: i32, %arg1: memref<4096x128xf32, #tpu.memory_space<vmem>>, %arg2: memref<64x64xf32, #tpu.memory_space<vmem>>, %arg3: memref<64x64xi32, #tpu.memory_space<vmem>>, %arg4: memref<512x64xf32, #tpu.memory_space<vmem>>, %arg5: memref<64x9xf32, #tpu.memory_space<vmem>>, %arg6: memref<64x3xf32, #tpu.memory_space<vmem>>, %arg7: memref<1x64xf32, #tpu.memory_space<vmem>>, %arg8: memref<64x64xf32, #tpu.memory_space<vmem>>, %arg9: memref<192x64xf32, #tpu.memory_space<vmem>>, %arg10: memref<128x64xf32, #tpu.memory_space<vmem>>, %arg11: memref<64x6xf32, #tpu.memory_space<vmem>>, %arg12: memref<64x20xf32, #tpu.memory_space<vmem>>, %arg13: memref<64x9xf32, #tpu.memory_space<vmem>>, %arg14: memref<64x64xf32, #tpu.memory_space<vmem>>, %arg15: memref<64x20xf32, #tpu.memory_space<vmem>>) attributes {dimension_semantics = [#tpu.dimension_semantics<arbitrary>], iteration_bounds = array<i64: 8>, scalar_prefetch = 0 : i64, scratch_operands = 0 : i64, tpu.core_type = #tpu.core_type<tc>, window_params = [{transform_indices = @transform_0, window_bounds = array<i64: 4096, 128>}, {transform_indices = @transform_1, window_bounds = array<i64: 64, 64>}, {transform_indices = @transform_2, window_bounds = array<i64: 64, 64>}, {pipeline_mode = #tpu.pipeline_mode<synchronous>, transform_indices = @transform_3, window_bounds = array<i64: 512, 64>}, {transform_indices = @transform_4, window_bounds = array<i64: 64, 9>}, {transform_indices = @transform_5, window_bounds = array<i64: 64, 3>}, {pipeline_mode = #tpu.pipeline_mode<synchronous>, transform_indices = @transform_6, window_bounds = array<i64: 1, 64>}, {pipeline_mode = #tpu.pipeline_mode<synchronous>, transform_indices = @transform_7, window_bounds = array<i64: 64, 64>}, {pipeline_mode = #tpu.pipeline_mode<synchronous>, transform_indices = @transform_8, window_bounds = array<i64: 192, 64>}, {pipeline_mode = #tpu.pipeline_mode<synchronous>, transform_indices = @transform_9, window_bounds = array<i64: 128, 64>}, {pipeline_mode = #tpu.pipeline_mode<synchronous>, transform_indices = @transform_10, window_bounds = array<i64: 64, 6>}, {pipeline_mode = #tpu.pipeline_mode<synchronous>, transform_indices = @transform_11, window_bounds = array<i64: 64, 20>}, {transform_indices = @transform_12, window_bounds = array<i64: 64, 9>}, {transform_indices = @transform_13, window_bounds = array<i64: 64, 64>}, {transform_indices = @transform_14, window_bounds = array<i64: 64, 20>}]} {
    %get3A = arith.constant 0 : index
    %get3A_0 = arith.constant 0 : index
    %get3A_1 = vector.load %arg2[%get3A, %get3A_0] : memref<64x64xf32, #tpu.memory_space<vmem>>, vector<64x64xf32>
    %broadcast_in_dim3A = vector.shape_cast %get3A_1 : vector<64x64xf32> to vector<64x64x1xf32>
    %get3A_2 = arith.constant 0 : index
    %get3A_3 = arith.constant 0 : index
    %get3A_4 = vector.load %arg7[%get3A_2, %get3A_3] : memref<1x64xf32, #tpu.memory_space<vmem>>, vector<1x64xf32>
    %broadcast_in_dim3A_5 = vector.shape_cast %get3A_4 : vector<1x64xf32> to vector<1x1x64xf32>
    %sub3A = vector.broadcast %broadcast_in_dim3A : vector<64x64x1xf32> to vector<64x64x64xf32>
    %sub3A_6 = vector.broadcast %broadcast_in_dim3A_5 : vector<1x1x64xf32> to vector<64x64x64xf32>
    %sub3A_7 = arith.subf %sub3A, %sub3A_6 : vector<64x64x64xf32>
    %integer_pow3A = arith.mulf %sub3A_7, %sub3A_7 : vector<64x64x64xf32>
    %neg3A = arith.constant 0.000000e+00 : f32
    %neg3A_8 = vector.broadcast %neg3A : f32 to vector<64x64x64xf32>
    %neg3A_9 = arith.subf %neg3A_8, %integer_pow3A : vector<64x64x64xf32>
    %div3A = arith.constant 0.1953125 : f32
    %div3A_10 = vector.broadcast %div3A : f32 to vector<64x64x64xf32>
    %div3A_11 = arith.divf %neg3A_9, %div3A_10 : vector<64x64x64xf32>
    %exp3A = math.exp %div3A_11 : vector<64x64x64xf32>
    %reshape3A = vector.shape_cast %exp3A : vector<64x64x64xf32> to vector<4096x64xf32>
    %get3A_12 = arith.constant 0 : index
    %get3A_13 = arith.constant 0 : index
    %get3A_14 = vector.load %arg8[%get3A_12, %get3A_13] : memref<64x64xf32, #tpu.memory_space<vmem>>, vector<64x64xf32>
    %dot_general3A = arith.constant dense<0.000000e+00> : vector<4096x64xf32>
    %dot_general3A_15 = tpu.matmul %reshape3A, %get3A_14, %dot_general3A {dimension_numbers = #tpu.dot_dimension_numbers<[1], [0], [0], [1], [0, 0, 1, 1], [], []>, transpose_lhs_hint = false} : vector<4096x64xf32>, vector<64x64xf32>, vector<4096x64xf32> -> vector<4096x64xf32>
    %get3A_16 = arith.constant 0 : index
    %get3A_17 = arith.constant 0 : index
    %get3A_18 = vector.load %arg1[%get3A_16, %get3A_17] : memref<4096x128xf32, #tpu.memory_space<vmem>>, vector<4096x64xf32>
    %add3A = arith.addf %get3A_18, %dot_general3A_15 : vector<4096x64xf32>
    %max3A = arith.constant 0.000000e+00 : f32
    %max3A_19 = vector.broadcast %max3A : f32 to vector<4096x64xf32>
    %max3A_20 = arith.maximumf %add3A, %max3A_19 : vector<4096x64xf32>
    %get3A_21 = arith.constant 0 : index
    %get3A_22 = arith.constant 0 : index
    %get3A_23 = vector.load %arg4[%get3A_21, %get3A_22] : memref<512x64xf32, #tpu.memory_space<vmem>>, vector<512x64xf32>
    %mul3A = arith.constant 64 : i32
    %mul3A_24 = arith.muli %arg0, %mul3A : i32
    %get3A_25 = arith.index_cast %mul3A_24 : i32 to index
    %get3A_26 = arith.constant 0 : index
    %get3A_27 = vector.load %arg4[%get3A_25, %get3A_26] : memref<512x64xf32, #tpu.memory_space<vmem>>, vector<64x64xf32>
    %get3A_28 = arith.constant 0 : index
    %get3A_29 = arith.constant 0 : index
    %get3A_30 = vector.load %arg9[%get3A_28, %get3A_29] : memref<192x64xf32, #tpu.memory_space<vmem>>, vector<64x64xf32>
    %get3A_31 = arith.constant 64 : index
    %get3A_32 = arith.constant 0 : index
    %get3A_33 = vector.load %arg9[%get3A_31, %get3A_32] : memref<192x64xf32, #tpu.memory_space<vmem>>, vector<64x64xf32>
    %get3A_34 = arith.constant 128 : index
    %get3A_35 = arith.constant 0 : index
    %get3A_36 = vector.load %arg9[%get3A_34, %get3A_35] : memref<192x64xf32, #tpu.memory_space<vmem>>, vector<64x64xf32>
    %get3A_37 = arith.constant 0 : index
    %get3A_38 = arith.constant 0 : index
    %get3A_39 = vector.load %arg3[%get3A_37, %get3A_38] : memref<64x64xi32, #tpu.memory_space<vmem>>, vector<64x64xi32>
    %iota3A = tpu.iota {dimensions = array<i32: 2>} : vector<64x64x512xi32>
    %broadcast_in_dim3A_40 = vector.shape_cast %get3A_39 : vector<64x64xi32> to vector<64x64x1xi32>
    %eq3A = vector.broadcast %broadcast_in_dim3A_40 : vector<64x64x1xi32> to vector<64x64x512xi32>
    %eq3A_41 = arith.cmpi eq, %eq3A, %iota3A : vector<64x64x512xi32>
    %convert_element_type3A = arith.extui %eq3A_41 : vector<64x64x512xi1> to vector<64x64x512xi32>
    %convert_element_type3A_42 = arith.sitofp %convert_element_type3A : vector<64x64x512xi32> to vector<64x64x512xf32>
    %reshape3A_43 = vector.shape_cast %convert_element_type3A_42 : vector<64x64x512xf32> to vector<4096x512xf32>
    %dot_general3A_44 = arith.constant dense<0.000000e+00> : vector<512x64xf32>
    %dot_general3A_45 = tpu.matmul %get3A_23, %get3A_33, %dot_general3A_44 {dimension_numbers = #tpu.dot_dimension_numbers<[1], [0], [0], [1], [0, 0, 1, 1], [], []>, transpose_lhs_hint = false} : vector<512x64xf32>, vector<64x64xf32>, vector<512x64xf32> -> vector<512x64xf32>
    %dot_general3A_46 = arith.constant dense<0.000000e+00> : vector<4096x64xf32>
    %dot_general3A_47 = tpu.matmul %reshape3A_43, %dot_general3A_45, %dot_general3A_46 {dimension_numbers = #tpu.dot_dimension_numbers<[1], [0], [0], [1], [0, 0, 1, 1], [], []>, transpose_lhs_hint = false} : vector<4096x512xf32>, vector<512x64xf32>, vector<4096x64xf32> -> vector<4096x64xf32>
    %iota3A_48 = tpu.iota {dimensions = array<i32: 0>} : vector<4096x64xi32>
    %iota3A_49 = tpu.iota {dimensions = array<i32: 1>} : vector<4096x64xi32>
    %jit3A = arith.constant 64 : i32
    %div3A_50 = vector.broadcast %jit3A : i32 to vector<4096x64xi32>
    %div3A_51 = arith.divsi %iota3A_48, %div3A_50 : vector<4096x64xi32>
    %sign3A = arith.constant 0 : i32
    %sign3A_52 = vector.broadcast %sign3A : i32 to vector<4096x64xi32>
    %sign3A_53 = arith.cmpi sgt, %iota3A_48, %sign3A_52 : vector<4096x64xi32>
    %sign3A_54 = arith.extui %sign3A_53 : vector<4096x64xi1> to vector<4096x64xi32>
    %sign3A_55 = arith.constant 0 : i32
    %sign3A_56 = vector.broadcast %sign3A_55 : i32 to vector<4096x64xi32>
    %sign3A_57 = arith.cmpi slt, %iota3A_48, %sign3A_56 : vector<4096x64xi32>
    %sign3A_58 = arith.extui %sign3A_57 : vector<4096x64xi1> to vector<4096x64xi32>
    %sign3A_59 = arith.subi %sign3A_54, %sign3A_58 : vector<4096x64xi32>
    %sign3A_60 = arith.constant 0 : i32
    %sign3A_61 = arith.cmpi sgt, %jit3A, %sign3A_60 : i32
    %sign3A_62 = arith.extui %sign3A_61 : i1 to i32
    %sign3A_63 = arith.constant 0 : i32
    %sign3A_64 = arith.cmpi slt, %jit3A, %sign3A_63 : i32
    %sign3A_65 = arith.extui %sign3A_64 : i1 to i32
    %sign3A_66 = arith.subi %sign3A_62, %sign3A_65 : i32
    %ne3A = vector.broadcast %sign3A_66 : i32 to vector<4096x64xi32>
    %ne3A_67 = arith.cmpi ne, %sign3A_59, %ne3A : vector<4096x64xi32>
    %rem3A = vector.broadcast %jit3A : i32 to vector<4096x64xi32>
    %rem3A_68 = arith.remsi %iota3A_48, %rem3A : vector<4096x64xi32>
    %ne3A_69 = arith.constant 0 : i32
    %ne3A_70 = vector.broadcast %ne3A_69 : i32 to vector<4096x64xi32>
    %ne3A_71 = arith.cmpi ne, %rem3A_68, %ne3A_70 : vector<4096x64xi32>
    %and3A = arith.andi %ne3A_67, %ne3A_71 : vector<4096x64xi1>
    %sub3A_72 = arith.constant 1 : i32
    %sub3A_73 = vector.broadcast %sub3A_72 : i32 to vector<4096x64xi32>
    %sub3A_74 = arith.subi %div3A_51, %sub3A_73 : vector<4096x64xi32>
    %select_n3A = arith.select %and3A, %sub3A_74, %div3A_51 : vector<4096x64xi1>, vector<4096x64xi32>
    %eq3A_75 = arith.cmpi eq, %select_n3A, %iota3A_49 : vector<4096x64xi32>
    %convert_element_type3A_76 = arith.extui %eq3A_75 : vector<4096x64xi1> to vector<4096x64xi32>
    %convert_element_type3A_77 = arith.sitofp %convert_element_type3A_76 : vector<4096x64xi32> to vector<4096x64xf32>
    %dot_general3A_78 = arith.constant dense<0.000000e+00> : vector<64x64xf32>
    %dot_general3A_79 = tpu.matmul %get3A_27, %get3A_30, %dot_general3A_78 {dimension_numbers = #tpu.dot_dimension_numbers<[1], [0], [0], [1], [0, 0, 1, 1], [], []>, transpose_lhs_hint = false} : vector<64x64xf32>, vector<64x64xf32>, vector<64x64xf32> -> vector<64x64xf32>
    %dot_general3A_80 = arith.constant dense<0.000000e+00> : vector<4096x64xf32>
    %dot_general3A_81 = tpu.matmul %convert_element_type3A_77, %dot_general3A_79, %dot_general3A_80 {dimension_numbers = #tpu.dot_dimension_numbers<[1], [0], [0], [1], [0, 0, 1, 1], [], []>, transpose_lhs_hint = false} : vector<4096x64xf32>, vector<64x64xf32>, vector<4096x64xf32> -> vector<4096x64xf32>
    %add3A_82 = arith.addf %dot_general3A_81, %dot_general3A_47 : vector<4096x64xf32>
    %dot_general3A_83 = arith.constant dense<0.000000e+00> : vector<4096x64xf32>
    %dot_general3A_84 = tpu.matmul %max3A_20, %get3A_36, %dot_general3A_83 {dimension_numbers = #tpu.dot_dimension_numbers<[1], [0], [0], [1], [0, 0, 1, 1], [], []>, transpose_lhs_hint = false} : vector<4096x64xf32>, vector<64x64xf32>, vector<4096x64xf32> -> vector<4096x64xf32>
    %add3A_85 = arith.addf %add3A_82, %dot_general3A_84 : vector<4096x64xf32>
    %max3A_86 = arith.constant 0.000000e+00 : f32
    %max3A_87 = vector.broadcast %max3A_86 : f32 to vector<4096x64xf32>
    %max3A_88 = arith.maximumf %add3A_85, %max3A_87 : vector<4096x64xf32>
    %dot_general3A_89 = arith.constant dense<0.000000e+00> : vector<64x64xf32>
    %dot_general3A_90 = tpu.matmul %convert_element_type3A_77, %max3A_88, %dot_general3A_89 {dimension_numbers = #tpu.dot_dimension_numbers<[0], [0], [1], [1], [0, 1, 1, 1], [], []>, transpose_lhs_hint = false} : vector<4096x64xf32>, vector<4096x64xf32>, vector<64x64xf32> -> vector<64x64xf32>
    %mul3A_91 = arith.constant 1.562500e-02 : f32
    %mul3A_92 = vector.broadcast %mul3A_91 : f32 to vector<64x64xf32>
    %mul3A_93 = arith.mulf %dot_general3A_90, %mul3A_92 : vector<64x64xf32>
    %get3A_94 = arith.constant 0 : index
    %get3A_95 = arith.constant 0 : index
    %get3A_96 = vector.load %arg10[%get3A_94, %get3A_95] : memref<128x64xf32, #tpu.memory_space<vmem>>, vector<64x64xf32>
    %dot_general3A_97 = arith.constant dense<0.000000e+00> : vector<64x64xf32>
    %dot_general3A_98 = tpu.matmul %get3A_27, %get3A_96, %dot_general3A_97 {dimension_numbers = #tpu.dot_dimension_numbers<[1], [0], [0], [1], [0, 0, 1, 1], [], []>, transpose_lhs_hint = false} : vector<64x64xf32>, vector<64x64xf32>, vector<64x64xf32> -> vector<64x64xf32>
    %get3A_99 = arith.constant 64 : index
    %get3A_100 = arith.constant 0 : index
    %get3A_101 = vector.load %arg10[%get3A_99, %get3A_100] : memref<128x64xf32, #tpu.memory_space<vmem>>, vector<64x64xf32>
    %dot_general3A_102 = arith.constant dense<0.000000e+00> : vector<64x64xf32>
    %dot_general3A_103 = tpu.matmul %mul3A_93, %get3A_101, %dot_general3A_102 {dimension_numbers = #tpu.dot_dimension_numbers<[1], [0], [0], [1], [0, 0, 1, 1], [], []>, transpose_lhs_hint = false} : vector<64x64xf32>, vector<64x64xf32>, vector<64x64xf32> -> vector<64x64xf32>
    %add3A_104 = arith.addf %dot_general3A_98, %dot_general3A_103 : vector<64x64xf32>
    %max3A_105 = arith.constant 0.000000e+00 : f32
    %max3A_106 = vector.broadcast %max3A_105 : f32 to vector<64x64xf32>
    %max3A_107 = arith.maximumf %add3A_104, %max3A_106 : vector<64x64xf32>
    %swap3A = arith.constant 0 : index
    %swap3A_108 = arith.constant 0 : index
    %swap3A_109 = vector.load %arg14[%swap3A, %swap3A_108] : memref<64x64xf32, #tpu.memory_space<vmem>>, vector<64x64xf32>
    tpu.vector_store %arg14[%swap3A, %swap3A_108], %max3A_107 {strides = array<i32>} : memref<64x64xf32, #tpu.memory_space<vmem>>, vector<64x64xf32>,
    %get3A_110 = arith.constant 0 : index
    %get3A_111 = arith.constant 0 : index
    %get3A_112 = vector.load %arg11[%get3A_110, %get3A_111] : memref<64x6xf32, #tpu.memory_space<vmem>>, vector<64x6xf32>
    %dot_general3A_113 = arith.constant dense<0.000000e+00> : vector<64x6xf32>
    %dot_general3A_114 = tpu.matmul %max3A_107, %get3A_112, %dot_general3A_113 {dimension_numbers = #tpu.dot_dimension_numbers<[1], [0], [0], [1], [0, 0, 1, 1], [], []>, transpose_lhs_hint = false} : vector<64x64xf32>, vector<64x6xf32>, vector<64x6xf32> -> vector<64x6xf32>
    %slice3A = vector.extract_strided_slice %dot_general3A_114 {offsets = [0, 0], sizes = [64, 3], strides = [1, 1]} : vector<64x6xf32> to vector<64x3xf32>
    %get3A_115 = arith.constant 0 : index
    %get3A_116 = arith.constant 0 : index
    %get3A_117 = vector.load %arg6[%get3A_115, %get3A_116] : memref<64x3xf32, #tpu.memory_space<vmem>>, vector<64x3xf32>
    %add3A_118 = arith.addf %slice3A, %get3A_117 : vector<64x3xf32>
    %concatenate3A = tpu.concatenate %slice3A, %add3A_118, %slice3A in 1 : vector<64x3xf32>, vector<64x3xf32>, vector<64x3xf32> -> vector<64x9xf32>
    %get3A_119 = arith.constant 0 : index
    %get3A_120 = arith.constant 0 : index
    %get3A_121 = vector.load %arg5[%get3A_119, %get3A_120] : memref<64x9xf32, #tpu.memory_space<vmem>>, vector<64x9xf32>
    %mul3A_122 = arith.constant 1.000000e-01 : f32
    %mul3A_123 = vector.broadcast %mul3A_122 : f32 to vector<64x9xf32>
    %mul3A_124 = arith.mulf %mul3A_123, %concatenate3A : vector<64x9xf32>
    %add3A_125 = arith.addf %get3A_121, %mul3A_124 : vector<64x9xf32>
    %swap3A_126 = arith.constant 0 : index
    %swap3A_127 = arith.constant 0 : index
    %swap3A_128 = vector.load %arg13[%swap3A_126, %swap3A_127] : memref<64x9xf32, #tpu.memory_space<vmem>>, vector<64x9xf32>
    tpu.vector_store %arg13[%swap3A_126, %swap3A_127], %add3A_125 {strides = array<i32>} : memref<64x9xf32, #tpu.memory_space<vmem>>, vector<64x9xf32>,
    %get3A_129 = arith.constant 0 : index
    %get3A_130 = arith.constant 0 : index
    %get3A_131 = vector.load %arg12[%get3A_129, %get3A_130] : memref<64x20xf32, #tpu.memory_space<vmem>>, vector<64x20xf32>
    %dot_general3A_132 = arith.constant dense<0.000000e+00> : vector<64x20xf32>
    %dot_general3A_133 = tpu.matmul %max3A_107, %get3A_131, %dot_general3A_132 {dimension_numbers = #tpu.dot_dimension_numbers<[1], [0], [0], [1], [0, 0, 1, 1], [], []>, transpose_lhs_hint = false} : vector<64x64xf32>, vector<64x20xf32>, vector<64x20xf32> -> vector<64x20xf32>
    %iota3A_134 = tpu.iota {dimensions = array<i32: 0>} : vector<20x10xi32>
    %iota3A_135 = tpu.iota {dimensions = array<i32: 1>} : vector<20x10xi32>
    %jit3A_136 = arith.constant 2 : i32
    %div3A_137 = vector.broadcast %jit3A_136 : i32 to vector<20x10xi32>
    %div3A_138 = arith.divsi %iota3A_134, %div3A_137 : vector<20x10xi32>
    %sign3A_139 = arith.constant 0 : i32
    %sign3A_140 = vector.broadcast %sign3A_139 : i32 to vector<20x10xi32>
    %sign3A_141 = arith.cmpi sgt, %iota3A_134, %sign3A_140 : vector<20x10xi32>
    %sign3A_142 = arith.extui %sign3A_141 : vector<20x10xi1> to vector<20x10xi32>
    %sign3A_143 = arith.constant 0 : i32
    %sign3A_144 = vector.broadcast %sign3A_143 : i32 to vector<20x10xi32>
    %sign3A_145 = arith.cmpi slt, %iota3A_134, %sign3A_144 : vector<20x10xi32>
    %sign3A_146 = arith.extui %sign3A_145 : vector<20x10xi1> to vector<20x10xi32>
    %sign3A_147 = arith.subi %sign3A_142, %sign3A_146 : vector<20x10xi32>
    %sign3A_148 = arith.constant 0 : i32
    %sign3A_149 = arith.cmpi sgt, %jit3A_136, %sign3A_148 : i32
    %sign3A_150 = arith.extui %sign3A_149 : i1 to i32
    %sign3A_151 = arith.constant 0 : i32
    %sign3A_152 = arith.cmpi slt, %jit3A_136, %sign3A_151 : i32
    %sign3A_153 = arith.extui %sign3A_152 : i1 to i32
    %sign3A_154 = arith.subi %sign3A_150, %sign3A_153 : i32
    %ne3A_155 = vector.broadcast %sign3A_154 : i32 to vector<20x10xi32>
    %ne3A_156 = arith.cmpi ne, %sign3A_147, %ne3A_155 : vector<20x10xi32>
    %rem3A_157 = vector.broadcast %jit3A_136 : i32 to vector<20x10xi32>
    %rem3A_158 = arith.remsi %iota3A_134, %rem3A_157 : vector<20x10xi32>
    %ne3A_159 = arith.constant 0 : i32
    %ne3A_160 = vector.broadcast %ne3A_159 : i32 to vector<20x10xi32>
    %ne3A_161 = arith.cmpi ne, %rem3A_158, %ne3A_160 : vector<20x10xi32>
    %and3A_162 = arith.andi %ne3A_156, %ne3A_161 : vector<20x10xi1>
    %sub3A_163 = arith.constant 1 : i32
    %sub3A_164 = vector.broadcast %sub3A_163 : i32 to vector<20x10xi32>
    %sub3A_165 = arith.subi %div3A_138, %sub3A_164 : vector<20x10xi32>
    %select_n3A_166 = arith.select %and3A_162, %sub3A_165, %div3A_138 : vector<20x10xi1>, vector<20x10xi32>
    %eq3A_167 = arith.cmpi eq, %select_n3A_166, %iota3A_135 : vector<20x10xi32>
    %convert_element_type3A_168 = arith.extui %eq3A_167 : vector<20x10xi1> to vector<20x10xi32>
    %convert_element_type3A_169 = arith.sitofp %convert_element_type3A_168 : vector<20x10xi32> to vector<20x10xf32>
    %mul3A_170 = arith.mulf %dot_general3A_133, %dot_general3A_133 : vector<64x20xf32>
    %dot_general3A_171 = arith.constant dense<0.000000e+00> : vector<64x10xf32>
    %dot_general3A_172 = tpu.matmul %mul3A_170, %convert_element_type3A_169, %dot_general3A_171 {dimension_numbers = #tpu.dot_dimension_numbers<[1], [0], [0], [1], [0, 0, 1, 1], [], []>, transpose_lhs_hint = false} : vector<64x20xf32>, vector<20x10xf32>, vector<64x10xf32> -> vector<64x10xf32>
    %sqrt3A = math.sqrt %dot_general3A_172 : vector<64x10xf32>
    %add3A_173 = arith.constant 9.99999997E-7 : f32
    %add3A_174 = vector.broadcast %add3A_173 : f32 to vector<64x10xf32>
    %add3A_175 = arith.addf %sqrt3A, %add3A_174 : vector<64x10xf32>
    %div3A_176 = arith.constant 1.000000e+00 : f32
    %div3A_177 = vector.broadcast %div3A_176 : f32 to vector<64x10xf32>
    %div3A_178 = arith.divf %div3A_177, %add3A_175 : vector<64x10xf32>
    %dot_general3A_179 = arith.constant dense<0.000000e+00> : vector<64x20xf32>
    %dot_general3A_180 = tpu.matmul %div3A_178, %convert_element_type3A_169, %dot_general3A_179 {dimension_numbers = #tpu.dot_dimension_numbers<[1], [1], [0], [0], [0, 0, 1, 0], [], []>, transpose_lhs_hint = false} : vector<64x10xf32>, vector<20x10xf32>, vector<64x20xf32> -> vector<64x20xf32>
    %mul3A_181 = arith.mulf %dot_general3A_133, %dot_general3A_180 : vector<64x20xf32>
    %swap3A_182 = arith.constant 0 : index
    %swap3A_183 = arith.constant 0 : index
    %swap3A_184 = vector.load %arg15[%swap3A_182, %swap3A_183] : memref<64x20xf32, #tpu.memory_space<vmem>>, vector<64x20xf32>
    tpu.vector_store %arg15[%swap3A_182, %swap3A_183], %mul3A_181 {strides = array<i32>} : memref<64x20xf32, #tpu.memory_space<vmem>>, vector<64x20xf32>,
    return
  }
  func.func @transform_0(%arg0: i32) -> (i32, i32) {
    %c0_i32 = arith.constant 0 : i32
    %c0_i32_0 = arith.constant 0 : i32
    return %arg0, %c0_i32 : i32, i32
  }
  func.func @transform_1(%arg0: i32) -> (i32, i32) {
    %c0_i32 = arith.constant 0 : i32
    %c0_i32_0 = arith.constant 0 : i32
    return %arg0, %c0_i32 : i32, i32
  }
  func.func @transform_2(%arg0: i32) -> (i32, i32) {
    %c0_i32 = arith.constant 0 : i32
    %c0_i32_0 = arith.constant 0 : i32
    return %arg0, %c0_i32 : i32, i32
  }
  func.func @transform_3(%arg0: i32) -> (i32, i32) {
    %c0_i32 = arith.constant 0 : i32
    %c0_i32_0 = arith.constant 0 : i32
    %c0_i32_1 = arith.constant 0 : i32
    return %c0_i32, %c0_i32_0 : i32, i32
  }
  func.func @transform_4(%arg0: i32) -> (i32, i32) {
    %c0_i32 = arith.constant 0 : i32
    %c0_i32_0 = arith.constant 0 : i32
    return %arg0, %c0_i32 : i32, i32
  }
  func.func @transform_5(%arg0: i32) -> (i32, i32) {
    %c0_i32 = arith.constant 0 : i32
    %c0_i32_0 = arith.constant 0 : i32
    return %arg0, %c0_i32 : i32, i32
  }
  func.func @transform_6(%arg0: i32) -> (i32, i32) {
    %c0_i32 = arith.constant 0 : i32
    %c0_i32_0 = arith.constant 0 : i32
    %c0_i32_1 = arith.constant 0 : i32
    return %c0_i32, %c0_i32_0 : i32, i32
  }
  func.func @transform_7(%arg0: i32) -> (i32, i32) {
    %c0_i32 = arith.constant 0 : i32
    %c0_i32_0 = arith.constant 0 : i32
    %c0_i32_1 = arith.constant 0 : i32
    return %c0_i32, %c0_i32_0 : i32, i32
  }
  func.func @transform_8(%arg0: i32) -> (i32, i32) {
    %c0_i32 = arith.constant 0 : i32
    %c0_i32_0 = arith.constant 0 : i32
    %c0_i32_1 = arith.constant 0 : i32
    return %c0_i32, %c0_i32_0 : i32, i32
  }
  func.func @transform_9(%arg0: i32) -> (i32, i32) {
    %c0_i32 = arith.constant 0 : i32
    %c0_i32_0 = arith.constant 0 : i32
    %c0_i32_1 = arith.constant 0 : i32
    return %c0_i32, %c0_i32_0 : i32, i32
  }
  func.func @transform_10(%arg0: i32) -> (i32, i32) {
    %c0_i32 = arith.constant 0 : i32
    %c0_i32_0 = arith.constant 0 : i32
    %c0_i32_1 = arith.constant 0 : i32
    return %c0_i32, %c0_i32_0 : i32, i32
  }
  func.func @transform_11(%arg0: i32) -> (i32, i32) {
    %c0_i32 = arith.constant 0 : i32
    %c0_i32_0 = arith.constant 0 : i32
    %c0_i32_1 = arith.constant 0 : i32
    return %c0_i32, %c0_i32_0 : i32, i32
  }
  func.func @transform_12(%arg0: i32) -> (i32, i32) {
    %c0_i32 = arith.constant 0 : i32
    %c0_i32_0 = arith.constant 0 : i32
    return %arg0, %c0_i32 : i32, i32
  }
  func.func @transform_13(%arg0: i32) -> (i32, i32) {
    %c0_i32 = arith.constant 0 : i32
    %c0_i32_0 = arith.constant 0 : i32
    return %arg0, %c0_i32 : i32, i32
  }
  func.func @transform_14(%arg0: i32) -> (i32, i32) {
    %c0_i32 = arith.constant 0 : i32
    %c0_i32_0 = arith.constant 0 : i32
    return %arg0, %c0_i32 : i32, i32
  }
}

</mosaic_0001>

<sc_bundles>
// kernel: kernel.15.cloned.1.call-start
scs
__scs_entry_jumppad:
0x0: {  	(pc) =	sbr.rel $0x88, $3  }
0x1: {  	(tag) =	ssettag $0x0;
	lr =	simm.s32 $0x1  }
0x2: {  	[smem:$0x3F91] =	sst lr;
	_ =	strace $0xD0000000  }
0x3: {  	_ = 	snop  }
0x4: {  	_ = 	snop  }
0x5: {  	_ = 	snop  }
0x6: {  	_ = 	snop  }
0x7: {  	_ = 	snop  }
__scs_overlays_trampoline_lowered:
0x8: {  	[smem:$0x3FA0] =	sst s0  }
0x9: {  	[smem:$0x3FA1] =	sst s1  }
0xa: {  	[smem:$0x3FA2] =	sst s2  }
0xb: {  	[smem:$0x3FA3] =	sst s3  }
0xc: {  	[smem:$0x3FA4] =	sst s4  }
0xd: {  	[smem:$0x3FA5] =	sst s5  }
0xe: {  	[smem:$0x3FA6] =	sst s6  }
0xf: {  	[smem:$0x3FA7] =	sst s7  }
0x10: {  	[smem:$0x3FA8] =	sst s8  }
0x11: {  	[smem:$0x3FA9] =	sst s9;
	s0 =	simm.s32 @!p0 $0x0  }
0x12: {  	s1 =	sld [smem:$0x3F8F];
	s0 =	simm.s32 @p0 $0x1  }
0x13: {  	[smem:$0x3FAA] =	sst s0;
	s0 =	simm.s32 @!p1 $0x0  }
0x14: {  	s2 =	sld [smem:$0x3F8E];
	s0 =	simm.s32 @p1 $0x1  }
0x15: {  	[smem:$0x3FAB] =	sst s0;
	s0 =	simm.s32 @!p2 $0x0  }
0x16: {  	s3 =	sld [smem:$0x3FDB];
	s0 =	simm.s32 @p2 $0x1  }
0x17: {  	s4 =	simm.s32 $0x1BF5;
	[smem:$0x3FAD] =	sst s0  }
0x18: {  	s0 =	sld [smem:$0x3F90];
	_ =	swait.ge [sflag:s4], $0x0  }
0x19: {  	s7 =	sld [smem:$0x3F91]  }
0x1a: {  	s8 =	sadd.s32 $0xFFFFE003, lr  }
0x1b: {  	s9 =	sadd.s32 $0xFFFFFEF7, lr;
	s5 =	simm.s32 $0xFFFFFFFF;
	p2 =	slt.u32 s8, $0xFFFFF086  }
0x1c: {  	p1 =	slt.u32 s9, $0xF7A;
	s5 =	simm.s32 @!p2 $0x0  }
0x1d: {  	s5 =	simm.s32 @p1 $0x1;
	p0 =	seq.s32 s7, s2  }
0x1e: {  	s7 =	smul.u32 @!p0 $0xF7A, s2;
	p2 =	seq.s32 @!p0 s5, $0x0  }
0x1f: {  	s9 =	smul.u32 $0xF7A, s1;
	s8 =	simm.s32 @!p0 $0x1BF5;
	p2 =	por !p2, p0  }
0x20: {  	[sflag:s8] =	ssyncset.s32 @!p0 $0xFFFFF086;
	s6 =	sadd.s32 @!p0 s3, s7;
	s7 =	simm.s32 @!p0 $0x108  }
0x21: {  	s3 =	sadd.s32 s3, s9;
	s6 =	sadd.s32 @!p0 $0x88, s6;
	s7 =	simm.s32 @p2 $0x1082  }
0x22: {  	[simem:s7], [sflag:s8] =	dma.local @!p0 [hbm:s6], $0xF7A  }
0x23: {  	s9 =	sor.u32 $0xD0000000, s2;
	s6 =	simm.s32 $0x108;
	_ =	swait.ge @!p0 [sflag:s8], $0x0  }
0x24: {  	s3 =	sadd.s32 $0x88, s3;
	s6 =	simm.s32 @!p1 $0x1082;
	[sflag:s4] =	ssyncset.s32 $0xFFFFF086  }
0x25: {  	[simem:s6], [sflag:s4] =	dma.local [hbm:s3], $0xF7A  }
0x26: {  	[smem:$0x3F91] =	sst s1;
	(tag) =	ssettag s2;
	_ =	strace s9  }
0x27: {  	s1 =	sld [smem:$0x3FA1]  }
0x28: {  	s2 =	sld [smem:$0x3FA2]  }
0x29: {  	s4 =	sld [smem:$0x3FA4]  }
0x2a: {  	p0 =	seq.s32 s5, $0x0;
	s5 =	sld [smem:$0x3FA5]  }
0x2b: {  	s6 =	sld [smem:$0x3FA6]  }
0x2c: {  	s7 =	sld [smem:$0x3FA7]  }
0x2d: {  	s3 =	simm.s32 $0x108;
	s8 =	sld [smem:$0x3FA8]  }
0x2e: {  	s3 =	simm.s32 @!p0 $0x1082;
	s9 =	sld [smem:$0x3FA9]  }
0x2f: {  	lr =	sadd.s32 s0, s3;
	s0 =	sld [smem:$0x3FA0]  }
0x30: {  	s3 =	sld [smem:$0x3FA3]  }
0x31: {  	[smem:$0x3FAC] =	sst s10  }
0x32: {  	s10 =	sld [smem:$0x3FAA];
	_ =	sdelay $0x3  }
0x33: {  	p0 =	seq.s32 s10, $0x1;
	s10 =	sld [smem:$0x3FAC];
	_ =	sdelay $0x3  }
0x34: {  	[smem:$0x3FAC] =	sst s10  }
0x35: {  	s10 =	sld [smem:$0x3FAB];
	_ =	sdelay $0x3  }
0x36: {  	p1 =	seq.s32 s10, $0x1;
	s10 =	sld [smem:$0x3FAC];
	_ =	sdelay $0x3  }
0x37: {  	[smem:$0x3FAC] =	sst s10  }
0x38: {  	s10 =	sld [smem:$0x3FAD]  }
0x39: {  	_ = 	snop;
	(pc) =	sbr.ind lr, $3  }
0x3a: {  	_ = 	snop  }
0x3b: {  	_ = 	snop  }
0x3c: {  	p2 =	seq.s32 s10, $0x1;
	s10 =	sld [smem:$0x3FAC]  }
0x3d: {  	_ =	shalt  }
0x3e: {  	_ =	shalt  }
0x3f: {  	_ =	shalt  }
0x40: {  	_ =	shalt  }
0x41: {  	_ =	shalt  }
0x42: {  	_ =	shalt  }
0x43: {  	_ =	shalt  }
0x44: {  	_ =	shalt  }
0x45: {  	_ =	shalt  }
0x46: {  	_ =	shalt  }
0x47: {  	_ =	shalt  }
0x48: {  	_ =	shalt  }
0x49: {  	_ =	shalt  }
0x4a: {  	_ =	shalt  }
0x4b: {  	_ =	shalt  }
0x4c: {  	_ =	shalt  }
0x4d: {  	_ =	shalt  }
0x4e: {  	_ =	shalt  }
0x4f: {  	_ =	shalt  }
0x50: {  	_ =	shalt  }
0x51: {  	_ =	shalt  }
0x52: {  	_ =	shalt  }
0x53: {  	_ =	shalt  }
0x54: {  	_ =	shalt  }
0x55: {  	_ =	shalt  }
0x56: {  	_ =	shalt  }
0x57: {  	_ =	shalt  }
0x58: {  	_ =	shalt  }
0x59: {  	_ =	shalt  }
0x5a: {  	_ =	shalt  }
0x5b: {  	_ =	shalt  }
0x5c: {  	_ =	shalt  }
0x5d: {  	_ =	shalt  }
0x5e: {  	_ =	shalt  }
0x5f: {  	_ =	shalt  }
0x60: {  	_ =	shalt  }
0x61: {  	_ =	shalt  }
0x62: {  	_ =	shalt  }
0x63: {  	_ =	shalt  }
0x64: {  	_ =	shalt  }
0x65: {  	_ =	shalt  }
0x66: {  	_ =	shalt  }
0x67: {  	_ =	shalt  }
0x68: {  	_ =	shalt  }
0x69: {  	_ =	shalt  }
0x6a: {  	_ =	shalt  }
0x6b: {  	_ =	shalt  }
0x6c: {  	_ =	shalt  }
0x6d: {  	_ =	shalt  }
0x6e: {  	_ =	shalt  }
0x6f: {  	_ =	shalt  }
0x70: {  	_ =	shalt  }
0x71: {  	_ =	shalt  }
0x72: {  	_ =	shalt  }
0x73: {  	_ =	shalt  }
0x74: {  	_ =	shalt  }
0x75: {  	_ =	shalt  }
0x76: {  	_ =	shalt  }
0x77: {  	_ =	shalt  }
0x78: {  	_ =	shalt  }
0x79: {  	_ =	shalt  }
0x7a: {  	_ =	shalt  }
0x7b: {  	_ =	shalt  }
0x7c: {  	_ =	shalt  }
0x7d: {  	_ =	shalt  }
0x7e: {  	_ =	shalt  }
0x7f: {  	_ =	shalt  }
0x80: {  	_ =	shalt  }
0x81: {  	_ =	shalt  }
0x82: {  	_ =	shalt  }
0x83: {  	_ =	shalt  }
0x84: {  	_ =	shalt  }
0x85: {  	_ =	shalt  }
0x86: {  	_ =	shalt  }
0x87: {  	_ =	shalt  }
.Lfunc_end0:
.L_simem_size_0:
called_computation_lowered:
.L_overlay_start_0:
0x88: {  	s2 =	sld [smem:$0x3FD9]  }
0x89: {  	s3 =	sld [smem:$0x3FFE];
	_ =	sdelay $0x1  }
0x8a: {  	s1 =	srdreg.scid  }
0x8b: {  	s0 =	sand.u32 $0x1, s1  }
0x8c: {  	s14 =	sshll.u32 s0, $0xA;
	s2 =	sadd.s32 s3, s2  }
0x8d: {  	s2 =	sadd.s32 s2, s14  }
0x8e: {  	[smem:$0x3FB8] =	sst s2  }
0x8f: {  	_ = 	snop  }
0x90: {  	s2 =	sld [smem:$0x3FD0];
	_ =	sdelay $0x2  }
0x91: {  	s15 =	simm.s32 $0xA;
	s4 =	simm.s32 $0x10  }
0x92: {  	[smem:s4], [sflag:s15] =	dma.local [hbm:s2], $0x1  }
0x93: {  	_ =	swait.eq [sflag:s15], $0x1  }
0x94: {  	[sflag:s15] =	ssyncset.done $0x0  }
0x95: {  	[sflag:s15] =	ssyncadd.s32 $0xFFFFFFFF  }
0x96: {  	s16 =	sld [smem:$0x11];
	(tm) =	ssettm $0x1  }
0x97: {  	s17 =	sld [smem:$0x3FFB];
	_ =	sdelay $0x3  }
0x98: {  	_ =	strace s17  }
0x99: {  	s3 =	sld [smem:$0x3FFC];
	_ =	sdelay $0x3  }
0x9a: {  	_ =	strace s3  }
0x9b: {  	s3 =	sld [smem:$0x3FFD];
	_ =	sdelay $0x3  }
0x9c: {  	_ =	strace s3  }
0x9d: {  	_ =	strace $0x8FFFFFFF  }
0x9e: {  	s18 =	sld [smem:$0x3FDB];
	_ =	sdelay $0x1  }
0x9f: {  	s19 =	simm.s32 $_scs_section_size  }
0xa0: {  	s5 =	simm.s32 $_size__tile_overlayer_lowered;
	s6 =	simm.s32 $_tile_overlayer_lowered  }
0xa1: {  	s22 =	simm.s32 $0x1BFF;
	s21 =	sshll.u32 s6, $0x1;
	s3 =	sadd.s32 s19, s18  }
0xa2: {  	s7 =	simm.s32 $0x0;
	s20 =	sshll.u32 s5, $0x1;
	s5 =	sadd.s32 s21, s3  }
0xa3: {  	[timem:s7], [sflag:s22] =	dma.local [hbm:s5], s20  }
0xa4: {  	_ =	swait.ge [sflag:s22], s20  }
0xa5: {  	s4 =	ssub.s32 $0x0, s20;
	[sflag:s22] =	ssyncset.done $0x0  }
0xa6: {  	[sflag:s22] =	ssyncadd.s32 s4;
	_ =	sdelay $0x1  }
0xa7: {  	s23 =	simm.s32 $0x1B8B  }
0xa8: {  	_ =	swait.ge [sflag:s23], $0x1  }
0xa9: {  	[sflag:s23] =	ssyncset.done $0x0  }
0xaa: {  	s25 =	simm.s32 $0x1B8E;
	s24 =	sld [smem:$0x3FFE];
	[sflag:s23] =	ssyncadd.s32 $0xFFFFFFFF  }
0xab: {  	s26 =	simm.s32 $execute0_lowered;
	[smem:$0x3FD2] =	sst s25  }
0xac: {  	s5 =	sshll.u32 s26, $0x1;
	_ =	strace $0x80000046;
	[dreg:$0x1] =	wrdreg $0xFFFFFFFF  }
0xad: {  	s28 =	simm.s32 $_size_execute0_lowered;
	s3 =	sadd.s32 s3, s5;
	[dreg:$0x0] =	wrdreg $0x0  }
0xae: {  	s5 =	sshll.u32 s28, $0x1;
	[dreg:$0x2] =	wrdreg s3  }
0xaf: {  	[dreg:$0x3] =	wrdreg s5  }
0xb0: {  	[dreg:$0x4] =	wrdreg $0xC0  }
0xb1: {  	_ =	task [dreg:s7], $0x5FFFF  }
0xb2: {  	[dreg:$0x1] =	wrdreg $0xFFFFFFFF  }
0xb3: {  	[dreg:$0x0] =	wrdreg $0x60  }
0xb4: {  	[dreg:$0x2] =	wrdreg s24  }
0xb5: {  	[dreg:$0x3] =	wrdreg s16  }
0xb6: {  	[dreg:$0x4] =	wrdreg $0x9  }
0xb7: {  	_ =	task.clear_ibuf [dreg:s7], $0x5FFFF;
	_ =	strace $0x90000046  }
0xb8: {  	s29 =	simm.s32 $0x9;
	_ =	strace $0x80000048  }
0xb9: {  	_ =	swait.ge [sflag:s29], $0x1  }
0xba: {  	[sflag:s29] =	ssyncadd.s32 $0xFFFFFFFF  }
0xbb: {  	_ =	strace $0x90000048  }
0xbc: {  	_ =	sfence  }
0xbd: {  	s30 =	sld [smem:$0x0];
	_ =	sdelay $0x2  }
0xbe: {  	s31 =	sshll.u32 s1, $0xD;
	s1 =	sshrl.u32 s1, $0x2  }
0xbf: {  	s3 =	sand.u32 $0x4000, s31;
	s1 =	sadd.s32 s1, s30  }
0xc0: {  	s0 =	sor.u32 s3, s0;
	s1 =	sshll.u32 s1, $0x11  }
0xc1: {  	s0 =	sor.u32 s1, s0  }
0xc2: {  	s0 =	sadd.s32 $0x8F2B, s0  }
0xc3: {  	[sflag:s0] =	ssyncadd.remote.s32 $0x1  }
0xc4: {  	_ =	sfence.sel $0xFFFF  }
0xc5: {  	[dreg:$0x0] =	wrdreg $0xFFFFFFFF;
	(pc) =	sbr.abs _section_cstart, $3  }
0xc6: {  	[dreg:$0x1] =	wrdreg $0xFFFFFFFF  }
0xc7: {  	_ =	task.clear_ibuf [dreg:s7], $0x2FFFF;
	_ =	strace $0x9FFFFFFF  }
0xc8: {  	(tm) =	ssettm $0x7FFFFFFF  }
0xc9: {  	_ =	shalt  }
tec
execute0_lowered:
.L_overlay_start_1:
0x0: {  	(tag) =	ssettag $0x1  }
0x1: {  	s1 =	srdreg.scid  }
0x2: {  	s10 =	rddreg [dreg:$0x0];
	s0 =	stileid.u32;
	s23 =	sand.u32 $0x1, s1  }
0x3: {  	s3 =	rddreg [dreg:$0x1];
	s4 =	sshll.u32 s0, $0xB;
	s5 =	sshll.u32 s23, $0xA  }
0x4: {  	s2 =	simm.s32 $0x0;
	s1 =	rddreg [dreg:$0x2];
	s11 =	sor.u32 s5, s4  }
0x5: {  	[smem:$0x7FF] =	sst s2;
	s4 =	sshrl.u32 s11, $0x3  }
0x6: {  	_ =	strace $0x80000047;
	s3 =	sadd.s32 s3, s4;
	s4 =	simm.s32 $0x4  }
0x7: {  	[tilespmem:s2], [sflag:$0x4] =	stream.linear.gather [hbm4b:s3+s2], $0x400, $0x38;
	[tilespmem:$0x10400] =	vst v63  }
0x8: {  	_ =	swait.ge [sflag:s4], $0x400  }
0x9: {  	s6 =	simm.s32 $0x80;
	[sflag:s4] =	ssyncset.done $0x0  }
0xa: {  	s7 =	simm.s32 $0x400;
	s5 =	sadd.s32 $0x13600, s10;
	[sflag:s4] =	ssyncadd.s32 $0xFFFFFC00  }
0xb: {  	[tilespmem:s7], [sflag:$0x1] =	stream.indirect.gather [hbm4b:s5+s6], $0x80, s2, s6, $0xb8;
	[tilespmem:$0x10400] =	vst v63  }
0xc: {  	s8 =	simm.s32 $0x4400;
	s9 =	simm.s32 $0x1  }
0xd: {  	[tilespmem:s8], [sflag:$0x1] =	stream.indirect.gather [hbm4b:s5+s6], $0x80, s6, s6, $0xb8;
	[tilespmem:$0x10400] =	vst v63  }
0xe: {  	_ =	swait.ge [sflag:s9], $0x4000  }
0xf: {  	[sflag:s9] =	ssyncset.done $0x0  }
0x10: {  	[sflag:s9] =	ssyncadd.s32 $0xFFFFC000  }
0x11: {  	s11 =	sshll.u32 s11, $0x4;
	_ =	swait.ge [sflag:s9], $0x4000  }
0x12: {  	s24 =	sadd.s32 s11, s10;
	[sflag:s9] =	ssyncset.done $0x0  }
0x13: {  	s10 =	sadd.s32 $0x413600, s24;
	[sflag:s9] =	ssyncadd.s32 $0xFFFFC000  }
0x14: {  	[hbm4b:s10+s2] =	stream.linear.scatter [tilespmem:s7], [sflag:$0x2], $0x8000, $0x38;
	[tilespmem:$0x10400] =	vst v63  }
0x15: {  	s12 =	simm.s32 $0x8400;
	s11 =	simm.s32 $0x100  }
0x16: {  	[tilespmem:s12], [sflag:$0x1] =	stream.indirect.gather [hbm4b:s5+s6], $0x80, s11, s6, $0xb8;
	[tilespmem:$0x10400] =	vst v63  }
0x17: {  	s13 =	simm.s32 $0x180;
	s14 =	simm.s32 $0xC400  }
0x18: {  	[tilespmem:s14], [sflag:$0x1] =	stream.indirect.gather [hbm4b:s5+s6], $0x80, s13, s6, $0xb8;
	[tilespmem:$0x10400] =	vst v63  }
0x19: {  	_ =	swait.ge [sflag:s9], $0x4000  }
0x1a: {  	[sflag:s9] =	ssyncset.done $0x0  }
0x1b: {  	[sflag:s9] =	ssyncadd.s32 $0xFFFFC000  }
0x1c: {  	_ =	swait.ge [sflag:s9], $0x4000  }
0x1d: {  	[sflag:s9] =	ssyncset.done $0x0  }
0x1e: {  	s16 =	simm.s32 $0x2;
	s15 =	sadd.s32 $0x414600, s24;
	[sflag:s9] =	ssyncadd.s32 $0xFFFFC000  }
0x1f: {  	[hbm4b:s15+s2] =	stream.linear.scatter [tilespmem:s12], [sflag:$0x3], $0x8000, $0x38;
	[tilespmem:$0x10400] =	vst v63  }
0x20: {  	_ =	swait.ge [sflag:s16], $0x8000  }
0x21: {  	[sflag:s16] =	ssyncset.done $0x0  }
0x22: {  	s17 =	simm.s32 $0x200;
	[sflag:s16] =	ssyncadd.s32 $0xFFFF8000  }
0x23: {  	[tilespmem:s7], [sflag:$0x1] =	stream.indirect.gather [hbm4b:s5+s6], $0x80, s17, s6, $0xb8;
	[tilespmem:$0x10400] =	vst v63  }
0x24: {  	s18 =	simm.s32 $0x280  }
0x25: {  	[tilespmem:s8], [sflag:$0x1] =	stream.indirect.gather [hbm4b:s5+s6], $0x80, s18, s6, $0xb8;
	[tilespmem:$0x10400] =	vst v63  }
0x26: {  	_ =	swait.ge [sflag:s9], $0x4000  }
0x27: {  	[sflag:s9] =	ssyncset.done $0x0  }
0x28: {  	[sflag:s9] =	ssyncadd.s32 $0xFFFFC000  }
0x29: {  	_ =	swait.ge [sflag:s9], $0x4000  }
0x2a: {  	[sflag:s9] =	ssyncset.done $0x0  }
0x2b: {  	s19 =	simm.s32 $0x3;
	s20 =	sadd.s32 $0x415600, s24;
	[sflag:s9] =	ssyncadd.s32 $0xFFFFC000  }
0x2c: {  	[hbm4b:s20+s2] =	stream.linear.scatter [tilespmem:s7], [sflag:$0x2], $0x8000, $0x38;
	[tilespmem:$0x10400] =	vst v63  }
0x2d: {  	_ =	swait.ge [sflag:s19], $0x8000  }
0x2e: {  	[sflag:s19] =	ssyncset.done $0x0  }
0x2f: {  	s21 =	simm.s32 $0x300;
	[sflag:s19] =	ssyncadd.s32 $0xFFFF8000  }
0x30: {  	[tilespmem:s12], [sflag:$0x1] =	stream.indirect.gather [hbm4b:s5+s6], $0x80, s21, s6, $0xb8;
	[tilespmem:$0x10400] =	vst v63  }
0x31: {  	s22 =	simm.s32 $0x380  }
0x32: {  	[tilespmem:s14], [sflag:$0x1] =	stream.indirect.gather [hbm4b:s5+s6], $0x80, s22, s6, $0xb8;
	[tilespmem:$0x10400] =	vst v63  }
0x33: {  	_ =	swait.ge [sflag:s9], $0x4000  }
0x34: {  	s25 =	ssub.s32 $0x2, s23;
	[sflag:s9] =	ssyncset.done $0x0  }
0x35: {  	s31 =	sshrl.u32 s25, $0x1;
	[sflag:s9] =	ssyncadd.s32 $0xFFFFC000  }
0x36: {  	s23 =	sadd.s32 $0x416600, s24;
	s24 =	ssub.s32 s25, s31;
	_ =	swait.ge [sflag:s9], $0x4000  }
0x37: {  	s24 =	smax.u32 s24, $0x1;
	[sflag:s9] =	ssyncset.done $0x0  }
0x38: {  	p0 =	sne.s32 s24, $0x1;
	[sflag:s9] =	ssyncadd.s32 $0xFFFFC000  }
0x39: {  	[hbm4b:s23+s2] =	stream.linear.scatter [tilespmem:s12], [sflag:$0x3], $0x8000, $0x38;
	[tilespmem:$0x10400] =	vst v63  }
.Ltmp0:
0x3a: {  	_ =	swait.ge [sflag:s16], $0x8000;
	(pc) =	sbr.rel @!p0 .LBB2_2-.Ltmp0, $4  }
0x3b: {  	[sflag:s16] =	ssyncset.done $0x0  }
0x3c: {  	[sflag:s16] =	ssyncadd.s32 $0xFFFF8000  }
0x3d: {  	_ =	swait.ge [sflag:s19], $0x8000  }
0x3e: {  	s24 =	sadd.s32 $0xFFFFFFFF, s24;
	[sflag:s19] =	ssyncset.done $0x0  }
.LBB2_1:
0x3f: {  	p0 =	sne.s32 s24, $0x1;
	s24 =	sadd.s32 $0xFFFFFFFF, s24;
	[sflag:s19] =	ssyncadd.s32 $0xFFFF8000  }
0x40: {  	[tilespmem:s2], [sflag:$0x4] =	stream.linear.gather [hbm4b:s3+s2], $0x400, $0x38;
	[tilespmem:$0x10400] =	vst v63  }
0x41: {  	_ =	swait.ge [sflag:s4], $0x400  }
0x42: {  	[sflag:s4] =	ssyncset.done $0x0  }
0x43: {  	[sflag:s4] =	ssyncadd.s32 $0xFFFFFC00  }
0x44: {  	[tilespmem:s7], [sflag:$0x1] =	stream.indirect.gather [hbm4b:s5+s6], $0x80, s2, s6, $0xb8;
	[tilespmem:$0x10400] =	vst v63  }
0x45: {  	_ = 	snop  }
0x46: {  	[tilespmem:s8], [sflag:$0x1] =	stream.indirect.gather [hbm4b:s5+s6], $0x80, s6, s6, $0xb8;
	[tilespmem:$0x10400] =	vst v63  }
0x47: {  	_ =	swait.ge [sflag:s9], $0x4000  }
0x48: {  	[sflag:s9] =	ssyncset.done $0x0  }
0x49: {  	[sflag:s9] =	ssyncadd.s32 $0xFFFFC000  }
0x4a: {  	_ =	swait.ge [sflag:s9], $0x4000  }
0x4b: {  	[sflag:s9] =	ssyncset.done $0x0  }
0x4c: {  	[sflag:s9] =	ssyncadd.s32 $0xFFFFC000  }
0x4d: {  	[hbm4b:s10+s2] =	stream.linear.scatter [tilespmem:s7], [sflag:$0x2], $0x8000, $0x38;
	[tilespmem:$0x10400] =	vst v63  }
0x4e: {  	_ = 	snop  }
0x4f: {  	[tilespmem:s12], [sflag:$0x1] =	stream.indirect.gather [hbm4b:s5+s6], $0x80, s11, s6, $0xb8;
	[tilespmem:$0x10400] =	vst v63  }
0x50: {  	_ = 	snop  }
0x51: {  	[tilespmem:s14], [sflag:$0x1] =	stream.indirect.gather [hbm4b:s5+s6], $0x80, s13, s6, $0xb8;
	[tilespmem:$0x10400] =	vst v63  }
0x52: {  	_ =	swait.ge [sflag:s9], $0x4000  }
0x53: {  	[sflag:s9] =	ssyncset.done $0x0  }
0x54: {  	[sflag:s9] =	ssyncadd.s32 $0xFFFFC000  }
0x55: {  	_ =	swait.ge [sflag:s9], $0x4000  }
0x56: {  	[sflag:s9] =	ssyncset.done $0x0  }
0x57: {  	[sflag:s9] =	ssyncadd.s32 $0xFFFFC000  }
0x58: {  	[hbm4b:s15+s2] =	stream.linear.scatter [tilespmem:s12], [sflag:$0x3], $0x8000, $0x38;
	[tilespmem:$0x10400] =	vst v63  }
0x59: {  	_ =	swait.ge [sflag:s16], $0x8000  }
0x5a: {  	[sflag:s16] =	ssyncset.done $0x0  }
0x5b: {  	[sflag:s16] =	ssyncadd.s32 $0xFFFF8000  }
0x5c: {  	[tilespmem:s7], [sflag:$0x1] =	stream.indirect.gather [hbm4b:s5+s6], $0x80, s17, s6, $0xb8;
	[tilespmem:$0x10400] =	vst v63  }
0x5d: {  	_ = 	snop  }
0x5e: {  	[tilespmem:s8], [sflag:$0x1] =	stream.indirect.gather [hbm4b:s5+s6], $0x80, s18, s6, $0xb8;
	[tilespmem:$0x10400] =	vst v63  }
0x5f: {  	_ =	swait.ge [sflag:s9], $0x4000  }
0x60: {  	[sflag:s9] =	ssyncset.done $0x0  }
0x61: {  	[sflag:s9] =	ssyncadd.s32 $0xFFFFC000  }
0x62: {  	_ =	swait.ge [sflag:s9], $0x4000  }
0x63: {  	[sflag:s9] =	ssyncset.done $0x0  }
0x64: {  	[sflag:s9] =	ssyncadd.s32 $0xFFFFC000  }
0x65: {  	[hbm4b:s20+s2] =	stream.linear.scatter [tilespmem:s7], [sflag:$0x2], $0x8000, $0x38;
	[tilespmem:$0x10400] =	vst v63  }
0x66: {  	_ =	swait.ge [sflag:s19], $0x8000  }
0x67: {  	[sflag:s19] =	ssyncset.done $0x0  }
0x68: {  	[sflag:s19] =	ssyncadd.s32 $0xFFFF8000  }
0x69: {  	[tilespmem:s12], [sflag:$0x1] =	stream.indirect.gather [hbm4b:s5+s6], $0x80, s21, s6, $0xb8;
	[tilespmem:$0x10400] =	vst v63  }
0x6a: {  	_ = 	snop  }
0x6b: {  	[tilespmem:s14], [sflag:$0x1] =	stream.indirect.gather [hbm4b:s5+s6], $0x80, s22, s6, $0xb8;
	[tilespmem:$0x10400] =	vst v63  }
0x6c: {  	_ =	swait.ge [sflag:s9], $0x4000  }
0x6d: {  	[sflag:s9] =	ssyncset.done $0x0  }
0x6e: {  	[sflag:s9] =	ssyncadd.s32 $0xFFFFC000  }
0x6f: {  	_ =	swait.ge [sflag:s9], $0x4000  }
0x70: {  	[sflag:s9] =	ssyncset.done $0x0  }
0x71: {  	[sflag:s9] =	ssyncadd.s32 $0xFFFFC000  }
0x72: {  	[hbm4b:s23+s2] =	stream.linear.scatter [tilespmem:s12], [sflag:$0x3], $0x8000, $0x38;
	[tilespmem:$0x10400] =	vst v63  }
.Ltmp1:
0x73: {  	_ =	swait.ge [sflag:s16], $0x8000;
	(pc) =	sbr.rel @p0 .LBB2_1-.Ltmp1, $4  }
0x74: {  	[sflag:s16] =	ssyncset.done $0x0  }
0x75: {  	[sflag:s16] =	ssyncadd.s32 $0xFFFF8000  }
0x76: {  	_ =	swait.ge [sflag:s19], $0x8000  }
0x77: {  	[sflag:s19] =	ssyncset.done $0x0  }
.LBB2_2:
0x78: {  	[sflag:s19] =	ssyncadd.s32 $0xFFFF8000  }
0x79: {  	_ =	sfence.sel $0x180000  }
0x7a: {  	[bflag:$0x0] =	sbarrier.arrive $0xFFFF  }
0x7b: {  	p0 =	sne.s32 s0, $0x0;
	_ =	strace $0x90000047  }
0x7c: {  	s0 =	sadd.s32 @!p0 $0x100000, s1;
	[bflag:$0x2] =	sbarrier.arrive $0xFFFF  }
0x7d: {  	[sflag:s0] =	ssyncadd.tile.s32 @!p0 $0x1;
	_ =	shalt  }
.Lfunc_end2:
_tile_overlayer_lowered:
.L_overlay_start_2:
0x7e: {  	(tag) =	ssettag $0x2  }
0x7f: {  	s0 =	rddreg [dreg:$0x0];
	s2 =	stileid.u32  }
0x80: {  	s1 =	rddreg [dreg:$0x1];
	p0 =	sne.s32 s2, $0x0  }
0x81: {  	s3 =	rddreg [dreg:$0x2];
	[bflag:$0x3] =	sbarrier.arrive $0xFFFF;
	s2 =	simm.s32 @!p0 $0x1C04  }
0x82: {  	[timem:s3], [sflag:s2] =	dma.local @!p0 [hbm:s0], s1  }
0x83: {  	s0 =	simm.s32 @!p0 $0x4  }
0x84: {  	_ =	swait.ge @!p0 [sflag:s0], s1  }
0x85: {  	s1 =	ssub.s32 @!p0 $0x0, s1;
	[sflag:s0] =	ssyncset.done @!p0 $0x0  }
0x86: {  	[sflag:s0] =	ssyncadd.s32 @!p0 s1  }
0x87: {  	[bflag:$0x3] =	sbarrier.arrive $0xFFFF  }
0x88: {  	_ =	shalt  }

// kernel: kernel.18.cloned.1.call-start
scs
__scs_entry_jumppad:
0x0: {  	(pc) =	sbr.rel $0x88, $3  }
0x1: {  	(tag) =	ssettag $0x0;
	lr =	simm.s32 $0x1  }
0x2: {  	[smem:$0x3F91] =	sst lr;
	_ =	strace $0xD0000000  }
0x3: {  	_ = 	snop  }
0x4: {  	_ = 	snop  }
0x5: {  	_ = 	snop  }
0x6: {  	_ = 	snop  }
0x7: {  	_ = 	snop  }
__scs_overlays_trampoline_lowered:
0x8: {  	[smem:$0x3FA0] =	sst s0  }
0x9: {  	[smem:$0x3FA1] =	sst s1  }
0xa: {  	[smem:$0x3FA2] =	sst s2  }
0xb: {  	[smem:$0x3FA3] =	sst s3  }
0xc: {  	[smem:$0x3FA4] =	sst s4  }
0xd: {  	[smem:$0x3FA5] =	sst s5  }
0xe: {  	[smem:$0x3FA6] =	sst s6  }
0xf: {  	[smem:$0x3FA7] =	sst s7  }
0x10: {  	[smem:$0x3FA8] =	sst s8  }
0x11: {  	[smem:$0x3FA9] =	sst s9;
	s0 =	simm.s32 @!p0 $0x0  }
0x12: {  	s1 =	sld [smem:$0x3F8F];
	s0 =	simm.s32 @p0 $0x1  }
0x13: {  	[smem:$0x3FAA] =	sst s0;
	s0 =	simm.s32 @!p1 $0x0  }
0x14: {  	s2 =	sld [smem:$0x3F8E];
	s0 =	simm.s32 @p1 $0x1  }
0x15: {  	[smem:$0x3FAB] =	sst s0;
	s0 =	simm.s32 @!p2 $0x0  }
0x16: {  	s3 =	sld [smem:$0x3FDB];
	s0 =	simm.s32 @p2 $0x1  }
0x17: {  	s4 =	simm.s32 $0x1BF5;
	[smem:$0x3FAD] =	sst s0  }
0x18: {  	s0 =	sld [smem:$0x3F90];
	_ =	swait.ge [sflag:s4], $0x0  }
0x19: {  	s7 =	sld [smem:$0x3F91]  }
0x1a: {  	s8 =	sadd.s32 $0xFFFFE003, lr  }
0x1b: {  	s9 =	sadd.s32 $0xFFFFFEF7, lr;
	s5 =	simm.s32 $0xFFFFFFFF;
	p2 =	slt.u32 s8, $0xFFFFF086  }
0x1c: {  	p1 =	slt.u32 s9, $0xF7A;
	s5 =	simm.s32 @!p2 $0x0  }
0x1d: {  	s5 =	simm.s32 @p1 $0x1;
	p0 =	seq.s32 s7, s2  }
0x1e: {  	s7 =	smul.u32 @!p0 $0xF7A, s2;
	p2 =	seq.s32 @!p0 s5, $0x0  }
0x1f: {  	s9 =	smul.u32 $0xF7A, s1;
	s8 =	simm.s32 @!p0 $0x1BF5;
	p2 =	por !p2, p0  }
0x20: {  	[sflag:s8] =	ssyncset.s32 @!p0 $0xFFFFF086;
	s6 =	sadd.s32 @!p0 s3, s7;
	s7 =	simm.s32 @!p0 $0x108  }
0x21: {  	s3 =	sadd.s32 s3, s9;
	s6 =	sadd.s32 @!p0 $0x88, s6;
	s7 =	simm.s32 @p2 $0x1082  }
0x22: {  	[simem:s7], [sflag:s8] =	dma.local @!p0 [hbm:s6], $0xF7A  }
0x23: {  	s9 =	sor.u32 $0xD0000000, s2;
	s6 =	simm.s32 $0x108;
	_ =	swait.ge @!p0 [sflag:s8], $0x0  }
0x24: {  	s3 =	sadd.s32 $0x88, s3;
	s6 =	simm.s32 @!p1 $0x1082;
	[sflag:s4] =	ssyncset.s32 $0xFFFFF086  }
0x25: {  	[simem:s6], [sflag:s4] =	dma.local [hbm:s3], $0xF7A  }
0x26: {  	[smem:$0x3F91] =	sst s1;
	(tag) =	ssettag s2;
	_ =	strace s9  }
0x27: {  	s1 =	sld [smem:$0x3FA1]  }
0x28: {  	s2 =	sld [smem:$0x3FA2]  }
0x29: {  	s4 =	sld [smem:$0x3FA4]  }
0x2a: {  	p0 =	seq.s32 s5, $0x0;
	s5 =	sld [smem:$0x3FA5]  }
0x2b: {  	s6 =	sld [smem:$0x3FA6]  }
0x2c: {  	s7 =	sld [smem:$0x3FA7]  }
0x2d: {  	s3 =	simm.s32 $0x108;
	s8 =	sld [smem:$0x3FA8]  }
0x2e: {  	s3 =	simm.s32 @!p0 $0x1082;
	s9 =	sld [smem:$0x3FA9]  }
0x2f: {  	lr =	sadd.s32 s0, s3;
	s0 =	sld [smem:$0x3FA0]  }
0x30: {  	s3 =	sld [smem:$0x3FA3]  }
0x31: {  	[smem:$0x3FAC] =	sst s10  }
0x32: {  	s10 =	sld [smem:$0x3FAA];
	_ =	sdelay $0x3  }
0x33: {  	p0 =	seq.s32 s10, $0x1;
	s10 =	sld [smem:$0x3FAC];
	_ =	sdelay $0x3  }
0x34: {  	[smem:$0x3FAC] =	sst s10  }
0x35: {  	s10 =	sld [smem:$0x3FAB];
	_ =	sdelay $0x3  }
0x36: {  	p1 =	seq.s32 s10, $0x1;
	s10 =	sld [smem:$0x3FAC];
	_ =	sdelay $0x3  }
0x37: {  	[smem:$0x3FAC] =	sst s10  }
0x38: {  	s10 =	sld [smem:$0x3FAD]  }
0x39: {  	_ = 	snop;
	(pc) =	sbr.ind lr, $3  }
0x3a: {  	_ = 	snop  }
0x3b: {  	_ = 	snop  }
0x3c: {  	p2 =	seq.s32 s10, $0x1;
	s10 =	sld [smem:$0x3FAC]  }
0x3d: {  	_ =	shalt  }
0x3e: {  	_ =	shalt  }
0x3f: {  	_ =	shalt  }
0x40: {  	_ =	shalt  }
0x41: {  	_ =	shalt  }
0x42: {  	_ =	shalt  }
0x43: {  	_ =	shalt  }
0x44: {  	_ =	shalt  }
0x45: {  	_ =	shalt  }
0x46: {  	_ =	shalt  }
0x47: {  	_ =	shalt  }
0x48: {  	_ =	shalt  }
0x49: {  	_ =	shalt  }
0x4a: {  	_ =	shalt  }
0x4b: {  	_ =	shalt  }
0x4c: {  	_ =	shalt  }
0x4d: {  	_ =	shalt  }
0x4e: {  	_ =	shalt  }
0x4f: {  	_ =	shalt  }
0x50: {  	_ =	shalt  }
0x51: {  	_ =	shalt  }
0x52: {  	_ =	shalt  }
0x53: {  	_ =	shalt  }
0x54: {  	_ =	shalt  }
0x55: {  	_ =	shalt  }
0x56: {  	_ =	shalt  }
0x57: {  	_ =	shalt  }
0x58: {  	_ =	shalt  }
0x59: {  	_ =	shalt  }
0x5a: {  	_ =	shalt  }
0x5b: {  	_ =	shalt  }
0x5c: {  	_ =	shalt  }
0x5d: {  	_ =	shalt  }
0x5e: {  	_ =	shalt  }
0x5f: {  	_ =	shalt  }
0x60: {  	_ =	shalt  }
0x61: {  	_ =	shalt  }
0x62: {  	_ =	shalt  }
0x63: {  	_ =	shalt  }
0x64: {  	_ =	shalt  }
0x65: {  	_ =	shalt  }
0x66: {  	_ =	shalt  }
0x67: {  	_ =	shalt  }
0x68: {  	_ =	shalt  }
0x69: {  	_ =	shalt  }
0x6a: {  	_ =	shalt  }
0x6b: {  	_ =	shalt  }
0x6c: {  	_ =	shalt  }
0x6d: {  	_ =	shalt  }
0x6e: {  	_ =	shalt  }
0x6f: {  	_ =	shalt  }
0x70: {  	_ =	shalt  }
0x71: {  	_ =	shalt  }
0x72: {  	_ =	shalt  }
0x73: {  	_ =	shalt  }
0x74: {  	_ =	shalt  }
0x75: {  	_ =	shalt  }
0x76: {  	_ =	shalt  }
0x77: {  	_ =	shalt  }
0x78: {  	_ =	shalt  }
0x79: {  	_ =	shalt  }
0x7a: {  	_ =	shalt  }
0x7b: {  	_ =	shalt  }
0x7c: {  	_ =	shalt  }
0x7d: {  	_ =	shalt  }
0x7e: {  	_ =	shalt  }
0x7f: {  	_ =	shalt  }
0x80: {  	_ =	shalt  }
0x81: {  	_ =	shalt  }
0x82: {  	_ =	shalt  }
0x83: {  	_ =	shalt  }
0x84: {  	_ =	shalt  }
0x85: {  	_ =	shalt  }
0x86: {  	_ =	shalt  }
0x87: {  	_ =	shalt  }
.Lfunc_end0:
.L_simem_size_0:
called_computation.1_lowered:
.L_overlay_start_0:
0x88: {  	s2 =	sld [smem:$0x3FD9]  }
0x89: {  	s3 =	sld [smem:$0x3FFE];
	_ =	sdelay $0x1  }
0x8a: {  	s1 =	srdreg.scid  }
0x8b: {  	s0 =	sand.u32 $0x1, s1  }
0x8c: {  	s14 =	sshll.u32 s0, $0xA;
	s2 =	sadd.s32 s3, s2  }
0x8d: {  	s2 =	sadd.s32 s2, s14  }
0x8e: {  	[smem:$0x3FB8] =	sst s2  }
0x8f: {  	_ = 	snop  }
0x90: {  	s2 =	sld [smem:$0x3FD0];
	_ =	sdelay $0x2  }
0x91: {  	s15 =	simm.s32 $0xA;
	s4 =	simm.s32 $0x10  }
0x92: {  	[smem:s4], [sflag:s15] =	dma.local [hbm:s2], $0x1  }
0x93: {  	_ =	swait.eq [sflag:s15], $0x1  }
0x94: {  	[sflag:s15] =	ssyncset.done $0x0  }
0x95: {  	[sflag:s15] =	ssyncadd.s32 $0xFFFFFFFF  }
0x96: {  	s16 =	sld [smem:$0x11];
	(tm) =	ssettm $0x1  }
0x97: {  	s17 =	sld [smem:$0x3FFB];
	_ =	sdelay $0x3  }
0x98: {  	_ =	strace s17  }
0x99: {  	s3 =	sld [smem:$0x3FFC];
	_ =	sdelay $0x3  }
0x9a: {  	_ =	strace s3  }
0x9b: {  	s3 =	sld [smem:$0x3FFD];
	_ =	sdelay $0x3  }
0x9c: {  	_ =	strace s3  }
0x9d: {  	_ =	strace $0x8FFFFFFF  }
0x9e: {  	s18 =	sld [smem:$0x3FDB];
	_ =	sdelay $0x1  }
0x9f: {  	s19 =	simm.s32 $_scs_section_size  }
0xa0: {  	s5 =	simm.s32 $_size__tile_overlayer_lowered;
	s6 =	simm.s32 $_tile_overlayer_lowered  }
0xa1: {  	s22 =	simm.s32 $0x1BFF;
	s21 =	sshll.u32 s6, $0x1;
	s3 =	sadd.s32 s19, s18  }
0xa2: {  	s7 =	simm.s32 $0x0;
	s20 =	sshll.u32 s5, $0x1;
	s5 =	sadd.s32 s21, s3  }
0xa3: {  	[timem:s7], [sflag:s22] =	dma.local [hbm:s5], s20  }
0xa4: {  	_ =	swait.ge [sflag:s22], s20  }
0xa5: {  	s4 =	ssub.s32 $0x0, s20;
	[sflag:s22] =	ssyncset.done $0x0  }
0xa6: {  	[sflag:s22] =	ssyncadd.s32 s4;
	_ =	sdelay $0x1  }
0xa7: {  	s23 =	simm.s32 $0x1B8B  }
0xa8: {  	_ =	swait.ge [sflag:s23], $0x1  }
0xa9: {  	[sflag:s23] =	ssyncset.done $0x0  }
0xaa: {  	s25 =	simm.s32 $0x1B8E;
	s24 =	sld [smem:$0x3FFE];
	[sflag:s23] =	ssyncadd.s32 $0xFFFFFFFF  }
0xab: {  	s26 =	simm.s32 $execute0_lowered;
	[smem:$0x3FD2] =	sst s25  }
0xac: {  	s5 =	sshll.u32 s26, $0x1;
	_ =	strace $0x80000049;
	[dreg:$0x1] =	wrdreg $0xFFFFFFFF  }
0xad: {  	s28 =	simm.s32 $_size_execute0_lowered;
	s3 =	sadd.s32 s3, s5;
	[dreg:$0x0] =	wrdreg $0x0  }
0xae: {  	s5 =	sshll.u32 s28, $0x1;
	[dreg:$0x2] =	wrdreg s3  }
0xaf: {  	[dreg:$0x3] =	wrdreg s5  }
0xb0: {  	[dreg:$0x4] =	wrdreg $0xC0  }
0xb1: {  	_ =	task [dreg:s7], $0x5FFFF  }
0xb2: {  	[dreg:$0x1] =	wrdreg $0xFFFFFFFF  }
0xb3: {  	[dreg:$0x0] =	wrdreg $0x60  }
0xb4: {  	[dreg:$0x2] =	wrdreg s24  }
0xb5: {  	[dreg:$0x3] =	wrdreg s16  }
0xb6: {  	[dreg:$0x4] =	wrdreg $0x9  }
0xb7: {  	_ =	task.clear_ibuf [dreg:s7], $0x5FFFF;
	_ =	strace $0x90000049  }
0xb8: {  	s29 =	simm.s32 $0x9;
	_ =	strace $0x8000004B  }
0xb9: {  	_ =	swait.ge [sflag:s29], $0x1  }
0xba: {  	[sflag:s29] =	ssyncadd.s32 $0xFFFFFFFF  }
0xbb: {  	_ =	strace $0x9000004B  }
0xbc: {  	_ =	sfence  }
0xbd: {  	s30 =	sld [smem:$0x0];
	_ =	sdelay $0x2  }
0xbe: {  	s31 =	sshll.u32 s1, $0xD;
	s1 =	sshrl.u32 s1, $0x2  }
0xbf: {  	s3 =	sand.u32 $0x4000, s31;
	s1 =	sadd.s32 s1, s30  }
0xc0: {  	s0 =	sor.u32 s3, s0;
	s1 =	sshll.u32 s1, $0x11  }
0xc1: {  	s0 =	sor.u32 s1, s0  }
0xc2: {  	s0 =	sadd.s32 $0x8F2B, s0  }
0xc3: {  	[sflag:s0] =	ssyncadd.remote.s32 $0x1  }
0xc4: {  	_ =	sfence.sel $0xFFFF  }
0xc5: {  	[dreg:$0x0] =	wrdreg $0xFFFFFFFF;
	(pc) =	sbr.abs _section_cstart, $3  }
0xc6: {  	[dreg:$0x1] =	wrdreg $0xFFFFFFFF  }
0xc7: {  	_ =	task.clear_ibuf [dreg:s7], $0x2FFFF;
	_ =	strace $0x9FFFFFFF  }
0xc8: {  	(tm) =	ssettm $0x7FFFFFFF  }
0xc9: {  	_ =	shalt  }
tec
execute0_lowered:
.L_overlay_start_1:
0x0: {  	(tag) =	ssettag $0x1  }
0x1: {  	s1 =	srdreg.scid  }
0x2: {  	s10 =	rddreg [dreg:$0x0];
	s0 =	stileid.u32;
	s23 =	sand.u32 $0x1, s1  }
0x3: {  	s3 =	rddreg [dreg:$0x1];
	s4 =	sshll.u32 s0, $0xB;
	s5 =	sshll.u32 s23, $0xA  }
0x4: {  	s2 =	simm.s32 $0x0;
	s1 =	rddreg [dreg:$0x2];
	s11 =	sor.u32 s5, s4  }
0x5: {  	[smem:$0x7FF] =	sst s2;
	s4 =	sshrl.u32 s11, $0x3  }
0x6: {  	_ =	strace $0x8000004A;
	s3 =	sadd.s32 s3, s4;
	s4 =	simm.s32 $0x4  }
0x7: {  	[tilespmem:s2], [sflag:$0x4] =	stream.linear.gather [hbm4b:s3+s2], $0x400, $0x38;
	[tilespmem:$0x10400] =	vst v63  }
0x8: {  	_ =	swait.ge [sflag:s4], $0x400  }
0x9: {  	s6 =	simm.s32 $0x80;
	[sflag:s4] =	ssyncset.done $0x0  }
0xa: {  	s7 =	simm.s32 $0x400;
	s5 =	sadd.s32 $0x13600, s10;
	[sflag:s4] =	ssyncadd.s32 $0xFFFFFC00  }
0xb: {  	[tilespmem:s7], [sflag:$0x1] =	stream.indirect.gather [hbm4b:s5+s6], $0x80, s2, s6, $0xb8;
	[tilespmem:$0x10400] =	vst v63  }
0xc: {  	s8 =	simm.s32 $0x4400;
	s9 =	simm.s32 $0x1  }
0xd: {  	[tilespmem:s8], [sflag:$0x1] =	stream.indirect.gather [hbm4b:s5+s6], $0x80, s6, s6, $0xb8;
	[tilespmem:$0x10400] =	vst v63  }
0xe: {  	_ =	swait.ge [sflag:s9], $0x4000  }
0xf: {  	[sflag:s9] =	ssyncset.done $0x0  }
0x10: {  	[sflag:s9] =	ssyncadd.s32 $0xFFFFC000  }
0x11: {  	s11 =	sshll.u32 s11, $0x4;
	_ =	swait.ge [sflag:s9], $0x4000  }
0x12: {  	s24 =	sadd.s32 s11, s10;
	[sflag:s9] =	ssyncset.done $0x0  }
0x13: {  	s10 =	sadd.s32 $0x413600, s24;
	[sflag:s9] =	ssyncadd.s32 $0xFFFFC000  }
0x14: {  	[hbm4b:s10+s2] =	stream.linear.scatter [tilespmem:s7], [sflag:$0x2], $0x8000, $0x38;
	[tilespmem:$0x10400] =	vst v63  }
0x15: {  	s12 =	simm.s32 $0x8400;
	s11 =	simm.s32 $0x100  }
0x16: {  	[tilespmem:s12], [sflag:$0x1] =	stream.indirect.gather [hbm4b:s5+s6], $0x80, s11, s6, $0xb8;
	[tilespmem:$0x10400] =	vst v63  }
0x17: {  	s13 =	simm.s32 $0x180;
	s14 =	simm.s32 $0xC400  }
0x18: {  	[tilespmem:s14], [sflag:$0x1] =	stream.indirect.gather [hbm4b:s5+s6], $0x80, s13, s6, $0xb8;
	[tilespmem:$0x10400] =	vst v63  }
0x19: {  	_ =	swait.ge [sflag:s9], $0x4000  }
0x1a: {  	[sflag:s9] =	ssyncset.done $0x0  }
0x1b: {  	[sflag:s9] =	ssyncadd.s32 $0xFFFFC000  }
0x1c: {  	_ =	swait.ge [sflag:s9], $0x4000  }
0x1d: {  	[sflag:s9] =	ssyncset.done $0x0  }
0x1e: {  	s16 =	simm.s32 $0x2;
	s15 =	sadd.s32 $0x414600, s24;
	[sflag:s9] =	ssyncadd.s32 $0xFFFFC000  }
0x1f: {  	[hbm4b:s15+s2] =	stream.linear.scatter [tilespmem:s12], [sflag:$0x3], $0x8000, $0x38;
	[tilespmem:$0x10400] =	vst v63  }
0x20: {  	_ =	swait.ge [sflag:s16], $0x8000  }
0x21: {  	[sflag:s16] =	ssyncset.done $0x0  }
0x22: {  	s17 =	simm.s32 $0x200;
	[sflag:s16] =	ssyncadd.s32 $0xFFFF8000  }
0x23: {  	[tilespmem:s7], [sflag:$0x1] =	stream.indirect.gather [hbm4b:s5+s6], $0x80, s17, s6, $0xb8;
	[tilespmem:$0x10400] =	vst v63  }
0x24: {  	s18 =	simm.s32 $0x280  }
0x25: {  	[tilespmem:s8], [sflag:$0x1] =	stream.indirect.gather [hbm4b:s5+s6], $0x80, s18, s6, $0xb8;
	[tilespmem:$0x10400] =	vst v63  }
0x26: {  	_ =	swait.ge [sflag:s9], $0x4000  }
0x27: {  	[sflag:s9] =	ssyncset.done $0x0  }
0x28: {  	[sflag:s9] =	ssyncadd.s32 $0xFFFFC000  }
0x29: {  	_ =	swait.ge [sflag:s9], $0x4000  }
0x2a: {  	[sflag:s9] =	ssyncset.done $0x0  }
0x2b: {  	s19 =	simm.s32 $0x3;
	s20 =	sadd.s32 $0x415600, s24;
	[sflag:s9] =	ssyncadd.s32 $0xFFFFC000  }
0x2c: {  	[hbm4b:s20+s2] =	stream.linear.scatter [tilespmem:s7], [sflag:$0x2], $0x8000, $0x38;
	[tilespmem:$0x10400] =	vst v63  }
0x2d: {  	_ =	swait.ge [sflag:s19], $0x8000  }
0x2e: {  	[sflag:s19] =	ssyncset.done $0x0  }
0x2f: {  	s21 =	simm.s32 $0x300;
	[sflag:s19] =	ssyncadd.s32 $0xFFFF8000  }
0x30: {  	[tilespmem:s12], [sflag:$0x1] =	stream.indirect.gather [hbm4b:s5+s6], $0x80, s21, s6, $0xb8;
	[tilespmem:$0x10400] =	vst v63  }
0x31: {  	s22 =	simm.s32 $0x380  }
0x32: {  	[tilespmem:s14], [sflag:$0x1] =	stream.indirect.gather [hbm4b:s5+s6], $0x80, s22, s6, $0xb8;
	[tilespmem:$0x10400] =	vst v63  }
0x33: {  	_ =	swait.ge [sflag:s9], $0x4000  }
0x34: {  	s25 =	ssub.s32 $0x2, s23;
	[sflag:s9] =	ssyncset.done $0x0  }
0x35: {  	s31 =	sshrl.u32 s25, $0x1;
	[sflag:s9] =	ssyncadd.s32 $0xFFFFC000  }
0x36: {  	s23 =	sadd.s32 $0x416600, s24;
	s24 =	ssub.s32 s25, s31;
	_ =	swait.ge [sflag:s9], $0x4000  }
0x37: {  	s24 =	smax.u32 s24, $0x1;
	[sflag:s9] =	ssyncset.done $0x0  }
0x38: {  	p0 =	sne.s32 s24, $0x1;
	[sflag:s9] =	ssyncadd.s32 $0xFFFFC000  }
0x39: {  	[hbm4b:s23+s2] =	stream.linear.scatter [tilespmem:s12], [sflag:$0x3], $0x8000, $0x38;
	[tilespmem:$0x10400] =	vst v63  }
.Ltmp0:
0x3a: {  	_ =	swait.ge [sflag:s16], $0x8000;
	(pc) =	sbr.rel @!p0 .LBB2_2-.Ltmp0, $4  }
0x3b: {  	[sflag:s16] =	ssyncset.done $0x0  }
0x3c: {  	[sflag:s16] =	ssyncadd.s32 $0xFFFF8000  }
0x3d: {  	_ =	swait.ge [sflag:s19], $0x8000  }
0x3e: {  	s24 =	sadd.s32 $0xFFFFFFFF, s24;
	[sflag:s19] =	ssyncset.done $0x0  }
.LBB2_1:
0x3f: {  	p0 =	sne.s32 s24, $0x1;
	s24 =	sadd.s32 $0xFFFFFFFF, s24;
	[sflag:s19] =	ssyncadd.s32 $0xFFFF8000  }
0x40: {  	[tilespmem:s2], [sflag:$0x4] =	stream.linear.gather [hbm4b:s3+s2], $0x400, $0x38;
	[tilespmem:$0x10400] =	vst v63  }
0x41: {  	_ =	swait.ge [sflag:s4], $0x400  }
0x42: {  	[sflag:s4] =	ssyncset.done $0x0  }
0x43: {  	[sflag:s4] =	ssyncadd.s32 $0xFFFFFC00  }
0x44: {  	[tilespmem:s7], [sflag:$0x1] =	stream.indirect.gather [hbm4b:s5+s6], $0x80, s2, s6, $0xb8;
	[tilespmem:$0x10400] =	vst v63  }
0x45: {  	_ = 	snop  }
0x46: {  	[tilespmem:s8], [sflag:$0x1] =	stream.indirect.gather [hbm4b:s5+s6], $0x80, s6, s6, $0xb8;
	[tilespmem:$0x10400] =	vst v63  }
0x47: {  	_ =	swait.ge [sflag:s9], $0x4000  }
0x48: {  	[sflag:s9] =	ssyncset.done $0x0  }
0x49: {  	[sflag:s9] =	ssyncadd.s32 $0xFFFFC000  }
0x4a: {  	_ =	swait.ge [sflag:s9], $0x4000  }
0x4b: {  	[sflag:s9] =	ssyncset.done $0x0  }
0x4c: {  	[sflag:s9] =	ssyncadd.s32 $0xFFFFC000  }
0x4d: {  	[hbm4b:s10+s2] =	stream.linear.scatter [tilespmem:s7], [sflag:$0x2], $0x8000, $0x38;
	[tilespmem:$0x10400] =	vst v63  }
0x4e: {  	_ = 	snop  }
0x4f: {  	[tilespmem:s12], [sflag:$0x1] =	stream.indirect.gather [hbm4b:s5+s6], $0x80, s11, s6, $0xb8;
	[tilespmem:$0x10400] =	vst v63  }
0x50: {  	_ = 	snop  }
0x51: {  	[tilespmem:s14], [sflag:$0x1] =	stream.indirect.gather [hbm4b:s5+s6], $0x80, s13, s6, $0xb8;
	[tilespmem:$0x10400] =	vst v63  }
0x52: {  	_ =	swait.ge [sflag:s9], $0x4000  }
0x53: {  	[sflag:s9] =	ssyncset.done $0x0  }
0x54: {  	[sflag:s9] =	ssyncadd.s32 $0xFFFFC000  }
0x55: {  	_ =	swait.ge [sflag:s9], $0x4000  }
0x56: {  	[sflag:s9] =	ssyncset.done $0x0  }
0x57: {  	[sflag:s9] =	ssyncadd.s32 $0xFFFFC000  }
0x58: {  	[hbm4b:s15+s2] =	stream.linear.scatter [tilespmem:s12], [sflag:$0x3], $0x8000, $0x38;
	[tilespmem:$0x10400] =	vst v63  }
0x59: {  	_ =	swait.ge [sflag:s16], $0x8000  }
0x5a: {  	[sflag:s16] =	ssyncset.done $0x0  }
0x5b: {  	[sflag:s16] =	ssyncadd.s32 $0xFFFF8000  }
0x5c: {  	[tilespmem:s7], [sflag:$0x1] =	stream.indirect.gather [hbm4b:s5+s6], $0x80, s17, s6, $0xb8;
	[tilespmem:$0x10400] =	vst v63  }
0x5d: {  	_ = 	snop  }
0x5e: {  	[tilespmem:s8], [sflag:$0x1] =	stream.indirect.gather [hbm4b:s5+s6], $0x80, s18, s6, $0xb8;
	[tilespmem:$0x10400] =	vst v63  }
0x5f: {  	_ =	swait.ge [sflag:s9], $0x4000  }
0x60: {  	[sflag:s9] =	ssyncset.done $0x0  }
0x61: {  	[sflag:s9] =	ssyncadd.s32 $0xFFFFC000  }
0x62: {  	_ =	swait.ge [sflag:s9], $0x4000  }
0x63: {  	[sflag:s9] =	ssyncset.done $0x0  }
0x64: {  	[sflag:s9] =	ssyncadd.s32 $0xFFFFC000  }
0x65: {  	[hbm4b:s20+s2] =	stream.linear.scatter [tilespmem:s7], [sflag:$0x2], $0x8000, $0x38;
	[tilespmem:$0x10400] =	vst v63  }
0x66: {  	_ =	swait.ge [sflag:s19], $0x8000  }
0x67: {  	[sflag:s19] =	ssyncset.done $0x0  }
0x68: {  	[sflag:s19] =	ssyncadd.s32 $0xFFFF8000  }
0x69: {  	[tilespmem:s12], [sflag:$0x1] =	stream.indirect.gather [hbm4b:s5+s6], $0x80, s21, s6, $0xb8;
	[tilespmem:$0x10400] =	vst v63  }
0x6a: {  	_ = 	snop  }
0x6b: {  	[tilespmem:s14], [sflag:$0x1] =	stream.indirect.gather [hbm4b:s5+s6], $0x80, s22, s6, $0xb8;
	[tilespmem:$0x10400] =	vst v63  }
0x6c: {  	_ =	swait.ge [sflag:s9], $0x4000  }
0x6d: {  	[sflag:s9] =	ssyncset.done $0x0  }
0x6e: {  	[sflag:s9] =	ssyncadd.s32 $0xFFFFC000  }
0x6f: {  	_ =	swait.ge [sflag:s9], $0x4000  }
0x70: {  	[sflag:s9] =	ssyncset.done $0x0  }
0x71: {  	[sflag:s9] =	ssyncadd.s32 $0xFFFFC000  }
0x72: {  	[hbm4b:s23+s2] =	stream.linear.scatter [tilespmem:s12], [sflag:$0x3], $0x8000, $0x38;
	[tilespmem:$0x10400] =	vst v63  }
.Ltmp1:
0x73: {  	_ =	swait.ge [sflag:s16], $0x8000;
	(pc) =	sbr.rel @p0 .LBB2_1-.Ltmp1, $4  }
0x74: {  	[sflag:s16] =	ssyncset.done $0x0  }
0x75: {  	[sflag:s16] =	ssyncadd.s32 $0xFFFF8000  }
0x76: {  	_ =	swait.ge [sflag:s19], $0x8000  }
0x77: {  	[sflag:s19] =	ssyncset.done $0x0  }
.LBB2_2:
0x78: {  	[sflag:s19] =	ssyncadd.s32 $0xFFFF8000  }
0x79: {  	_ =	sfence.sel $0x180000  }
0x7a: {  	[bflag:$0x0] =	sbarrier.arrive $0xFFFF  }
0x7b: {  	p0 =	sne.s32 s0, $0x0;
	_ =	strace $0x9000004A  }
0x7c: {  	s0 =	sadd.s32 @!p0 $0x100000, s1;
	[bflag:$0x2] =	sbarrier.arrive $0xFFFF  }
0x7d: {  	[sflag:s0] =	ssyncadd.tile.s32 @!p0 $0x1;
	_ =	shalt  }
.Lfunc_end2:
_tile_overlayer_lowered:
.L_overlay_start_2:
0x7e: {  	(tag) =	ssettag $0x2  }
0x7f: {  	s0 =	rddreg [dreg:$0x0];
	s2 =	stileid.u32  }
0x80: {  	s1 =	rddreg [dreg:$0x1];
	p0 =	sne.s32 s2, $0x0  }
0x81: {  	s3 =	rddreg [dreg:$0x2];
	[bflag:$0x3] =	sbarrier.arrive $0xFFFF;
	s2 =	simm.s32 @!p0 $0x1C04  }
0x82: {  	[timem:s3], [sflag:s2] =	dma.local @!p0 [hbm:s0], s1  }
0x83: {  	s0 =	simm.s32 @!p0 $0x4  }
0x84: {  	_ =	swait.ge @!p0 [sflag:s0], s1  }
0x85: {  	s1 =	ssub.s32 @!p0 $0x0, s1;
	[sflag:s0] =	ssyncset.done @!p0 $0x0  }
0x86: {  	[sflag:s0] =	ssyncadd.s32 @!p0 s1  }
0x87: {  	[bflag:$0x3] =	sbarrier.arrive $0xFFFF  }
0x88: {  	_ =	shalt  }

// kernel: kernel.21.cloned.1.call-start
scs
__scs_entry_jumppad:
0x0: {  	(pc) =	sbr.rel $0x88, $3  }
0x1: {  	(tag) =	ssettag $0x0;
	lr =	simm.s32 $0x1  }
0x2: {  	[smem:$0x3F91] =	sst lr;
	_ =	strace $0xD0000000  }
0x3: {  	_ = 	snop  }
0x4: {  	_ = 	snop  }
0x5: {  	_ = 	snop  }
0x6: {  	_ = 	snop  }
0x7: {  	_ = 	snop  }
__scs_overlays_trampoline_lowered:
0x8: {  	[smem:$0x3FA0] =	sst s0  }
0x9: {  	[smem:$0x3FA1] =	sst s1  }
0xa: {  	[smem:$0x3FA2] =	sst s2  }
0xb: {  	[smem:$0x3FA3] =	sst s3  }
0xc: {  	[smem:$0x3FA4] =	sst s4  }
0xd: {  	[smem:$0x3FA5] =	sst s5  }
0xe: {  	[smem:$0x3FA6] =	sst s6  }
0xf: {  	[smem:$0x3FA7] =	sst s7  }
0x10: {  	[smem:$0x3FA8] =	sst s8  }
0x11: {  	[smem:$0x3FA9] =	sst s9;
	s0 =	simm.s32 @!p0 $0x0  }
0x12: {  	s1 =	sld [smem:$0x3F8F];
	s0 =	simm.s32 @p0 $0x1  }
0x13: {  	[smem:$0x3FAA] =	sst s0;
	s0 =	simm.s32 @!p1 $0x0  }
0x14: {  	s2 =	sld [smem:$0x3F8E];
	s0 =	simm.s32 @p1 $0x1  }
0x15: {  	[smem:$0x3FAB] =	sst s0;
	s0 =	simm.s32 @!p2 $0x0  }
0x16: {  	s3 =	sld [smem:$0x3FDB];
	s0 =	simm.s32 @p2 $0x1  }
0x17: {  	s4 =	simm.s32 $0x1BF5;
	[smem:$0x3FAD] =	sst s0  }
0x18: {  	s0 =	sld [smem:$0x3F90];
	_ =	swait.ge [sflag:s4], $0x0  }
0x19: {  	s7 =	sld [smem:$0x3F91]  }
0x1a: {  	s8 =	sadd.s32 $0xFFFFE003, lr  }
0x1b: {  	s9 =	sadd.s32 $0xFFFFFEF7, lr;
	s5 =	simm.s32 $0xFFFFFFFF;
	p2 =	slt.u32 s8, $0xFFFFF086  }
0x1c: {  	p1 =	slt.u32 s9, $0xF7A;
	s5 =	simm.s32 @!p2 $0x0  }
0x1d: {  	s5 =	simm.s32 @p1 $0x1;
	p0 =	seq.s32 s7, s2  }
0x1e: {  	s7 =	smul.u32 @!p0 $0xF7A, s2;
	p2 =	seq.s32 @!p0 s5, $0x0  }
0x1f: {  	s9 =	smul.u32 $0xF7A, s1;
	s8 =	simm.s32 @!p0 $0x1BF5;
	p2 =	por !p2, p0  }
0x20: {  	[sflag:s8] =	ssyncset.s32 @!p0 $0xFFFFF086;
	s6 =	sadd.s32 @!p0 s3, s7;
	s7 =	simm.s32 @!p0 $0x108  }
0x21: {  	s3 =	sadd.s32 s3, s9;
	s6 =	sadd.s32 @!p0 $0x88, s6;
	s7 =	simm.s32 @p2 $0x1082  }
0x22: {  	[simem:s7], [sflag:s8] =	dma.local @!p0 [hbm:s6], $0xF7A  }
0x23: {  	s9 =	sor.u32 $0xD0000000, s2;
	s6 =	simm.s32 $0x108;
	_ =	swait.ge @!p0 [sflag:s8], $0x0  }
0x24: {  	s3 =	sadd.s32 $0x88, s3;
	s6 =	simm.s32 @!p1 $0x1082;
	[sflag:s4] =	ssyncset.s32 $0xFFFFF086  }
0x25: {  	[simem:s6], [sflag:s4] =	dma.local [hbm:s3], $0xF7A  }
0x26: {  	[smem:$0x3F91] =	sst s1;
	(tag) =	ssettag s2;
	_ =	strace s9  }
0x27: {  	s1 =	sld [smem:$0x3FA1]  }
0x28: {  	s2 =	sld [smem:$0x3FA2]  }
0x29: {  	s4 =	sld [smem:$0x3FA4]  }
0x2a: {  	p0 =	seq.s32 s5, $0x0;
	s5 =	sld [smem:$0x3FA5]  }
0x2b: {  	s6 =	sld [smem:$0x3FA6]  }
0x2c: {  	s7 =	sld [smem:$0x3FA7]  }
0x2d: {  	s3 =	simm.s32 $0x108;
	s8 =	sld [smem:$0x3FA8]  }
0x2e: {  	s3 =	simm.s32 @!p0 $0x1082;
	s9 =	sld [smem:$0x3FA9]  }
0x2f: {  	lr =	sadd.s32 s0, s3;
	s0 =	sld [smem:$0x3FA0]  }
0x30: {  	s3 =	sld [smem:$0x3FA3]  }
0x31: {  	[smem:$0x3FAC] =	sst s10  }
0x32: {  	s10 =	sld [smem:$0x3FAA];
	_ =	sdelay $0x3  }
0x33: {  	p0 =	seq.s32 s10, $0x1;
	s10 =	sld [smem:$0x3FAC];
	_ =	sdelay $0x3  }
0x34: {  	[smem:$0x3FAC] =	sst s10  }
0x35: {  	s10 =	sld [smem:$0x3FAB];
	_ =	sdelay $0x3  }
0x36: {  	p1 =	seq.s32 s10, $0x1;
	s10 =	sld [smem:$0x3FAC];
	_ =	sdelay $0x3  }
0x37: {  	[smem:$0x3FAC] =	sst s10  }
0x38: {  	s10 =	sld [smem:$0x3FAD]  }
0x39: {  	_ = 	snop;
	(pc) =	sbr.ind lr, $3  }
0x3a: {  	_ = 	snop  }
0x3b: {  	_ = 	snop  }
0x3c: {  	p2 =	seq.s32 s10, $0x1;
	s10 =	sld [smem:$0x3FAC]  }
0x3d: {  	_ =	shalt  }
0x3e: {  	_ =	shalt  }
0x3f: {  	_ =	shalt  }
0x40: {  	_ =	shalt  }
0x41: {  	_ =	shalt  }
0x42: {  	_ =	shalt  }
0x43: {  	_ =	shalt  }
0x44: {  	_ =	shalt  }
0x45: {  	_ =	shalt  }
0x46: {  	_ =	shalt  }
0x47: {  	_ =	shalt  }
0x48: {  	_ =	shalt  }
0x49: {  	_ =	shalt  }
0x4a: {  	_ =	shalt  }
0x4b: {  	_ =	shalt  }
0x4c: {  	_ =	shalt  }
0x4d: {  	_ =	shalt  }
0x4e: {  	_ =	shalt  }
0x4f: {  	_ =	shalt  }
0x50: {  	_ =	shalt  }
0x51: {  	_ =	shalt  }
0x52: {  	_ =	shalt  }
0x53: {  	_ =	shalt  }
0x54: {  	_ =	shalt  }
0x55: {  	_ =	shalt  }
0x56: {  	_ =	shalt  }
0x57: {  	_ =	shalt  }
0x58: {  	_ =	shalt  }
0x59: {  	_ =	shalt  }
0x5a: {  	_ =	shalt  }
0x5b: {  	_ =	shalt  }
0x5c: {  	_ =	shalt  }
0x5d: {  	_ =	shalt  }
0x5e: {  	_ =	shalt  }
0x5f: {  	_ =	shalt  }
0x60: {  	_ =	shalt  }
0x61: {  	_ =	shalt  }
0x62: {  	_ =	shalt  }
0x63: {  	_ =	shalt  }
0x64: {  	_ =	shalt  }
0x65: {  	_ =	shalt  }
0x66: {  	_ =	shalt  }
0x67: {  	_ =	shalt  }
0x68: {  	_ =	shalt  }
0x69: {  	_ =	shalt  }
0x6a: {  	_ =	shalt  }
0x6b: {  	_ =	shalt  }
0x6c: {  	_ =	shalt  }
0x6d: {  	_ =	shalt  }
0x6e: {  	_ =	shalt  }
0x6f: {  	_ =	shalt  }
0x70: {  	_ =	shalt  }
0x71: {  	_ =	shalt  }
0x72: {  	_ =	shalt  }
0x73: {  	_ =	shalt  }
0x74: {  	_ =	shalt  }
0x75: {  	_ =	shalt  }
0x76: {  	_ =	shalt  }
0x77: {  	_ =	shalt  }
0x78: {  	_ =	shalt  }
0x79: {  	_ =	shalt  }
0x7a: {  	_ =	shalt  }
0x7b: {  	_ =	shalt  }
0x7c: {  	_ =	shalt  }
0x7d: {  	_ =	shalt  }
0x7e: {  	_ =	shalt  }
0x7f: {  	_ =	shalt  }
0x80: {  	_ =	shalt  }
0x81: {  	_ =	shalt  }
0x82: {  	_ =	shalt  }
0x83: {  	_ =	shalt  }
0x84: {  	_ =	shalt  }
0x85: {  	_ =	shalt  }
0x86: {  	_ =	shalt  }
0x87: {  	_ =	shalt  }
.Lfunc_end0:
.L_simem_size_0:
called_computation.2_lowered:
.L_overlay_start_0:
0x88: {  	s2 =	sld [smem:$0x3FD9]  }
0x89: {  	s3 =	sld [smem:$0x3FFE];
	_ =	sdelay $0x1  }
0x8a: {  	s1 =	srdreg.scid  }
0x8b: {  	s0 =	sand.u32 $0x1, s1  }
0x8c: {  	s14 =	sshll.u32 s0, $0xA;
	s2 =	sadd.s32 s3, s2  }
0x8d: {  	s2 =	sadd.s32 s2, s14  }
0x8e: {  	[smem:$0x3FB8] =	sst s2  }
0x8f: {  	_ = 	snop  }
0x90: {  	s2 =	sld [smem:$0x3FD0];
	_ =	sdelay $0x2  }
0x91: {  	s15 =	simm.s32 $0xA;
	s4 =	simm.s32 $0x10  }
0x92: {  	[smem:s4], [sflag:s15] =	dma.local [hbm:s2], $0x1  }
0x93: {  	_ =	swait.eq [sflag:s15], $0x1  }
0x94: {  	[sflag:s15] =	ssyncset.done $0x0  }
0x95: {  	[sflag:s15] =	ssyncadd.s32 $0xFFFFFFFF  }
0x96: {  	s16 =	sld [smem:$0x11];
	(tm) =	ssettm $0x1  }
0x97: {  	s17 =	sld [smem:$0x3FFB];
	_ =	sdelay $0x3  }
0x98: {  	_ =	strace s17  }
0x99: {  	s3 =	sld [smem:$0x3FFC];
	_ =	sdelay $0x3  }
0x9a: {  	_ =	strace s3  }
0x9b: {  	s3 =	sld [smem:$0x3FFD];
	_ =	sdelay $0x3  }
0x9c: {  	_ =	strace s3  }
0x9d: {  	_ =	strace $0x8FFFFFFF  }
0x9e: {  	s18 =	sld [smem:$0x3FDB];
	_ =	sdelay $0x1  }
0x9f: {  	s19 =	simm.s32 $_scs_section_size  }
0xa0: {  	s5 =	simm.s32 $_size__tile_overlayer_lowered;
	s6 =	simm.s32 $_tile_overlayer_lowered  }
0xa1: {  	s22 =	simm.s32 $0x1BFF;
	s21 =	sshll.u32 s6, $0x1;
	s3 =	sadd.s32 s19, s18  }
0xa2: {  	s7 =	simm.s32 $0x0;
	s20 =	sshll.u32 s5, $0x1;
	s5 =	sadd.s32 s21, s3  }
0xa3: {  	[timem:s7], [sflag:s22] =	dma.local [hbm:s5], s20  }
0xa4: {  	_ =	swait.ge [sflag:s22], s20  }
0xa5: {  	s4 =	ssub.s32 $0x0, s20;
	[sflag:s22] =	ssyncset.done $0x0  }
0xa6: {  	[sflag:s22] =	ssyncadd.s32 s4;
	_ =	sdelay $0x1  }
0xa7: {  	s23 =	simm.s32 $0x1B8B  }
0xa8: {  	_ =	swait.ge [sflag:s23], $0x1  }
0xa9: {  	[sflag:s23] =	ssyncset.done $0x0  }
0xaa: {  	s25 =	simm.s32 $0x1B8E;
	s24 =	sld [smem:$0x3FFE];
	[sflag:s23] =	ssyncadd.s32 $0xFFFFFFFF  }
0xab: {  	s26 =	simm.s32 $execute0_lowered;
	[smem:$0x3FD2] =	sst s25  }
0xac: {  	s5 =	sshll.u32 s26, $0x1;
	_ =	strace $0x8000004C;
	[dreg:$0x1] =	wrdreg $0xFFFFFFFF  }
0xad: {  	s28 =	simm.s32 $_size_execute0_lowered;
	s3 =	sadd.s32 s3, s5;
	[dreg:$0x0] =	wrdreg $0x0  }
0xae: {  	s5 =	sshll.u32 s28, $0x1;
	[dreg:$0x2] =	wrdreg s3  }
0xaf: {  	[dreg:$0x3] =	wrdreg s5  }
0xb0: {  	[dreg:$0x4] =	wrdreg $0xC0  }
0xb1: {  	_ =	task [dreg:s7], $0x5FFFF  }
0xb2: {  	[dreg:$0x1] =	wrdreg $0xFFFFFFFF  }
0xb3: {  	[dreg:$0x0] =	wrdreg $0x60  }
0xb4: {  	[dreg:$0x2] =	wrdreg s24  }
0xb5: {  	[dreg:$0x3] =	wrdreg s16  }
0xb6: {  	[dreg:$0x4] =	wrdreg $0x9  }
0xb7: {  	_ =	task.clear_ibuf [dreg:s7], $0x5FFFF;
	_ =	strace $0x9000004C  }
0xb8: {  	s29 =	simm.s32 $0x9;
	_ =	strace $0x8000004E  }
0xb9: {  	_ =	swait.ge [sflag:s29], $0x1  }
0xba: {  	[sflag:s29] =	ssyncadd.s32 $0xFFFFFFFF  }
0xbb: {  	_ =	strace $0x9000004E  }
0xbc: {  	_ =	sfence  }
0xbd: {  	s30 =	sld [smem:$0x0];
	_ =	sdelay $0x2  }
0xbe: {  	s31 =	sshll.u32 s1, $0xD;
	s1 =	sshrl.u32 s1, $0x2  }
0xbf: {  	s3 =	sand.u32 $0x4000, s31;
	s1 =	sadd.s32 s1, s30  }
0xc0: {  	s0 =	sor.u32 s3, s0;
	s1 =	sshll.u32 s1, $0x11  }
0xc1: {  	s0 =	sor.u32 s1, s0  }
0xc2: {  	s0 =	sadd.s32 $0x8F2B, s0  }
0xc3: {  	[sflag:s0] =	ssyncadd.remote.s32 $0x1  }
0xc4: {  	_ =	sfence.sel $0xFFFF  }
0xc5: {  	[dreg:$0x0] =	wrdreg $0xFFFFFFFF;
	(pc) =	sbr.abs _section_cstart, $3  }
0xc6: {  	[dreg:$0x1] =	wrdreg $0xFFFFFFFF  }
0xc7: {  	_ =	task.clear_ibuf [dreg:s7], $0x2FFFF;
	_ =	strace $0x9FFFFFFF  }
0xc8: {  	(tm) =	ssettm $0x7FFFFFFF  }
0xc9: {  	_ =	shalt  }
tec
execute0_lowered:
.L_overlay_start_1:
0x0: {  	(tag) =	ssettag $0x1  }
0x1: {  	s1 =	srdreg.scid  }
0x2: {  	s10 =	rddreg [dreg:$0x0];
	s0 =	stileid.u32;
	s23 =	sand.u32 $0x1, s1  }
0x3: {  	s3 =	rddreg [dreg:$0x1];
	s4 =	sshll.u32 s0, $0xB;
	s5 =	sshll.u32 s23, $0xA  }
0x4: {  	s2 =	simm.s32 $0x0;
	s1 =	rddreg [dreg:$0x2];
	s11 =	sor.u32 s5, s4  }
0x5: {  	[smem:$0x7FF] =	sst s2;
	s4 =	sshrl.u32 s11, $0x3  }
0x6: {  	_ =	strace $0x8000004D;
	s3 =	sadd.s32 s3, s4;
	s4 =	simm.s32 $0x4  }
0x7: {  	[tilespmem:s2], [sflag:$0x4] =	stream.linear.gather [hbm4b:s3+s2], $0x400, $0x38;
	[tilespmem:$0x10400] =	vst v63  }
0x8: {  	_ =	swait.ge [sflag:s4], $0x400  }
0x9: {  	s6 =	simm.s32 $0x80;
	[sflag:s4] =	ssyncset.done $0x0  }
0xa: {  	s7 =	simm.s32 $0x400;
	s5 =	sadd.s32 $0x13600, s10;
	[sflag:s4] =	ssyncadd.s32 $0xFFFFFC00  }
0xb: {  	[tilespmem:s7], [sflag:$0x1] =	stream.indirect.gather [hbm4b:s5+s6], $0x80, s2, s6, $0xb8;
	[tilespmem:$0x10400] =	vst v63  }
0xc: {  	s8 =	simm.s32 $0x4400;
	s9 =	simm.s32 $0x1  }
0xd: {  	[tilespmem:s8], [sflag:$0x1] =	stream.indirect.gather [hbm4b:s5+s6], $0x80, s6, s6, $0xb8;
	[tilespmem:$0x10400] =	vst v63  }
0xe: {  	_ =	swait.ge [sflag:s9], $0x4000  }
0xf: {  	[sflag:s9] =	ssyncset.done $0x0  }
0x10: {  	[sflag:s9] =	ssyncadd.s32 $0xFFFFC000  }
0x11: {  	s11 =	sshll.u32 s11, $0x4;
	_ =	swait.ge [sflag:s9], $0x4000  }
0x12: {  	s24 =	sadd.s32 s11, s10;
	[sflag:s9] =	ssyncset.done $0x0  }
0x13: {  	s10 =	sadd.s32 $0x413600, s24;
	[sflag:s9] =	ssyncadd.s32 $0xFFFFC000  }
0x14: {  	[hbm4b:s10+s2] =	stream.linear.scatter [tilespmem:s7], [sflag:$0x2], $0x8000, $0x38;
	[tilespmem:$0x10400] =	vst v63  }
0x15: {  	s12 =	simm.s32 $0x8400;
	s11 =	simm.s32 $0x100  }
0x16: {  	[tilespmem:s12], [sflag:$0x1] =	stream.indirect.gather [hbm4b:s5+s6], $0x80, s11, s6, $0xb8;
	[tilespmem:$0x10400] =	vst v63  }
0x17: {  	s13 =	simm.s32 $0x180;
	s14 =	simm.s32 $0xC400  }
0x18: {  	[tilespmem:s14], [sflag:$0x1] =	stream.indirect.gather [hbm4b:s5+s6], $0x80, s13, s6, $0xb8;
	[tilespmem:$0x10400] =	vst v63  }
0x19: {  	_ =	swait.ge [sflag:s9], $0x4000  }
0x1a: {  	[sflag:s9] =	ssyncset.done $0x0  }
0x1b: {  	[sflag:s9] =	ssyncadd.s32 $0xFFFFC000  }
0x1c: {  	_ =	swait.ge [sflag:s9], $0x4000  }
0x1d: {  	[sflag:s9] =	ssyncset.done $0x0  }
0x1e: {  	s16 =	simm.s32 $0x2;
	s15 =	sadd.s32 $0x414600, s24;
	[sflag:s9] =	ssyncadd.s32 $0xFFFFC000  }
0x1f: {  	[hbm4b:s15+s2] =	stream.linear.scatter [tilespmem:s12], [sflag:$0x3], $0x8000, $0x38;
	[tilespmem:$0x10400] =	vst v63  }
0x20: {  	_ =	swait.ge [sflag:s16], $0x8000  }
0x21: {  	[sflag:s16] =	ssyncset.done $0x0  }
0x22: {  	s17 =	simm.s32 $0x200;
	[sflag:s16] =	ssyncadd.s32 $0xFFFF8000  }
0x23: {  	[tilespmem:s7], [sflag:$0x1] =	stream.indirect.gather [hbm4b:s5+s6], $0x80, s17, s6, $0xb8;
	[tilespmem:$0x10400] =	vst v63  }
0x24: {  	s18 =	simm.s32 $0x280  }
0x25: {  	[tilespmem:s8], [sflag:$0x1] =	stream.indirect.gather [hbm4b:s5+s6], $0x80, s18, s6, $0xb8;
	[tilespmem:$0x10400] =	vst v63  }
0x26: {  	_ =	swait.ge [sflag:s9], $0x4000  }
0x27: {  	[sflag:s9] =	ssyncset.done $0x0  }
0x28: {  	[sflag:s9] =	ssyncadd.s32 $0xFFFFC000  }
0x29: {  	_ =	swait.ge [sflag:s9], $0x4000  }
0x2a: {  	[sflag:s9] =	ssyncset.done $0x0  }
0x2b: {  	s19 =	simm.s32 $0x3;
	s20 =	sadd.s32 $0x415600, s24;
	[sflag:s9] =	ssyncadd.s32 $0xFFFFC000  }
0x2c: {  	[hbm4b:s20+s2] =	stream.linear.scatter [tilespmem:s7], [sflag:$0x2], $0x8000, $0x38;
	[tilespmem:$0x10400] =	vst v63  }
0x2d: {  	_ =	swait.ge [sflag:s19], $0x8000  }
0x2e: {  	[sflag:s19] =	ssyncset.done $0x0  }
0x2f: {  	s21 =	simm.s32 $0x300;
	[sflag:s19] =	ssyncadd.s32 $0xFFFF8000  }
0x30: {  	[tilespmem:s12], [sflag:$0x1] =	stream.indirect.gather [hbm4b:s5+s6], $0x80, s21, s6, $0xb8;
	[tilespmem:$0x10400] =	vst v63  }
0x31: {  	s22 =	simm.s32 $0x380  }
0x32: {  	[tilespmem:s14], [sflag:$0x1] =	stream.indirect.gather [hbm4b:s5+s6], $0x80, s22, s6, $0xb8;
	[tilespmem:$0x10400] =	vst v63  }
0x33: {  	_ =	swait.ge [sflag:s9], $0x4000  }
0x34: {  	s25 =	ssub.s32 $0x2, s23;
	[sflag:s9] =	ssyncset.done $0x0  }
0x35: {  	s31 =	sshrl.u32 s25, $0x1;
	[sflag:s9] =	ssyncadd.s32 $0xFFFFC000  }
0x36: {  	s23 =	sadd.s32 $0x416600, s24;
	s24 =	ssub.s32 s25, s31;
	_ =	swait.ge [sflag:s9], $0x4000  }
0x37: {  	s24 =	smax.u32 s24, $0x1;
	[sflag:s9] =	ssyncset.done $0x0  }
0x38: {  	p0 =	sne.s32 s24, $0x1;
	[sflag:s9] =	ssyncadd.s32 $0xFFFFC000  }
0x39: {  	[hbm4b:s23+s2] =	stream.linear.scatter [tilespmem:s12], [sflag:$0x3], $0x8000, $0x38;
	[tilespmem:$0x10400] =	vst v63  }
.Ltmp0:
0x3a: {  	_ =	swait.ge [sflag:s16], $0x8000;
	(pc) =	sbr.rel @!p0 .LBB2_2-.Ltmp0, $4  }
0x3b: {  	[sflag:s16] =	ssyncset.done $0x0  }
0x3c: {  	[sflag:s16] =	ssyncadd.s32 $0xFFFF8000  }
0x3d: {  	_ =	swait.ge [sflag:s19], $0x8000  }
0x3e: {  	s24 =	sadd.s32 $0xFFFFFFFF, s24;
	[sflag:s19] =	ssyncset.done $0x0  }
.LBB2_1:
0x3f: {  	p0 =	sne.s32 s24, $0x1;
	s24 =	sadd.s32 $0xFFFFFFFF, s24;
	[sflag:s19] =	ssyncadd.s32 $0xFFFF8000  }
0x40: {  	[tilespmem:s2], [sflag:$0x4] =	stream.linear.gather [hbm4b:s3+s2], $0x400, $0x38;
	[tilespmem:$0x10400] =	vst v63  }
0x41: {  	_ =	swait.ge [sflag:s4], $0x400  }
0x42: {  	[sflag:s4] =	ssyncset.done $0x0  }
0x43: {  	[sflag:s4] =	ssyncadd.s32 $0xFFFFFC00  }
0x44: {  	[tilespmem:s7], [sflag:$0x1] =	stream.indirect.gather [hbm4b:s5+s6], $0x80, s2, s6, $0xb8;
	[tilespmem:$0x10400] =	vst v63  }
0x45: {  	_ = 	snop  }
0x46: {  	[tilespmem:s8], [sflag:$0x1] =	stream.indirect.gather [hbm4b:s5+s6], $0x80, s6, s6, $0xb8;
	[tilespmem:$0x10400] =	vst v63  }
0x47: {  	_ =	swait.ge [sflag:s9], $0x4000  }
0x48: {  	[sflag:s9] =	ssyncset.done $0x0  }
0x49: {  	[sflag:s9] =	ssyncadd.s32 $0xFFFFC000  }
0x4a: {  	_ =	swait.ge [sflag:s9], $0x4000  }
0x4b: {  	[sflag:s9] =	ssyncset.done $0x0  }
0x4c: {  	[sflag:s9] =	ssyncadd.s32 $0xFFFFC000  }
0x4d: {  	[hbm4b:s10+s2] =	stream.linear.scatter [tilespmem:s7], [sflag:$0x2], $0x8000, $0x38;
	[tilespmem:$0x10400] =	vst v63  }
0x4e: {  	_ = 	snop  }
0x4f: {  	[tilespmem:s12], [sflag:$0x1] =	stream.indirect.gather [hbm4b:s5+s6], $0x80, s11, s6, $0xb8;
	[tilespmem:$0x10400] =	vst v63  }
0x50: {  	_ = 	snop  }
0x51: {  	[tilespmem:s14], [sflag:$0x1] =	stream.indirect.gather [hbm4b:s5+s6], $0x80, s13, s6, $0xb8;
	[tilespmem:$0x10400] =	vst v63  }
0x52: {  	_ =	swait.ge [sflag:s9], $0x4000  }
0x53: {  	[sflag:s9] =	ssyncset.done $0x0  }
0x54: {  	[sflag:s9] =	ssyncadd.s32 $0xFFFFC000  }
0x55: {  	_ =	swait.ge [sflag:s9], $0x4000  }
0x56: {  	[sflag:s9] =	ssyncset.done $0x0  }
0x57: {  	[sflag:s9] =	ssyncadd.s32 $0xFFFFC000  }
0x58: {  	[hbm4b:s15+s2] =	stream.linear.scatter [tilespmem:s12], [sflag:$0x3], $0x8000, $0x38;
	[tilespmem:$0x10400] =	vst v63  }
0x59: {  	_ =	swait.ge [sflag:s16], $0x8000  }
0x5a: {  	[sflag:s16] =	ssyncset.done $0x0  }
0x5b: {  	[sflag:s16] =	ssyncadd.s32 $0xFFFF8000  }
0x5c: {  	[tilespmem:s7], [sflag:$0x1] =	stream.indirect.gather [hbm4b:s5+s6], $0x80, s17, s6, $0xb8;
	[tilespmem:$0x10400] =	vst v63  }
0x5d: {  	_ = 	snop  }
0x5e: {  	[tilespmem:s8], [sflag:$0x1] =	stream.indirect.gather [hbm4b:s5+s6], $0x80, s18, s6, $0xb8;
	[tilespmem:$0x10400] =	vst v63  }
0x5f: {  	_ =	swait.ge [sflag:s9], $0x4000  }
0x60: {  	[sflag:s9] =	ssyncset.done $0x0  }
0x61: {  	[sflag:s9] =	ssyncadd.s32 $0xFFFFC000  }
0x62: {  	_ =	swait.ge [sflag:s9], $0x4000  }
0x63: {  	[sflag:s9] =	ssyncset.done $0x0  }
0x64: {  	[sflag:s9] =	ssyncadd.s32 $0xFFFFC000  }
0x65: {  	[hbm4b:s20+s2] =	stream.linear.scatter [tilespmem:s7], [sflag:$0x2], $0x8000, $0x38;
	[tilespmem:$0x10400] =	vst v63  }
0x66: {  	_ =	swait.ge [sflag:s19], $0x8000  }
0x67: {  	[sflag:s19] =	ssyncset.done $0x0  }
0x68: {  	[sflag:s19] =	ssyncadd.s32 $0xFFFF8000  }
0x69: {  	[tilespmem:s12], [sflag:$0x1] =	stream.indirect.gather [hbm4b:s5+s6], $0x80, s21, s6, $0xb8;
	[tilespmem:$0x10400] =	vst v63  }
0x6a: {  	_ = 	snop  }
0x6b: {  	[tilespmem:s14], [sflag:$0x1] =	stream.indirect.gather [hbm4b:s5+s6], $0x80, s22, s6, $0xb8;
	[tilespmem:$0x10400] =	vst v63  }
0x6c: {  	_ =	swait.ge [sflag:s9], $0x4000  }
0x6d: {  	[sflag:s9] =	ssyncset.done $0x0  }
0x6e: {  	[sflag:s9] =	ssyncadd.s32 $0xFFFFC000  }
0x6f: {  	_ =	swait.ge [sflag:s9], $0x4000  }
0x70: {  	[sflag:s9] =	ssyncset.done $0x0  }
0x71: {  	[sflag:s9] =	ssyncadd.s32 $0xFFFFC000  }
0x72: {  	[hbm4b:s23+s2] =	stream.linear.scatter [tilespmem:s12], [sflag:$0x3], $0x8000, $0x38;
	[tilespmem:$0x10400] =	vst v63  }
.Ltmp1:
0x73: {  	_ =	swait.ge [sflag:s16], $0x8000;
	(pc) =	sbr.rel @p0 .LBB2_1-.Ltmp1, $4  }
0x74: {  	[sflag:s16] =	ssyncset.done $0x0  }
0x75: {  	[sflag:s16] =	ssyncadd.s32 $0xFFFF8000  }
0x76: {  	_ =	swait.ge [sflag:s19], $0x8000  }
0x77: {  	[sflag:s19] =	ssyncset.done $0x0  }
.LBB2_2:
0x78: {  	[sflag:s19] =	ssyncadd.s32 $0xFFFF8000  }
0x79: {  	_ =	sfence.sel $0x180000  }
0x7a: {  	[bflag:$0x0] =	sbarrier.arrive $0xFFFF  }
0x7b: {  	p0 =	sne.s32 s0, $0x0;
	_ =	strace $0x9000004D  }
0x7c: {  	s0 =	sadd.s32 @!p0 $0x100000, s1;
	[bflag:$0x2] =	sbarrier.arrive $0xFFFF  }
0x7d: {  	[sflag:s0] =	ssyncadd.tile.s32 @!p0 $0x1;
	_ =	shalt  }
.Lfunc_end2:
_tile_overlayer_lowered:
.L_overlay_start_2:
0x7e: {  	(tag) =	ssettag $0x2  }
0x7f: {  	s0 =	rddreg [dreg:$0x0];
	s2 =	stileid.u32  }
0x80: {  	s1 =	rddreg [dreg:$0x1];
	p0 =	sne.s32 s2, $0x0  }
0x81: {  	s3 =	rddreg [dreg:$0x2];
	[bflag:$0x3] =	sbarrier.arrive $0xFFFF;
	s2 =	simm.s32 @!p0 $0x1C04  }
0x82: {  	[timem:s3], [sflag:s2] =	dma.local @!p0 [hbm:s0], s1  }
0x83: {  	s0 =	simm.s32 @!p0 $0x4  }
0x84: {  	_ =	swait.ge @!p0 [sflag:s0], s1  }
0x85: {  	s1 =	ssub.s32 @!p0 $0x0, s1;
	[sflag:s0] =	ssyncset.done @!p0 $0x0  }
0x86: {  	[sflag:s0] =	ssyncadd.s32 @!p0 s1  }
0x87: {  	[bflag:$0x3] =	sbarrier.arrive $0xFFFF  }
0x88: {  	_ =	shalt  }

// kernel: kernel.24.cloned.1.call-start
scs
__scs_entry_jumppad:
0x0: {  	(pc) =	sbr.rel $0x88, $3  }
0x1: {  	(tag) =	ssettag $0x0;
	lr =	simm.s32 $0x1  }
0x2: {  	[smem:$0x3F91] =	sst lr;
	_ =	strace $0xD0000000  }
0x3: {  	_ = 	snop  }
0x4: {  	_ = 	snop  }
0x5: {  	_ = 	snop  }
0x6: {  	_ = 	snop  }
0x7: {  	_ = 	snop  }
__scs_overlays_trampoline_lowered:
0x8: {  	[smem:$0x3FA0] =	sst s0  }
0x9: {  	[smem:$0x3FA1] =	sst s1  }
0xa: {  	[smem:$0x3FA2] =	sst s2  }
0xb: {  	[smem:$0x3FA3] =	sst s3  }
0xc: {  	[smem:$0x3FA4] =	sst s4  }
0xd: {  	[smem:$0x3FA5] =	sst s5  }
0xe: {  	[smem:$0x3FA6] =	sst s6  }
0xf: {  	[smem:$0x3FA7] =	sst s7  }
0x10: {  	[smem:$0x3FA8] =	sst s8  }
0x11: {  	[smem:$0x3FA9] =	sst s9;
	s0 =	simm.s32 @!p0 $0x0  }
0x12: {  	s1 =	sld [smem:$0x3F8F];
	s0 =	simm.s32 @p0 $0x1  }
0x13: {  	[smem:$0x3FAA] =	sst s0;
	s0 =	simm.s32 @!p1 $0x0  }
0x14: {  	s2 =	sld [smem:$0x3F8E];
	s0 =	simm.s32 @p1 $0x1  }
0x15: {  	[smem:$0x3FAB] =	sst s0;
	s0 =	simm.s32 @!p2 $0x0  }
0x16: {  	s3 =	sld [smem:$0x3FDB];
	s0 =	simm.s32 @p2 $0x1  }
0x17: {  	s4 =	simm.s32 $0x1BF5;
	[smem:$0x3FAD] =	sst s0  }
0x18: {  	s0 =	sld [smem:$0x3F90];
	_ =	swait.ge [sflag:s4], $0x0  }
0x19: {  	s7 =	sld [smem:$0x3F91]  }
0x1a: {  	s8 =	sadd.s32 $0xFFFFE003, lr  }
0x1b: {  	s9 =	sadd.s32 $0xFFFFFEF7, lr;
	s5 =	simm.s32 $0xFFFFFFFF;
	p2 =	slt.u32 s8, $0xFFFFF086  }
0x1c: {  	p1 =	slt.u32 s9, $0xF7A;
	s5 =	simm.s32 @!p2 $0x0  }
0x1d: {  	s5 =	simm.s32 @p1 $0x1;
	p0 =	seq.s32 s7, s2  }
0x1e: {  	s7 =	smul.u32 @!p0 $0xF7A, s2;
	p2 =	seq.s32 @!p0 s5, $0x0  }
0x1f: {  	s9 =	smul.u32 $0xF7A, s1;
	s8 =	simm.s32 @!p0 $0x1BF5;
	p2 =	por !p2, p0  }
0x20: {  	[sflag:s8] =	ssyncset.s32 @!p0 $0xFFFFF086;
	s6 =	sadd.s32 @!p0 s3, s7;
	s7 =	simm.s32 @!p0 $0x108  }
0x21: {  	s3 =	sadd.s32 s3, s9;
	s6 =	sadd.s32 @!p0 $0x88, s6;
	s7 =	simm.s32 @p2 $0x1082  }
0x22: {  	[simem:s7], [sflag:s8] =	dma.local @!p0 [hbm:s6], $0xF7A  }
0x23: {  	s9 =	sor.u32 $0xD0000000, s2;
	s6 =	simm.s32 $0x108;
	_ =	swait.ge @!p0 [sflag:s8], $0x0  }
0x24: {  	s3 =	sadd.s32 $0x88, s3;
	s6 =	simm.s32 @!p1 $0x1082;
	[sflag:s4] =	ssyncset.s32 $0xFFFFF086  }
0x25: {  	[simem:s6], [sflag:s4] =	dma.local [hbm:s3], $0xF7A  }
0x26: {  	[smem:$0x3F91] =	sst s1;
	(tag) =	ssettag s2;
	_ =	strace s9  }
0x27: {  	s1 =	sld [smem:$0x3FA1]  }
0x28: {  	s2 =	sld [smem:$0x3FA2]  }
0x29: {  	s4 =	sld [smem:$0x3FA4]  }
0x2a: {  	p0 =	seq.s32 s5, $0x0;
	s5 =	sld [smem:$0x3FA5]  }
0x2b: {  	s6 =	sld [smem:$0x3FA6]  }
0x2c: {  	s7 =	sld [smem:$0x3FA7]  }
0x2d: {  	s3 =	simm.s32 $0x108;
	s8 =	sld [smem:$0x3FA8]  }
0x2e: {  	s3 =	simm.s32 @!p0 $0x1082;
	s9 =	sld [smem:$0x3FA9]  }
0x2f: {  	lr =	sadd.s32 s0, s3;
	s0 =	sld [smem:$0x3FA0]  }
0x30: {  	s3 =	sld [smem:$0x3FA3]  }
0x31: {  	[smem:$0x3FAC] =	sst s10  }
0x32: {  	s10 =	sld [smem:$0x3FAA];
	_ =	sdelay $0x3  }
0x33: {  	p0 =	seq.s32 s10, $0x1;
	s10 =	sld [smem:$0x3FAC];
	_ =	sdelay $0x3  }
0x34: {  	[smem:$0x3FAC] =	sst s10  }
0x35: {  	s10 =	sld [smem:$0x3FAB];
	_ =	sdelay $0x3  }
0x36: {  	p1 =	seq.s32 s10, $0x1;
	s10 =	sld [smem:$0x3FAC];
	_ =	sdelay $0x3  }
0x37: {  	[smem:$0x3FAC] =	sst s10  }
0x38: {  	s10 =	sld [smem:$0x3FAD]  }
0x39: {  	_ = 	snop;
	(pc) =	sbr.ind lr, $3  }
0x3a: {  	_ = 	snop  }
0x3b: {  	_ = 	snop  }
0x3c: {  	p2 =	seq.s32 s10, $0x1;
	s10 =	sld [smem:$0x3FAC]  }
0x3d: {  	_ =	shalt  }
0x3e: {  	_ =	shalt  }
0x3f: {  	_ =	shalt  }
0x40: {  	_ =	shalt  }
0x41: {  	_ =	shalt  }
0x42: {  	_ =	shalt  }
0x43: {  	_ =	shalt  }
0x44: {  	_ =	shalt  }
0x45: {  	_ =	shalt  }
0x46: {  	_ =	shalt  }
0x47: {  	_ =	shalt  }
0x48: {  	_ =	shalt  }
0x49: {  	_ =	shalt  }
0x4a: {  	_ =	shalt  }
0x4b: {  	_ =	shalt  }
0x4c: {  	_ =	shalt  }
0x4d: {  	_ =	shalt  }
0x4e: {  	_ =	shalt  }
0x4f: {  	_ =	shalt  }
0x50: {  	_ =	shalt  }
0x51: {  	_ =	shalt  }
0x52: {  	_ =	shalt  }
0x53: {  	_ =	shalt  }
0x54: {  	_ =	shalt  }
0x55: {  	_ =	shalt  }
0x56: {  	_ =	shalt  }
0x57: {  	_ =	shalt  }
0x58: {  	_ =	shalt  }
0x59: {  	_ =	shalt  }
0x5a: {  	_ =	shalt  }
0x5b: {  	_ =	shalt  }
0x5c: {  	_ =	shalt  }
0x5d: {  	_ =	shalt  }
0x5e: {  	_ =	shalt  }
0x5f: {  	_ =	shalt  }
0x60: {  	_ =	shalt  }
0x61: {  	_ =	shalt  }
0x62: {  	_ =	shalt  }
0x63: {  	_ =	shalt  }
0x64: {  	_ =	shalt  }
0x65: {  	_ =	shalt  }
0x66: {  	_ =	shalt  }
0x67: {  	_ =	shalt  }
0x68: {  	_ =	shalt  }
0x69: {  	_ =	shalt  }
0x6a: {  	_ =	shalt  }
0x6b: {  	_ =	shalt  }
0x6c: {  	_ =	shalt  }
0x6d: {  	_ =	shalt  }
0x6e: {  	_ =	shalt  }
0x6f: {  	_ =	shalt  }
0x70: {  	_ =	shalt  }
0x71: {  	_ =	shalt  }
0x72: {  	_ =	shalt  }
0x73: {  	_ =	shalt  }
0x74: {  	_ =	shalt  }
0x75: {  	_ =	shalt  }
0x76: {  	_ =	shalt  }
0x77: {  	_ =	shalt  }
0x78: {  	_ =	shalt  }
0x79: {  	_ =	shalt  }
0x7a: {  	_ =	shalt  }
0x7b: {  	_ =	shalt  }
0x7c: {  	_ =	shalt  }
0x7d: {  	_ =	shalt  }
0x7e: {  	_ =	shalt  }
0x7f: {  	_ =	shalt  }
0x80: {  	_ =	shalt  }
0x81: {  	_ =	shalt  }
0x82: {  	_ =	shalt  }
0x83: {  	_ =	shalt  }
0x84: {  	_ =	shalt  }
0x85: {  	_ =	shalt  }
0x86: {  	_ =	shalt  }
0x87: {  	_ =	shalt  }
.Lfunc_end0:
.L_simem_size_0:
called_computation.3_lowered:
.L_overlay_start_0:
0x88: {  	s2 =	sld [smem:$0x3FD9]  }
0x89: {  	s3 =	sld [smem:$0x3FFE];
	_ =	sdelay $0x1  }
0x8a: {  	s1 =	srdreg.scid  }
0x8b: {  	s0 =	sand.u32 $0x1, s1  }
0x8c: {  	s14 =	sshll.u32 s0, $0xA;
	s2 =	sadd.s32 s3, s2  }
0x8d: {  	s2 =	sadd.s32 s2, s14  }
0x8e: {  	[smem:$0x3FB8] =	sst s2  }
0x8f: {  	_ = 	snop  }
0x90: {  	s2 =	sld [smem:$0x3FD0];
	_ =	sdelay $0x2  }
0x91: {  	s15 =	simm.s32 $0xA;
	s4 =	simm.s32 $0x10  }
0x92: {  	[smem:s4], [sflag:s15] =	dma.local [hbm:s2], $0x1  }
0x93: {  	_ =	swait.eq [sflag:s15], $0x1  }
0x94: {  	[sflag:s15] =	ssyncset.done $0x0  }
0x95: {  	[sflag:s15] =	ssyncadd.s32 $0xFFFFFFFF  }
0x96: {  	s16 =	sld [smem:$0x11];
	(tm) =	ssettm $0x1  }
0x97: {  	s17 =	sld [smem:$0x3FFB];
	_ =	sdelay $0x3  }
0x98: {  	_ =	strace s17  }
0x99: {  	s3 =	sld [smem:$0x3FFC];
	_ =	sdelay $0x3  }
0x9a: {  	_ =	strace s3  }
0x9b: {  	s3 =	sld [smem:$0x3FFD];
	_ =	sdelay $0x3  }
0x9c: {  	_ =	strace s3  }
0x9d: {  	_ =	strace $0x8FFFFFFF  }
0x9e: {  	s18 =	sld [smem:$0x3FDB];
	_ =	sdelay $0x1  }
0x9f: {  	s19 =	simm.s32 $_scs_section_size  }
0xa0: {  	s5 =	simm.s32 $_size__tile_overlayer_lowered;
	s6 =	simm.s32 $_tile_overlayer_lowered  }
0xa1: {  	s22 =	simm.s32 $0x1BFF;
	s21 =	sshll.u32 s6, $0x1;
	s3 =	sadd.s32 s19, s18  }
0xa2: {  	s7 =	simm.s32 $0x0;
	s20 =	sshll.u32 s5, $0x1;
	s5 =	sadd.s32 s21, s3  }
0xa3: {  	[timem:s7], [sflag:s22] =	dma.local [hbm:s5], s20  }
0xa4: {  	_ =	swait.ge [sflag:s22], s20  }
0xa5: {  	s4 =	ssub.s32 $0x0, s20;
	[sflag:s22] =	ssyncset.done $0x0  }
0xa6: {  	[sflag:s22] =	ssyncadd.s32 s4;
	_ =	sdelay $0x1  }
0xa7: {  	s23 =	simm.s32 $0x1B8B  }
0xa8: {  	_ =	swait.ge [sflag:s23], $0x1  }
0xa9: {  	[sflag:s23] =	ssyncset.done $0x0  }
0xaa: {  	s25 =	simm.s32 $0x1B8E;
	s24 =	sld [smem:$0x3FFE];
	[sflag:s23] =	ssyncadd.s32 $0xFFFFFFFF  }
0xab: {  	s26 =	simm.s32 $execute0_lowered;
	[smem:$0x3FD2] =	sst s25  }
0xac: {  	s5 =	sshll.u32 s26, $0x1;
	_ =	strace $0x8000004F;
	[dreg:$0x1] =	wrdreg $0xFFFFFFFF  }
0xad: {  	s28 =	simm.s32 $_size_execute0_lowered;
	s3 =	sadd.s32 s3, s5;
	[dreg:$0x0] =	wrdreg $0x0  }
0xae: {  	s5 =	sshll.u32 s28, $0x1;
	[dreg:$0x2] =	wrdreg s3  }
0xaf: {  	[dreg:$0x3] =	wrdreg s5  }
0xb0: {  	[dreg:$0x4] =	wrdreg $0xC0  }
0xb1: {  	_ =	task [dreg:s7], $0x5FFFF  }
0xb2: {  	[dreg:$0x1] =	wrdreg $0xFFFFFFFF  }
0xb3: {  	[dreg:$0x0] =	wrdreg $0x60  }
0xb4: {  	[dreg:$0x2] =	wrdreg s24  }
0xb5: {  	[dreg:$0x3] =	wrdreg s16  }
0xb6: {  	[dreg:$0x4] =	wrdreg $0x9  }
0xb7: {  	_ =	task.clear_ibuf [dreg:s7], $0x5FFFF;
	_ =	strace $0x9000004F  }
0xb8: {  	s29 =	simm.s32 $0x9;
	_ =	strace $0x80000051  }
0xb9: {  	_ =	swait.ge [sflag:s29], $0x1  }
0xba: {  	[sflag:s29] =	ssyncadd.s32 $0xFFFFFFFF  }
0xbb: {  	_ =	strace $0x90000051  }
0xbc: {  	_ =	sfence  }
0xbd: {  	s30 =	sld [smem:$0x0];
	_ =	sdelay $0x2  }
0xbe: {  	s31 =	sshll.u32 s1, $0xD;
	s1 =	sshrl.u32 s1, $0x2  }
0xbf: {  	s3 =	sand.u32 $0x4000, s31;
	s1 =	sadd.s32 s1, s30  }
0xc0: {  	s0 =	sor.u32 s3, s0;
	s1 =	sshll.u32 s1, $0x11  }
0xc1: {  	s0 =	sor.u32 s1, s0  }
0xc2: {  	s0 =	sadd.s32 $0x8F2B, s0  }
0xc3: {  	[sflag:s0] =	ssyncadd.remote.s32 $0x1  }
0xc4: {  	_ =	sfence.sel $0xFFFF  }
0xc5: {  	[dreg:$0x0] =	wrdreg $0xFFFFFFFF;
	(pc) =	sbr.abs _section_cstart, $3  }
0xc6: {  	[dreg:$0x1] =	wrdreg $0xFFFFFFFF  }
0xc7: {  	_ =	task.clear_ibuf [dreg:s7], $0x2FFFF;
	_ =	strace $0x9FFFFFFF  }
0xc8: {  	(tm) =	ssettm $0x7FFFFFFF  }
0xc9: {  	_ =	shalt  }
tec
execute0_lowered:
.L_overlay_start_1:
0x0: {  	(tag) =	ssettag $0x1  }
0x1: {  	s1 =	srdreg.scid  }
0x2: {  	s10 =	rddreg [dreg:$0x0];
	s0 =	stileid.u32;
	s23 =	sand.u32 $0x1, s1  }
0x3: {  	s3 =	rddreg [dreg:$0x1];
	s4 =	sshll.u32 s0, $0xB;
	s5 =	sshll.u32 s23, $0xA  }
0x4: {  	s2 =	simm.s32 $0x0;
	s1 =	rddreg [dreg:$0x2];
	s11 =	sor.u32 s5, s4  }
0x5: {  	[smem:$0x7FF] =	sst s2;
	s4 =	sshrl.u32 s11, $0x3  }
0x6: {  	_ =	strace $0x80000050;
	s3 =	sadd.s32 s3, s4;
	s4 =	simm.s32 $0x4  }
0x7: {  	[tilespmem:s2], [sflag:$0x4] =	stream.linear.gather [hbm4b:s3+s2], $0x400, $0x38;
	[tilespmem:$0x10400] =	vst v63  }
0x8: {  	_ =	swait.ge [sflag:s4], $0x400  }
0x9: {  	s6 =	simm.s32 $0x80;
	[sflag:s4] =	ssyncset.done $0x0  }
0xa: {  	s7 =	simm.s32 $0x400;
	s5 =	sadd.s32 $0x13600, s10;
	[sflag:s4] =	ssyncadd.s32 $0xFFFFFC00  }
0xb: {  	[tilespmem:s7], [sflag:$0x1] =	stream.indirect.gather [hbm4b:s5+s6], $0x80, s2, s6, $0xb8;
	[tilespmem:$0x10400] =	vst v63  }
0xc: {  	s8 =	simm.s32 $0x4400;
	s9 =	simm.s32 $0x1  }
0xd: {  	[tilespmem:s8], [sflag:$0x1] =	stream.indirect.gather [hbm4b:s5+s6], $0x80, s6, s6, $0xb8;
	[tilespmem:$0x10400] =	vst v63  }
0xe: {  	_ =	swait.ge [sflag:s9], $0x4000  }
0xf: {  	[sflag:s9] =	ssyncset.done $0x0  }
0x10: {  	[sflag:s9] =	ssyncadd.s32 $0xFFFFC000  }
0x11: {  	s11 =	sshll.u32 s11, $0x4;
	_ =	swait.ge [sflag:s9], $0x4000  }
0x12: {  	s24 =	sadd.s32 s11, s10;
	[sflag:s9] =	ssyncset.done $0x0  }
0x13: {  	s10 =	sadd.s32 $0x413600, s24;
	[sflag:s9] =	ssyncadd.s32 $0xFFFFC000  }
0x14: {  	[hbm4b:s10+s2] =	stream.linear.scatter [tilespmem:s7], [sflag:$0x2], $0x8000, $0x38;
	[tilespmem:$0x10400] =	vst v63  }
0x15: {  	s12 =	simm.s32 $0x8400;
	s11 =	simm.s32 $0x100  }
0x16: {  	[tilespmem:s12], [sflag:$0x1] =	stream.indirect.gather [hbm4b:s5+s6], $0x80, s11, s6, $0xb8;
	[tilespmem:$0x10400] =	vst v63  }
0x17: {  	s13 =	simm.s32 $0x180;
	s14 =	simm.s32 $0xC400  }
0x18: {  	[tilespmem:s14], [sflag:$0x1] =	stream.indirect.gather [hbm4b:s5+s6], $0x80, s13, s6, $0xb8;
	[tilespmem:$0x10400] =	vst v63  }
0x19: {  	_ =	swait.ge [sflag:s9], $0x4000  }
0x1a: {  	[sflag:s9] =	ssyncset.done $0x0  }
0x1b: {  	[sflag:s9] =	ssyncadd.s32 $0xFFFFC000  }
0x1c: {  	_ =	swait.ge [sflag:s9], $0x4000  }
0x1d: {  	[sflag:s9] =	ssyncset.done $0x0  }
0x1e: {  	s16 =	simm.s32 $0x2;
	s15 =	sadd.s32 $0x414600, s24;
	[sflag:s9] =	ssyncadd.s32 $0xFFFFC000  }
0x1f: {  	[hbm4b:s15+s2] =	stream.linear.scatter [tilespmem:s12], [sflag:$0x3], $0x8000, $0x38;
	[tilespmem:$0x10400] =	vst v63  }
0x20: {  	_ =	swait.ge [sflag:s16], $0x8000  }
0x21: {  	[sflag:s16] =	ssyncset.done $0x0  }
0x22: {  	s17 =	simm.s32 $0x200;
	[sflag:s16] =	ssyncadd.s32 $0xFFFF8000  }
0x23: {  	[tilespmem:s7], [sflag:$0x1] =	stream.indirect.gather [hbm4b:s5+s6], $0x80, s17, s6, $0xb8;
	[tilespmem:$0x10400] =	vst v63  }
0x24: {  	s18 =	simm.s32 $0x280  }
0x25: {  	[tilespmem:s8], [sflag:$0x1] =	stream.indirect.gather [hbm4b:s5+s6], $0x80, s18, s6, $0xb8;
	[tilespmem:$0x10400] =	vst v63  }
0x26: {  	_ =	swait.ge [sflag:s9], $0x4000  }
0x27: {  	[sflag:s9] =	ssyncset.done $0x0  }
0x28: {  	[sflag:s9] =	ssyncadd.s32 $0xFFFFC000  }
0x29: {  	_ =	swait.ge [sflag:s9], $0x4000  }
0x2a: {  	[sflag:s9] =	ssyncset.done $0x0  }
0x2b: {  	s19 =	simm.s32 $0x3;
	s20 =	sadd.s32 $0x415600, s24;
	[sflag:s9] =	ssyncadd.s32 $0xFFFFC000  }
0x2c: {  	[hbm4b:s20+s2] =	stream.linear.scatter [tilespmem:s7], [sflag:$0x2], $0x8000, $0x38;
	[tilespmem:$0x10400] =	vst v63  }
0x2d: {  	_ =	swait.ge [sflag:s19], $0x8000  }
0x2e: {  	[sflag:s19] =	ssyncset.done $0x0  }
0x2f: {  	s21 =	simm.s32 $0x300;
	[sflag:s19] =	ssyncadd.s32 $0xFFFF8000  }
0x30: {  	[tilespmem:s12], [sflag:$0x1] =	stream.indirect.gather [hbm4b:s5+s6], $0x80, s21, s6, $0xb8;
	[tilespmem:$0x10400] =	vst v63  }
0x31: {  	s22 =	simm.s32 $0x380  }
0x32: {  	[tilespmem:s14], [sflag:$0x1] =	stream.indirect.gather [hbm4b:s5+s6], $0x80, s22, s6, $0xb8;
	[tilespmem:$0x10400] =	vst v63  }
0x33: {  	_ =	swait.ge [sflag:s9], $0x4000  }
0x34: {  	s25 =	ssub.s32 $0x2, s23;
	[sflag:s9] =	ssyncset.done $0x0  }
0x35: {  	s31 =	sshrl.u32 s25, $0x1;
	[sflag:s9] =	ssyncadd.s32 $0xFFFFC000  }
0x36: {  	s23 =	sadd.s32 $0x416600, s24;
	s24 =	ssub.s32 s25, s31;
	_ =	swait.ge [sflag:s9], $0x4000  }
0x37: {  	s24 =	smax.u32 s24, $0x1;
	[sflag:s9] =	ssyncset.done $0x0  }
0x38: {  	p0 =	sne.s32 s24, $0x1;
	[sflag:s9] =	ssyncadd.s32 $0xFFFFC000  }
0x39: {  	[hbm4b:s23+s2] =	stream.linear.scatter [tilespmem:s12], [sflag:$0x3], $0x8000, $0x38;
	[tilespmem:$0x10400] =	vst v63  }
.Ltmp0:
0x3a: {  	_ =	swait.ge [sflag:s16], $0x8000;
	(pc) =	sbr.rel @!p0 .LBB2_2-.Ltmp0, $4  }
0x3b: {  	[sflag:s16] =	ssyncset.done $0x0  }
0x3c: {  	[sflag:s16] =	ssyncadd.s32 $0xFFFF8000  }
0x3d: {  	_ =	swait.ge [sflag:s19], $0x8000  }
0x3e: {  	s24 =	sadd.s32 $0xFFFFFFFF, s24;
	[sflag:s19] =	ssyncset.done $0x0  }
.LBB2_1:
0x3f: {  	p0 =	sne.s32 s24, $0x1;
	s24 =	sadd.s32 $0xFFFFFFFF, s24;
	[sflag:s19] =	ssyncadd.s32 $0xFFFF8000  }
0x40: {  	[tilespmem:s2], [sflag:$0x4] =	stream.linear.gather [hbm4b:s3+s2], $0x400, $0x38;
	[tilespmem:$0x10400] =	vst v63  }
0x41: {  	_ =	swait.ge [sflag:s4], $0x400  }
0x42: {  	[sflag:s4] =	ssyncset.done $0x0  }
0x43: {  	[sflag:s4] =	ssyncadd.s32 $0xFFFFFC00  }
0x44: {  	[tilespmem:s7], [sflag:$0x1] =	stream.indirect.gather [hbm4b:s5+s6], $0x80, s2, s6, $0xb8;
	[tilespmem:$0x10400] =	vst v63  }
0x45: {  	_ = 	snop  }
0x46: {  	[tilespmem:s8], [sflag:$0x1] =	stream.indirect.gather [hbm4b:s5+s6], $0x80, s6, s6, $0xb8;
	[tilespmem:$0x10400] =	vst v63  }
0x47: {  	_ =	swait.ge [sflag:s9], $0x4000  }
0x48: {  	[sflag:s9] =	ssyncset.done $0x0  }
0x49: {  	[sflag:s9] =	ssyncadd.s32 $0xFFFFC000  }
0x4a: {  	_ =	swait.ge [sflag:s9], $0x4000  }
0x4b: {  	[sflag:s9] =	ssyncset.done $0x0  }
0x4c: {  	[sflag:s9] =	ssyncadd.s32 $0xFFFFC000  }
0x4d: {  	[hbm4b:s10+s2] =	stream.linear.scatter [tilespmem:s7], [sflag:$0x2], $0x8000, $0x38;
	[tilespmem:$0x10400] =	vst v63  }
0x4e: {  	_ = 	snop  }
0x4f: {  	[tilespmem:s12], [sflag:$0x1] =	stream.indirect.gather [hbm4b:s5+s6], $0x80, s11, s6, $0xb8;
	[tilespmem:$0x10400] =	vst v63  }
0x50: {  	_ = 	snop  }
0x51: {  	[tilespmem:s14], [sflag:$0x1] =	stream.indirect.gather [hbm4b:s5+s6], $0x80, s13, s6, $0xb8;
	[tilespmem:$0x10400] =	vst v63  }
0x52: {  	_ =	swait.ge [sflag:s9], $0x4000  }
0x53: {  	[sflag:s9] =	ssyncset.done $0x0  }
0x54: {  	[sflag:s9] =	ssyncadd.s32 $0xFFFFC000  }
0x55: {  	_ =	swait.ge [sflag:s9], $0x4000  }
0x56: {  	[sflag:s9] =	ssyncset.done $0x0  }
0x57: {  	[sflag:s9] =	ssyncadd.s32 $0xFFFFC000  }
0x58: {  	[hbm4b:s15+s2] =	stream.linear.scatter [tilespmem:s12], [sflag:$0x3], $0x8000, $0x38;
	[tilespmem:$0x10400] =	vst v63  }
0x59: {  	_ =	swait.ge [sflag:s16], $0x8000  }
0x5a: {  	[sflag:s16] =	ssyncset.done $0x0  }
0x5b: {  	[sflag:s16] =	ssyncadd.s32 $0xFFFF8000  }
0x5c: {  	[tilespmem:s7], [sflag:$0x1] =	stream.indirect.gather [hbm4b:s5+s6], $0x80, s17, s6, $0xb8;
	[tilespmem:$0x10400] =	vst v63  }
0x5d: {  	_ = 	snop  }
0x5e: {  	[tilespmem:s8], [sflag:$0x1] =	stream.indirect.gather [hbm4b:s5+s6], $0x80, s18, s6, $0xb8;
	[tilespmem:$0x10400] =	vst v63  }
0x5f: {  	_ =	swait.ge [sflag:s9], $0x4000  }
0x60: {  	[sflag:s9] =	ssyncset.done $0x0  }
0x61: {  	[sflag:s9] =	ssyncadd.s32 $0xFFFFC000  }
0x62: {  	_ =	swait.ge [sflag:s9], $0x4000  }
0x63: {  	[sflag:s9] =	ssyncset.done $0x0  }
0x64: {  	[sflag:s9] =	ssyncadd.s32 $0xFFFFC000  }
0x65: {  	[hbm4b:s20+s2] =	stream.linear.scatter [tilespmem:s7], [sflag:$0x2], $0x8000, $0x38;
	[tilespmem:$0x10400] =	vst v63  }
0x66: {  	_ =	swait.ge [sflag:s19], $0x8000  }
0x67: {  	[sflag:s19] =	ssyncset.done $0x0  }
0x68: {  	[sflag:s19] =	ssyncadd.s32 $0xFFFF8000  }
0x69: {  	[tilespmem:s12], [sflag:$0x1] =	stream.indirect.gather [hbm4b:s5+s6], $0x80, s21, s6, $0xb8;
	[tilespmem:$0x10400] =	vst v63  }
0x6a: {  	_ = 	snop  }
0x6b: {  	[tilespmem:s14], [sflag:$0x1] =	stream.indirect.gather [hbm4b:s5+s6], $0x80, s22, s6, $0xb8;
	[tilespmem:$0x10400] =	vst v63  }
0x6c: {  	_ =	swait.ge [sflag:s9], $0x4000  }
0x6d: {  	[sflag:s9] =	ssyncset.done $0x0  }
0x6e: {  	[sflag:s9] =	ssyncadd.s32 $0xFFFFC000  }
0x6f: {  	_ =	swait.ge [sflag:s9], $0x4000  }
0x70: {  	[sflag:s9] =	ssyncset.done $0x0  }
0x71: {  	[sflag:s9] =	ssyncadd.s32 $0xFFFFC000  }
0x72: {  	[hbm4b:s23+s2] =	stream.linear.scatter [tilespmem:s12], [sflag:$0x3], $0x8000, $0x38;
	[tilespmem:$0x10400] =	vst v63  }
.Ltmp1:
0x73: {  	_ =	swait.ge [sflag:s16], $0x8000;
	(pc) =	sbr.rel @p0 .LBB2_1-.Ltmp1, $4  }
0x74: {  	[sflag:s16] =	ssyncset.done $0x0  }
0x75: {  	[sflag:s16] =	ssyncadd.s32 $0xFFFF8000  }
0x76: {  	_ =	swait.ge [sflag:s19], $0x8000  }
0x77: {  	[sflag:s19] =	ssyncset.done $0x0  }
.LBB2_2:
0x78: {  	[sflag:s19] =	ssyncadd.s32 $0xFFFF8000  }
0x79: {  	_ =	sfence.sel $0x180000  }
0x7a: {  	[bflag:$0x0] =	sbarrier.arrive $0xFFFF  }
0x7b: {  	p0 =	sne.s32 s0, $0x0;
	_ =	strace $0x90000050  }
0x7c: {  	s0 =	sadd.s32 @!p0 $0x100000, s1;
	[bflag:$0x2] =	sbarrier.arrive $0xFFFF  }
0x7d: {  	[sflag:s0] =	ssyncadd.tile.s32 @!p0 $0x1;
	_ =	shalt  }
.Lfunc_end2:
_tile_overlayer_lowered:
.L_overlay_start_2:
0x7e: {  	(tag) =	ssettag $0x2  }
0x7f: {  	s0 =	rddreg [dreg:$0x0];
	s2 =	stileid.u32  }
0x80: {  	s1 =	rddreg [dreg:$0x1];
	p0 =	sne.s32 s2, $0x0  }
0x81: {  	s3 =	rddreg [dreg:$0x2];
	[bflag:$0x3] =	sbarrier.arrive $0xFFFF;
	s2 =	simm.s32 @!p0 $0x1C04  }
0x82: {  	[timem:s3], [sflag:s2] =	dma.local @!p0 [hbm:s0], s1  }
0x83: {  	s0 =	simm.s32 @!p0 $0x4  }
0x84: {  	_ =	swait.ge @!p0 [sflag:s0], s1  }
0x85: {  	s1 =	ssub.s32 @!p0 $0x0, s1;
	[sflag:s0] =	ssyncset.done @!p0 $0x0  }
0x86: {  	[sflag:s0] =	ssyncadd.s32 @!p0 s1  }
0x87: {  	[bflag:$0x3] =	sbarrier.arrive $0xFFFF  }
0x88: {  	_ =	shalt  }

</sc_bundles>
